<compile_context>
chip_gen: v7x
topology: tpu7x:2x2x1
jax: 0.10.2.dev20260603
libtpu: 0.0.44.dev20260713+nightly
codegen_flags: <defaults>
</compile_context>

<pallas_src>
import functools

import jax
import jax.numpy as jnp
from jax import lax
from jax.experimental import pallas as pl
from jax.experimental.pallas import tpu as pltpu
from jax.experimental.pallas import tpu_sc as plsc

_N = 10000
_E = 320000
_D = 128
_NC = 2
_NS = 16
_NW = _NC * _NS
_EPW = _E // _NW
_K = 80
_GB = _EPW // _K
_RPT = 624
_TAIL = _N - _NS * _RPT

_mesh = plsc.VectorSubcoreMesh(core_axis_name="c", subcore_axis_name="s")


def _deg_body(dst_hbm, zeros_hbm, deg0_out, deg1_out, didx_v, ones_v, sem,
              deg_acc):
  c = lax.axis_index("c")
  s = lax.axis_index("s")
  wid = c * _NS + s
  for i in range(_K // 16):
    ones_v[pl.ds(i * 16, 16)] = jnp.ones((16,), jnp.float32)

  @pl.when(s == 0)
  def _():
    pltpu.sync_copy(zeros_hbm, deg_acc)

  pltpu.sync_copy(dst_hbm.at[wid], didx_v)
  plsc.subcore_barrier()

  def body(g, carry):
    pltpu.async_copy(ones_v, deg_acc.at[didx_v.at[g]], sem, add=True)

    @pl.when(g >= 7)
    def _():
      pltpu.make_async_copy(ones_v, deg_acc.at[didx_v.at[0]], sem).wait()

    return carry

  lax.fori_loop(0, _GB, body, 0)

  def drain(g, carry):
    pltpu.make_async_copy(ones_v, deg_acc.at[didx_v.at[0]], sem).wait()
    return carry

  lax.fori_loop(0, 7, drain, 0)
  plsc.subcore_barrier()

  @pl.when(jnp.logical_and(s == 0, c == 0))
  def _():
    pltpu.sync_copy(deg_acc, deg0_out)

  @pl.when(jnp.logical_and(s == 0, c == 1))
  def _():
    pltpu.sync_copy(deg_acc, deg1_out)


_deg_kernel = functools.partial(
    pl.kernel,
    out_type=[jax.ShapeDtypeStruct((_N,), jnp.float32),
              jax.ShapeDtypeStruct((_N,), jnp.float32)],
    mesh=_mesh,
    scratch_types=[
        pltpu.VMEM((_GB, _K), jnp.int32),
        pltpu.VMEM((_K,), jnp.float32),
        pltpu.SemaphoreType.DMA,
        pltpu.VMEM_SHARED((_N,), jnp.float32),
    ],
)(_deg_body)


def _prop_body(y_hbm, src_hbm, dst_hbm, out0_hbm, out1_hbm,
               sidx_v, didx3, rows0, rows1, rows2,
               sg0, sg1, sg2, si0, si1, si2, acc):
  c = lax.axis_index("c")
  s = lax.axis_index("s")
  wid = c * _NS + s
  rows = (rows0, rows1, rows2)
  sg = (sg0, sg1, sg2)
  si = (si0, si1, si2)

  def zbody(r, carry):
    for cc in range(_D // 16):
      rows0[r, pl.ds(cc * 16, 16)] = jnp.zeros((16,), jnp.float32)
    return carry

  lax.fori_loop(0, _K, zbody, 0)
  for i in range(_RPT // _K):
    pltpu.sync_copy(rows0, acc.at[pl.ds(s * _RPT + i * _K, _K)])
  pltpu.sync_copy(rows0.at[pl.ds(0, _RPT % _K)],
                  acc.at[pl.ds(s * _RPT + (_RPT // _K) * _K, _RPT % _K)])

  @pl.when(s == 0)
  def _():
    pltpu.sync_copy(rows0.at[pl.ds(0, _TAIL)],
                    acc.at[pl.ds(_NS * _RPT, _TAIL)])

  pltpu.sync_copy(src_hbm.at[wid], sidx_v)
  plsc.subcore_barrier()

  def _sidx(g):
    return sidx_v.at[pl.ds(g * _K, _K)]

  for j in range(3):
    pltpu.async_copy(dst_hbm.at[wid, j], didx3.at[j], si[j])
    pltpu.async_copy(y_hbm.at[_sidx(j)], rows[j], sg[j])

  def body(sb, carry):
    for j in range(3):
      b = 3 * sb + j
      pltpu.make_async_copy(y_hbm.at[_sidx(b)], rows[j], sg[j]).wait()
      pltpu.make_async_copy(dst_hbm.at[wid, b], didx3.at[j], si[j]).wait()
      pltpu.sync_copy(rows[j], acc.at[didx3.at[j, 0]], add=True)

      @pl.when(b + 3 < _GB)
      def _():
        pltpu.async_copy(dst_hbm.at[wid, b + 3], didx3.at[j], si[j])
        pltpu.async_copy(y_hbm.at[_sidx(b + 3)], rows[j], sg[j])

    return carry

  lax.fori_loop(0, _GB // 3, body, 0)
  for j in range(_GB - 3 * (_GB // 3)):
    b = 3 * (_GB // 3) + j
    pltpu.make_async_copy(y_hbm.at[_sidx(b)], rows[j], sg[j]).wait()
    pltpu.make_async_copy(dst_hbm.at[wid, b], didx3.at[j], si[j]).wait()
    pltpu.sync_copy(rows[j], acc.at[didx3.at[j, 0]], add=True)
  plsc.subcore_barrier()

  @pl.when(c == 0)
  def _():
    pltpu.sync_copy(acc.at[pl.ds(s * _RPT, _RPT)],
                    out0_hbm.at[pl.ds(s * _RPT, _RPT)])

  @pl.when(c == 1)
  def _():
    pltpu.sync_copy(acc.at[pl.ds(s * _RPT, _RPT)],
                    out1_hbm.at[pl.ds(s * _RPT, _RPT)])

  @pl.when(jnp.logical_and(s == 0, c == 0))
  def _():
    pltpu.sync_copy(acc.at[pl.ds(_NS * _RPT, _TAIL)],
                    out0_hbm.at[pl.ds(_NS * _RPT, _TAIL)])

  @pl.when(jnp.logical_and(s == 0, c == 1))
  def _():
    pltpu.sync_copy(acc.at[pl.ds(_NS * _RPT, _TAIL)],
                    out1_hbm.at[pl.ds(_NS * _RPT, _TAIL)])


_prop_kernel = functools.partial(
    pl.kernel,
    out_type=[jax.ShapeDtypeStruct((_N, _D), jnp.float32),
              jax.ShapeDtypeStruct((_N, _D), jnp.float32)],
    mesh=_mesh,
    scratch_types=(
        [pltpu.VMEM((_EPW,), jnp.int32),
         pltpu.VMEM((3, 1, _K), jnp.int32)]
        + [pltpu.VMEM((_K, _D), jnp.float32)] * 3
        + [pltpu.SemaphoreType.DMA] * 6
        + [pltpu.VMEM_SHARED((_N, _D), jnp.float32)]
    ),
)(_prop_body)


def _enc1_body(degT_ref, x_ref, w1_ref, y1_ref, dinv_ref):
  deg = degT_ref[:, 0:1] + degT_ref[:, 1:2] + 1.0
  dinv = lax.rsqrt(deg)
  xw = jnp.dot(x_ref[...], w1_ref[...], preferred_element_type=jnp.float32)
  y1_ref[...] = dinv * xw
  dinv_ref[...] = dinv


def _mid_body(p0_ref, p1_ref, y1_ref, dinv_ref, b1_ref, w2_ref, y2_ref):
  dinv = dinv_ref[...]
  h = dinv * (p0_ref[...] + p1_ref[...] + y1_ref[...]) + b1_ref[...]
  h = jnp.maximum(h, 0.0)
  y2_ref[...] = dinv * jnp.dot(h, w2_ref[...],
                               preferred_element_type=jnp.float32)


def _dec_body(q0_ref, q1_ref, y2_ref, dinv_ref, b2_ref, wmu_ref, bmu_ref,
              wlv_ref, blv_ref, eps_ref, wd1_ref, bd1_ref, wd2_ref, bd2_ref,
              out_ref):
  h = dinv_ref[...] * (q0_ref[...] + q1_ref[...] + y2_ref[...]) + b2_ref[...]
  h = jnp.maximum(h, 0.0)
  hg = jnp.sum(h, axis=0, keepdims=True) * (1.0 / _N)
  mu = jnp.dot(hg, wmu_ref[...], preferred_element_type=jnp.float32)
  mu = mu + bmu_ref[...]
  lv = jnp.dot(hg, wlv_ref[...], preferred_element_type=jnp.float32)
  lv = lv + blv_ref[...]
  z = mu + jnp.exp(0.5 * lv) * eps_ref[...]
  hd = jnp.dot(z, wd1_ref[...], preferred_element_type=jnp.float32)
  hd = jnp.maximum(hd + bd1_ref[...], 0.0)
  o = jnp.dot(hd, wd2_ref[...], preferred_element_type=jnp.float32)
  out_ref[...] = jnp.tanh(o + bd2_ref[...])


def _tc_call(body, out_shapes):
  return pl.pallas_call(body, out_shape=out_shapes)


def kernel(x, edge_index, batch, eps, W1, b1, W2, b2, Wmu, bmu, Wlv, blv,
           Wd1, bd1, Wd2, bd2):
  del batch
  src = edge_index[0].reshape(_NW, _EPW)
  dst = edge_index[1].reshape(_NW, _GB, _K)
  dst4 = edge_index[1].reshape(_NW, _GB, 1, _K)
  zeros1 = jnp.zeros((_N,), jnp.float32)

  deg0, deg1 = _deg_kernel(dst, zeros1)
  degT = jnp.stack([deg0, deg1], axis=1)

  y1, dinv = _tc_call(
      _enc1_body,
      [jax.ShapeDtypeStruct((_N, _D), jnp.float32),
       jax.ShapeDtypeStruct((_N, 1), jnp.float32)],
  )(degT, x, W1)

  p0, p1 = _prop_kernel(y1, src, dst4)

  y2 = _tc_call(
      _mid_body, jax.ShapeDtypeStruct((_N, _D), jnp.float32)
  )(p0, p1, y1, dinv, b1.reshape(1, _D), W2)

  q0, q1 = _prop_kernel(y2, src, dst4)

  out = _tc_call(
      _dec_body, jax.ShapeDtypeStruct((1, _N), jnp.float32)
  )(q0, q1, y2, dinv, b2.reshape(1, _D), Wmu, bmu.reshape(1, -1),
    Wlv, blv.reshape(1, -1), eps, Wd1, bd1.reshape(1, -1), Wd2,
    bd2.reshape(1, -1))
  return out

# --- scband reference (transcript-rebuilt; emitter-appended) ---
"""Pipeline reference for scband-gnn-vae-rg-91182155694152 (READ-ONLY COPY).

The authoritative reference and input builder live on the scoring server;
editing this copy changes nothing except your own understanding.
"""

import jax, jax.numpy as jnp
import numpy as np

N = 10000
E = 320000
D_IN = 128
HID = 128
LAT = 64
NUM_NODES = 10000
B = 1


def _glorot(key, shape):
    fan_in = shape[0]
    return jax.random.normal(key, shape, dtype=jnp.float32) / np.sqrt(float(fan_in))


def setup_inputs(seed: int = 0) -> dict:
    key = jax.random.key(seed)
    ks = jax.random.split(key, 16)
    x = jax.random.normal(ks[0], (N, D_IN), dtype=jnp.float32)
    edge_index = jax.random.randint(ks[1], (2, E), 0, N, dtype=jnp.int32)
    batch = jnp.zeros((N,), dtype=jnp.int32)
    eps = jax.random.normal(ks[2], (B, LAT), dtype=jnp.float32)
    W1 = _glorot(ks[3], (D_IN, HID))
    b1 = jnp.zeros((HID,), dtype=jnp.float32)
    W2 = _glorot(ks[4], (HID, HID))
    b2 = jnp.zeros((HID,), dtype=jnp.float32)
    Wmu = _glorot(ks[5], (HID, LAT))
    bmu = jnp.zeros((LAT,), dtype=jnp.float32)
    Wlv = _glorot(ks[6], (HID, LAT))
    blv = jnp.zeros((LAT,), dtype=jnp.float32)
    Wd1 = _glorot(ks[7], (LAT, HID))
    bd1 = jnp.zeros((HID,), dtype=jnp.float32)
    Wd2 = _glorot(ks[8], (HID, NUM_NODES))
    bd2 = jnp.zeros((NUM_NODES,), dtype=jnp.float32)
    return {"x": x, "edge_index": edge_index, "batch": batch, "eps": eps,
            "W1": W1, "b1": b1, "W2": W2, "b2": b2,
            "Wmu": Wmu, "bmu": bmu, "Wlv": Wlv, "blv": blv,
            "Wd1": Wd1, "bd1": bd1, "Wd2": Wd2, "bd2": bd2}


def _gcn_conv(x, src, dst, W, b):
    # torch_geometric GCNConv: add self-loops + symmetric normalization
    n = x.shape[0]
    loop = jnp.arange(n, dtype=src.dtype)
    s = jnp.concatenate([src, loop])
    d = jnp.concatenate([dst, loop])
    deg = jax.ops.segment_sum(jnp.ones_like(s, dtype=jnp.float32), d, num_segments=n)
    dinv = jnp.where(deg > 0, deg, 1.0) ** -0.5
    norm = dinv[s] * dinv[d]
    msg = x[s] * norm[:, None]
    agg = jax.ops.segment_sum(msg, d, num_segments=n)
    return agg @ W + b


def reference(x, edge_index, batch, eps, W1, b1, W2, b2, Wmu, bmu, Wlv, blv, Wd1, bd1, Wd2, bd2):
    src, dst = edge_index[0], edge_index[1]
    # GNNEncoder: two GCN layers + global mean pool
    h = jax.nn.relu(_gcn_conv(x, src, dst, W1, b1))
    h = jax.nn.relu(_gcn_conv(h, src, dst, W2, b2))
    nb = eps.shape[0]
    sums = jax.ops.segment_sum(h, batch, num_segments=nb)
    cnt = jax.ops.segment_sum(jnp.ones((h.shape[0],), dtype=jnp.float32), batch, num_segments=nb)
    hg = sums / jnp.maximum(cnt, 1.0)[:, None]
    mu = hg @ Wmu + bmu
    logvar = hg @ Wlv + blv
    # reparameterization with externally supplied eps (deterministic)
    z = mu + jnp.exp(0.5 * logvar) * eps
    # GraphDecoder (MLP, out_mode='tanh')
    hdec = jax.nn.relu(z @ Wd1 + bd1)
    out = jnp.tanh(hdec @ Wd2 + bd2)
    return out

if __name__ == "__main__":
    import jax
    _d = setup_inputs()
    print(jax.jit(kernel)(*tuple(_d.values())))

</pallas_src>

<mosaic_0001>
#map = affine_map<(d0, d1) -> (0, 0)>
#map1 = affine_map<(d0, d1) -> (0, 0, 0, 0)>
module attributes {stable_mosaic.version = 14 : i64} {
  func.func @_prop_body(%arg0: i32, %arg1: i32, %arg2: memref<10000x128xf32, #tpu.memory_space<hbm>>, %arg3: memref<32x10000xi32, #tpu.memory_space<hbm>>, %arg4: memref<32x125x1x80xi32, #tpu.memory_space<hbm>>, %arg5: memref<10000x128xf32, #tpu.memory_space<hbm>>, %arg6: memref<10000x128xf32, #tpu.memory_space<hbm>>, %arg7: memref<10000xi32, #tpu.memory_space<vmem>>, %arg8: memref<3x1x80xi32, #tpu.memory_space<vmem>>, %arg9: memref<80x128xf32, #tpu.memory_space<vmem>>, %arg10: memref<80x128xf32, #tpu.memory_space<vmem>>, %arg11: memref<80x128xf32, #tpu.memory_space<vmem>>, %arg12: memref<!tpu.dma_semaphore, #tpu.memory_space<semaphore_mem>>, %arg13: memref<!tpu.dma_semaphore, #tpu.memory_space<semaphore_mem>>, %arg14: memref<!tpu.dma_semaphore, #tpu.memory_space<semaphore_mem>>, %arg15: memref<!tpu.dma_semaphore, #tpu.memory_space<semaphore_mem>>, %arg16: memref<!tpu.dma_semaphore, #tpu.memory_space<semaphore_mem>>, %arg17: memref<!tpu.dma_semaphore, #tpu.memory_space<semaphore_mem>>, %arg18: memref<10000x128xf32, #tpu.memory_space<vmem_shared>>) attributes {dimension_semantics = [#tpu.dimension_semantics<core_parallel>, #tpu.dimension_semantics<subcore_parallel>], iteration_bounds = array<i64: 2, 16>, scalar_prefetch = 0 : i64, scratch_operands = 12 : i64, tpu.core_type = #tpu.core_type<sc_vector_subcore>, window_params = [{transform_indices = #map}, {transform_indices = #map}, {transform_indices = #map1}, {transform_indices = #map}, {transform_indices = #map}]} {
    %mul3A = arith.constant 16 : i32
    %mul3A_0 = arith.muli %arg0, %mul3A : i32
    %add3A = arith.addi %mul3A_0, %arg1 : i32
    %scan3A = arith.constant 0 : i32
    %scan3A_1 = arith.constant 0 : i32
    %scan3A_2 = arith.constant 80 : i32
    %scan3A_3 = arith.addi %scan3A_1, %scan3A_2 : i32
    %scan3A_4 = arith.constant 1 : i32
    scf.for %scan3A_188 = %scan3A_1 to %scan3A_3 step %scan3A_4  : i32 {
      %broadcast_in_dim3A = arith.constant 0.000000e+00 : f32
      %broadcast_in_dim3A_189 = vector.broadcast %broadcast_in_dim3A : f32 to vector<16xf32>
      %swap3A = arith.index_cast %scan3A_188 : i32 to index
      %swap3A_190 = arith.constant 0 : index
      %swap3A_191 = tpu.vector_load %arg9[%swap3A, %swap3A_190] {strides = array<i32>} : memref<80x128xf32, #tpu.memory_space<vmem>>, vector<1x16xf32>,
      %swap3A_192 = vector.shape_cast %swap3A_191 : vector<1x16xf32> to vector<16xf32>
      %swap3A_193 = vector.shape_cast %broadcast_in_dim3A_189 : vector<16xf32> to vector<1x16xf32>
      tpu.vector_store %arg9[%swap3A, %swap3A_190], %swap3A_193 {strides = array<i32>} : memref<80x128xf32, #tpu.memory_space<vmem>>, vector<1x16xf32>,
      %broadcast_in_dim3A_194 = arith.constant 0.000000e+00 : f32
      %broadcast_in_dim3A_195 = vector.broadcast %broadcast_in_dim3A_194 : f32 to vector<16xf32>
      %swap3A_196 = arith.index_cast %scan3A_188 : i32 to index
      %swap3A_197 = arith.constant 16 : index
      %swap3A_198 = tpu.vector_load %arg9[%swap3A_196, %swap3A_197] {strides = array<i32>} : memref<80x128xf32, #tpu.memory_space<vmem>>, vector<1x16xf32>,
      %swap3A_199 = vector.shape_cast %swap3A_198 : vector<1x16xf32> to vector<16xf32>
      %swap3A_200 = vector.shape_cast %broadcast_in_dim3A_195 : vector<16xf32> to vector<1x16xf32>
      tpu.vector_store %arg9[%swap3A_196, %swap3A_197], %swap3A_200 {strides = array<i32>} : memref<80x128xf32, #tpu.memory_space<vmem>>, vector<1x16xf32>,
      %broadcast_in_dim3A_201 = arith.constant 0.000000e+00 : f32
      %broadcast_in_dim3A_202 = vector.broadcast %broadcast_in_dim3A_201 : f32 to vector<16xf32>
      %swap3A_203 = arith.index_cast %scan3A_188 : i32 to index
      %swap3A_204 = arith.constant 32 : index
      %swap3A_205 = tpu.vector_load %arg9[%swap3A_203, %swap3A_204] {strides = array<i32>} : memref<80x128xf32, #tpu.memory_space<vmem>>, vector<1x16xf32>,
      %swap3A_206 = vector.shape_cast %swap3A_205 : vector<1x16xf32> to vector<16xf32>
      %swap3A_207 = vector.shape_cast %broadcast_in_dim3A_202 : vector<16xf32> to vector<1x16xf32>
      tpu.vector_store %arg9[%swap3A_203, %swap3A_204], %swap3A_207 {strides = array<i32>} : memref<80x128xf32, #tpu.memory_space<vmem>>, vector<1x16xf32>,
      %broadcast_in_dim3A_208 = arith.constant 0.000000e+00 : f32
      %broadcast_in_dim3A_209 = vector.broadcast %broadcast_in_dim3A_208 : f32 to vector<16xf32>
      %swap3A_210 = arith.index_cast %scan3A_188 : i32 to index
      %swap3A_211 = arith.constant 48 : index
      %swap3A_212 = tpu.vector_load %arg9[%swap3A_210, %swap3A_211] {strides = array<i32>} : memref<80x128xf32, #tpu.memory_space<vmem>>, vector<1x16xf32>,
      %swap3A_213 = vector.shape_cast %swap3A_212 : vector<1x16xf32> to vector<16xf32>
      %swap3A_214 = vector.shape_cast %broadcast_in_dim3A_209 : vector<16xf32> to vector<1x16xf32>
      tpu.vector_store %arg9[%swap3A_210, %swap3A_211], %swap3A_214 {strides = array<i32>} : memref<80x128xf32, #tpu.memory_space<vmem>>, vector<1x16xf32>,
      %broadcast_in_dim3A_215 = arith.constant 0.000000e+00 : f32
      %broadcast_in_dim3A_216 = vector.broadcast %broadcast_in_dim3A_215 : f32 to vector<16xf32>
      %swap3A_217 = arith.index_cast %scan3A_188 : i32 to index
      %swap3A_218 = arith.constant 64 : index
      %swap3A_219 = tpu.vector_load %arg9[%swap3A_217, %swap3A_218] {strides = array<i32>} : memref<80x128xf32, #tpu.memory_space<vmem>>, vector<1x16xf32>,
      %swap3A_220 = vector.shape_cast %swap3A_219 : vector<1x16xf32> to vector<16xf32>
      %swap3A_221 = vector.shape_cast %broadcast_in_dim3A_216 : vector<16xf32> to vector<1x16xf32>
      tpu.vector_store %arg9[%swap3A_217, %swap3A_218], %swap3A_221 {strides = array<i32>} : memref<80x128xf32, #tpu.memory_space<vmem>>, vector<1x16xf32>,
      %broadcast_in_dim3A_222 = arith.constant 0.000000e+00 : f32
      %broadcast_in_dim3A_223 = vector.broadcast %broadcast_in_dim3A_222 : f32 to vector<16xf32>
      %swap3A_224 = arith.index_cast %scan3A_188 : i32 to index
      %swap3A_225 = arith.constant 80 : index
      %swap3A_226 = tpu.vector_load %arg9[%swap3A_224, %swap3A_225] {strides = array<i32>} : memref<80x128xf32, #tpu.memory_space<vmem>>, vector<1x16xf32>,
      %swap3A_227 = vector.shape_cast %swap3A_226 : vector<1x16xf32> to vector<16xf32>
      %swap3A_228 = vector.shape_cast %broadcast_in_dim3A_223 : vector<16xf32> to vector<1x16xf32>
      tpu.vector_store %arg9[%swap3A_224, %swap3A_225], %swap3A_228 {strides = array<i32>} : memref<80x128xf32, #tpu.memory_space<vmem>>, vector<1x16xf32>,
      %broadcast_in_dim3A_229 = arith.constant 0.000000e+00 : f32
      %broadcast_in_dim3A_230 = vector.broadcast %broadcast_in_dim3A_229 : f32 to vector<16xf32>
      %swap3A_231 = arith.index_cast %scan3A_188 : i32 to index
      %swap3A_232 = arith.constant 96 : index
      %swap3A_233 = tpu.vector_load %arg9[%swap3A_231, %swap3A_232] {strides = array<i32>} : memref<80x128xf32, #tpu.memory_space<vmem>>, vector<1x16xf32>,
      %swap3A_234 = vector.shape_cast %swap3A_233 : vector<1x16xf32> to vector<16xf32>
      %swap3A_235 = vector.shape_cast %broadcast_in_dim3A_230 : vector<16xf32> to vector<1x16xf32>
      tpu.vector_store %arg9[%swap3A_231, %swap3A_232], %swap3A_235 {strides = array<i32>} : memref<80x128xf32, #tpu.memory_space<vmem>>, vector<1x16xf32>,
      %broadcast_in_dim3A_236 = arith.constant 0.000000e+00 : f32
      %broadcast_in_dim3A_237 = vector.broadcast %broadcast_in_dim3A_236 : f32 to vector<16xf32>
      %swap3A_238 = arith.index_cast %scan3A_188 : i32 to index
      %swap3A_239 = arith.constant 112 : index
      %swap3A_240 = tpu.vector_load %arg9[%swap3A_238, %swap3A_239] {strides = array<i32>} : memref<80x128xf32, #tpu.memory_space<vmem>>, vector<1x16xf32>,
      %swap3A_241 = vector.shape_cast %swap3A_240 : vector<1x16xf32> to vector<16xf32>
      %swap3A_242 = vector.shape_cast %broadcast_in_dim3A_237 : vector<16xf32> to vector<1x16xf32>
      tpu.vector_store %arg9[%swap3A_238, %swap3A_239], %swap3A_242 {strides = array<i32>} : memref<80x128xf32, #tpu.memory_space<vmem>>, vector<1x16xf32>,
    }
    %scan3A_5 = arith.constant 80 : i32
    %mul3A_6 = arith.constant 624 : i32
    %mul3A_7 = arith.muli %arg1, %mul3A_6 : i32
    %add3A_8 = arith.constant 0 : i32
    %add3A_9 = arith.addi %mul3A_7, %add3A_8 : i32
    "tpu.region"() ({
      %run_scoped3A_188 = tpu.sem_alloc : memref<!tpu.dma_semaphore, #tpu.memory_space<semaphore_mem>>
      %dma_start3A_189 = arith.constant 0 : i32
      %dma_start3A_190 = tpu.memref_slice %arg18[%add3A_9, %dma_start3A_189] : memref<10000x128xf32, #tpu.memory_space<vmem_shared>> -> memref<80x128xf32, #tpu.memory_space<vmem_shared>>
      %dma_start3A_191 = arith.constant 0 : i32
      %dma_start3A_192 = tpu.memref_slice %arg18[%add3A_9, %dma_start3A_191] : memref<10000x128xf32, #tpu.memory_space<vmem_shared>> -> memref<80x128xf32, #tpu.memory_space<vmem_shared>>
      tpu.enqueue_dma source(%arg9 : memref<80x128xf32, #tpu.memory_space<vmem>>) target(%dma_start3A_192 : memref<80x128xf32, #tpu.memory_space<vmem_shared>>) target_semaphore(%run_scoped3A_188 : memref<!tpu.dma_semaphore, #tpu.memory_space<semaphore_mem>>)
      %dma_wait3A_193 = arith.constant 0 : i32
      %dma_wait3A_194 = tpu.memref_slice %arg18[%add3A_9, %dma_wait3A_193] : memref<10000x128xf32, #tpu.memory_space<vmem_shared>> -> memref<80x128xf32, #tpu.memory_space<vmem_shared>>
      %dma_wait3A_195 = arith.constant 0 : i32
      %dma_wait3A_196 = tpu.memref_slice %arg18[%add3A_9, %dma_wait3A_195] : memref<10000x128xf32, #tpu.memory_space<vmem_shared>> -> memref<80x128xf32, #tpu.memory_space<vmem_shared>>
      tpu.wait_dma2 semaphore(%run_scoped3A_188 : memref<!tpu.dma_semaphore, #tpu.memory_space<semaphore_mem>>) src(%arg9 : memref<80x128xf32, #tpu.memory_space<vmem>>) dst(%dma_wait3A_196 : memref<80x128xf32, #tpu.memory_space<vmem_shared>>)
      tpu.yield
    }) : () -> ()
    %mul3A_10 = arith.constant 624 : i32
    %mul3A_11 = arith.muli %arg1, %mul3A_10 : i32
    %add3A_12 = arith.constant 80 : i32
    %add3A_13 = arith.addi %mul3A_11, %add3A_12 : i32
    "tpu.region"() ({
      %run_scoped3A_188 = tpu.sem_alloc : memref<!tpu.dma_semaphore, #tpu.memory_space<semaphore_mem>>
      %dma_start3A_189 = arith.constant 0 : i32
      %dma_start3A_190 = tpu.memref_slice %arg18[%add3A_13, %dma_start3A_189] : memref<10000x128xf32, #tpu.memory_space<vmem_shared>> -> memref<80x128xf32, #tpu.memory_space<vmem_shared>>
      %dma_start3A_191 = arith.constant 0 : i32
      %dma_start3A_192 = tpu.memref_slice %arg18[%add3A_13, %dma_start3A_191] : memref<10000x128xf32, #tpu.memory_space<vmem_shared>> -> memref<80x128xf32, #tpu.memory_space<vmem_shared>>
      tpu.enqueue_dma source(%arg9 : memref<80x128xf32, #tpu.memory_space<vmem>>) target(%dma_start3A_192 : memref<80x128xf32, #tpu.memory_space<vmem_shared>>) target_semaphore(%run_scoped3A_188 : memref<!tpu.dma_semaphore, #tpu.memory_space<semaphore_mem>>)
      %dma_wait3A_193 = arith.constant 0 : i32
      %dma_wait3A_194 = tpu.memref_slice %arg18[%add3A_13, %dma_wait3A_193] : memref<10000x128xf32, #tpu.memory_space<vmem_shared>> -> memref<80x128xf32, #tpu.memory_space<vmem_shared>>
      %dma_wait3A_195 = arith.constant 0 : i32
      %dma_wait3A_196 = tpu.memref_slice %arg18[%add3A_13, %dma_wait3A_195] : memref<10000x128xf32, #tpu.memory_space<vmem_shared>> -> memref<80x128xf32, #tpu.memory_space<vmem_shared>>
      tpu.wait_dma2 semaphore(%run_scoped3A_188 : memref<!tpu.dma_semaphore, #tpu.memory_space<semaphore_mem>>) src(%arg9 : memref<80x128xf32, #tpu.memory_space<vmem>>) dst(%dma_wait3A_196 : memref<80x128xf32, #tpu.memory_space<vmem_shared>>)
      tpu.yield
    }) : () -> ()
    %mul3A_14 = arith.constant 624 : i32
    %mul3A_15 = arith.muli %arg1, %mul3A_14 : i32
    %add3A_16 = arith.constant 160 : i32
    %add3A_17 = arith.addi %mul3A_15, %add3A_16 : i32
    "tpu.region"() ({
      %run_scoped3A_188 = tpu.sem_alloc : memref<!tpu.dma_semaphore, #tpu.memory_space<semaphore_mem>>
      %dma_start3A_189 = arith.constant 0 : i32
      %dma_start3A_190 = tpu.memref_slice %arg18[%add3A_17, %dma_start3A_189] : memref<10000x128xf32, #tpu.memory_space<vmem_shared>> -> memref<80x128xf32, #tpu.memory_space<vmem_shared>>
      %dma_start3A_191 = arith.constant 0 : i32
      %dma_start3A_192 = tpu.memref_slice %arg18[%add3A_17, %dma_start3A_191] : memref<10000x128xf32, #tpu.memory_space<vmem_shared>> -> memref<80x128xf32, #tpu.memory_space<vmem_shared>>
      tpu.enqueue_dma source(%arg9 : memref<80x128xf32, #tpu.memory_space<vmem>>) target(%dma_start3A_192 : memref<80x128xf32, #tpu.memory_space<vmem_shared>>) target_semaphore(%run_scoped3A_188 : memref<!tpu.dma_semaphore, #tpu.memory_space<semaphore_mem>>)
      %dma_wait3A_193 = arith.constant 0 : i32
      %dma_wait3A_194 = tpu.memref_slice %arg18[%add3A_17, %dma_wait3A_193] : memref<10000x128xf32, #tpu.memory_space<vmem_shared>> -> memref<80x128xf32, #tpu.memory_space<vmem_shared>>
      %dma_wait3A_195 = arith.constant 0 : i32
      %dma_wait3A_196 = tpu.memref_slice %arg18[%add3A_17, %dma_wait3A_195] : memref<10000x128xf32, #tpu.memory_space<vmem_shared>> -> memref<80x128xf32, #tpu.memory_space<vmem_shared>>
      tpu.wait_dma2 semaphore(%run_scoped3A_188 : memref<!tpu.dma_semaphore, #tpu.memory_space<semaphore_mem>>) src(%arg9 : memref<80x128xf32, #tpu.memory_space<vmem>>) dst(%dma_wait3A_196 : memref<80x128xf32, #tpu.memory_space<vmem_shared>>)
      tpu.yield
    }) : () -> ()
    %mul3A_18 = arith.constant 624 : i32
    %mul3A_19 = arith.muli %arg1, %mul3A_18 : i32
    %add3A_20 = arith.constant 240 : i32
    %add3A_21 = arith.addi %mul3A_19, %add3A_20 : i32
    "tpu.region"() ({
      %run_scoped3A_188 = tpu.sem_alloc : memref<!tpu.dma_semaphore, #tpu.memory_space<semaphore_mem>>
      %dma_start3A_189 = arith.constant 0 : i32
      %dma_start3A_190 = tpu.memref_slice %arg18[%add3A_21, %dma_start3A_189] : memref<10000x128xf32, #tpu.memory_space<vmem_shared>> -> memref<80x128xf32, #tpu.memory_space<vmem_shared>>
      %dma_start3A_191 = arith.constant 0 : i32
      %dma_start3A_192 = tpu.memref_slice %arg18[%add3A_21, %dma_start3A_191] : memref<10000x128xf32, #tpu.memory_space<vmem_shared>> -> memref<80x128xf32, #tpu.memory_space<vmem_shared>>
      tpu.enqueue_dma source(%arg9 : memref<80x128xf32, #tpu.memory_space<vmem>>) target(%dma_start3A_192 : memref<80x128xf32, #tpu.memory_space<vmem_shared>>) target_semaphore(%run_scoped3A_188 : memref<!tpu.dma_semaphore, #tpu.memory_space<semaphore_mem>>)
      %dma_wait3A_193 = arith.constant 0 : i32
      %dma_wait3A_194 = tpu.memref_slice %arg18[%add3A_21, %dma_wait3A_193] : memref<10000x128xf32, #tpu.memory_space<vmem_shared>> -> memref<80x128xf32, #tpu.memory_space<vmem_shared>>
      %dma_wait3A_195 = arith.constant 0 : i32
      %dma_wait3A_196 = tpu.memref_slice %arg18[%add3A_21, %dma_wait3A_195] : memref<10000x128xf32, #tpu.memory_space<vmem_shared>> -> memref<80x128xf32, #tpu.memory_space<vmem_shared>>
      tpu.wait_dma2 semaphore(%run_scoped3A_188 : memref<!tpu.dma_semaphore, #tpu.memory_space<semaphore_mem>>) src(%arg9 : memref<80x128xf32, #tpu.memory_space<vmem>>) dst(%dma_wait3A_196 : memref<80x128xf32, #tpu.memory_space<vmem_shared>>)
      tpu.yield
    }) : () -> ()
    %mul3A_22 = arith.constant 624 : i32
    %mul3A_23 = arith.muli %arg1, %mul3A_22 : i32
    %add3A_24 = arith.constant 320 : i32
    %add3A_25 = arith.addi %mul3A_23, %add3A_24 : i32
    "tpu.region"() ({
      %run_scoped3A_188 = tpu.sem_alloc : memref<!tpu.dma_semaphore, #tpu.memory_space<semaphore_mem>>
      %dma_start3A_189 = arith.constant 0 : i32
      %dma_start3A_190 = tpu.memref_slice %arg18[%add3A_25, %dma_start3A_189] : memref<10000x128xf32, #tpu.memory_space<vmem_shared>> -> memref<80x128xf32, #tpu.memory_space<vmem_shared>>
      %dma_start3A_191 = arith.constant 0 : i32
      %dma_start3A_192 = tpu.memref_slice %arg18[%add3A_25, %dma_start3A_191] : memref<10000x128xf32, #tpu.memory_space<vmem_shared>> -> memref<80x128xf32, #tpu.memory_space<vmem_shared>>
      tpu.enqueue_dma source(%arg9 : memref<80x128xf32, #tpu.memory_space<vmem>>) target(%dma_start3A_192 : memref<80x128xf32, #tpu.memory_space<vmem_shared>>) target_semaphore(%run_scoped3A_188 : memref<!tpu.dma_semaphore, #tpu.memory_space<semaphore_mem>>)
      %dma_wait3A_193 = arith.constant 0 : i32
      %dma_wait3A_194 = tpu.memref_slice %arg18[%add3A_25, %dma_wait3A_193] : memref<10000x128xf32, #tpu.memory_space<vmem_shared>> -> memref<80x128xf32, #tpu.memory_space<vmem_shared>>
      %dma_wait3A_195 = arith.constant 0 : i32
      %dma_wait3A_196 = tpu.memref_slice %arg18[%add3A_25, %dma_wait3A_195] : memref<10000x128xf32, #tpu.memory_space<vmem_shared>> -> memref<80x128xf32, #tpu.memory_space<vmem_shared>>
      tpu.wait_dma2 semaphore(%run_scoped3A_188 : memref<!tpu.dma_semaphore, #tpu.memory_space<semaphore_mem>>) src(%arg9 : memref<80x128xf32, #tpu.memory_space<vmem>>) dst(%dma_wait3A_196 : memref<80x128xf32, #tpu.memory_space<vmem_shared>>)
      tpu.yield
    }) : () -> ()
    %mul3A_26 = arith.constant 624 : i32
    %mul3A_27 = arith.muli %arg1, %mul3A_26 : i32
    %add3A_28 = arith.constant 400 : i32
    %add3A_29 = arith.addi %mul3A_27, %add3A_28 : i32
    "tpu.region"() ({
      %run_scoped3A_188 = tpu.sem_alloc : memref<!tpu.dma_semaphore, #tpu.memory_space<semaphore_mem>>
      %dma_start3A_189 = arith.constant 0 : i32
      %dma_start3A_190 = tpu.memref_slice %arg18[%add3A_29, %dma_start3A_189] : memref<10000x128xf32, #tpu.memory_space<vmem_shared>> -> memref<80x128xf32, #tpu.memory_space<vmem_shared>>
      %dma_start3A_191 = arith.constant 0 : i32
      %dma_start3A_192 = tpu.memref_slice %arg18[%add3A_29, %dma_start3A_191] : memref<10000x128xf32, #tpu.memory_space<vmem_shared>> -> memref<80x128xf32, #tpu.memory_space<vmem_shared>>
      tpu.enqueue_dma source(%arg9 : memref<80x128xf32, #tpu.memory_space<vmem>>) target(%dma_start3A_192 : memref<80x128xf32, #tpu.memory_space<vmem_shared>>) target_semaphore(%run_scoped3A_188 : memref<!tpu.dma_semaphore, #tpu.memory_space<semaphore_mem>>)
      %dma_wait3A_193 = arith.constant 0 : i32
      %dma_wait3A_194 = tpu.memref_slice %arg18[%add3A_29, %dma_wait3A_193] : memref<10000x128xf32, #tpu.memory_space<vmem_shared>> -> memref<80x128xf32, #tpu.memory_space<vmem_shared>>
      %dma_wait3A_195 = arith.constant 0 : i32
      %dma_wait3A_196 = tpu.memref_slice %arg18[%add3A_29, %dma_wait3A_195] : memref<10000x128xf32, #tpu.memory_space<vmem_shared>> -> memref<80x128xf32, #tpu.memory_space<vmem_shared>>
      tpu.wait_dma2 semaphore(%run_scoped3A_188 : memref<!tpu.dma_semaphore, #tpu.memory_space<semaphore_mem>>) src(%arg9 : memref<80x128xf32, #tpu.memory_space<vmem>>) dst(%dma_wait3A_196 : memref<80x128xf32, #tpu.memory_space<vmem_shared>>)
      tpu.yield
    }) : () -> ()
    %mul3A_30 = arith.constant 624 : i32
    %mul3A_31 = arith.muli %arg1, %mul3A_30 : i32
    %add3A_32 = arith.constant 480 : i32
    %add3A_33 = arith.addi %mul3A_31, %add3A_32 : i32
    "tpu.region"() ({
      %run_scoped3A_188 = tpu.sem_alloc : memref<!tpu.dma_semaphore, #tpu.memory_space<semaphore_mem>>
      %dma_start3A_189 = arith.constant 0 : i32
      %dma_start3A_190 = tpu.memref_slice %arg18[%add3A_33, %dma_start3A_189] : memref<10000x128xf32, #tpu.memory_space<vmem_shared>> -> memref<80x128xf32, #tpu.memory_space<vmem_shared>>
      %dma_start3A_191 = arith.constant 0 : i32
      %dma_start3A_192 = tpu.memref_slice %arg18[%add3A_33, %dma_start3A_191] : memref<10000x128xf32, #tpu.memory_space<vmem_shared>> -> memref<80x128xf32, #tpu.memory_space<vmem_shared>>
      tpu.enqueue_dma source(%arg9 : memref<80x128xf32, #tpu.memory_space<vmem>>) target(%dma_start3A_192 : memref<80x128xf32, #tpu.memory_space<vmem_shared>>) target_semaphore(%run_scoped3A_188 : memref<!tpu.dma_semaphore, #tpu.memory_space<semaphore_mem>>)
      %dma_wait3A_193 = arith.constant 0 : i32
      %dma_wait3A_194 = tpu.memref_slice %arg18[%add3A_33, %dma_wait3A_193] : memref<10000x128xf32, #tpu.memory_space<vmem_shared>> -> memref<80x128xf32, #tpu.memory_space<vmem_shared>>
      %dma_wait3A_195 = arith.constant 0 : i32
      %dma_wait3A_196 = tpu.memref_slice %arg18[%add3A_33, %dma_wait3A_195] : memref<10000x128xf32, #tpu.memory_space<vmem_shared>> -> memref<80x128xf32, #tpu.memory_space<vmem_shared>>
      tpu.wait_dma2 semaphore(%run_scoped3A_188 : memref<!tpu.dma_semaphore, #tpu.memory_space<semaphore_mem>>) src(%arg9 : memref<80x128xf32, #tpu.memory_space<vmem>>) dst(%dma_wait3A_196 : memref<80x128xf32, #tpu.memory_space<vmem_shared>>)
      tpu.yield
    }) : () -> ()
    %mul3A_34 = arith.constant 624 : i32
    %mul3A_35 = arith.muli %arg1, %mul3A_34 : i32
    %add3A_36 = arith.constant 560 : i32
    %add3A_37 = arith.addi %mul3A_35, %add3A_36 : i32
    "tpu.region"() ({
      %run_scoped3A_188 = tpu.sem_alloc : memref<!tpu.dma_semaphore, #tpu.memory_space<semaphore_mem>>
      %dma_start3A_189 = arith.constant 0 : i32
      %dma_start3A_190 = arith.constant 0 : i32
      %dma_start3A_191 = tpu.memref_slice %arg9[%dma_start3A_189, %dma_start3A_190] : memref<80x128xf32, #tpu.memory_space<vmem>> -> memref<64x128xf32, #tpu.memory_space<vmem>>
      %dma_start3A_192 = arith.constant 0 : i32
      %dma_start3A_193 = tpu.memref_slice %arg18[%add3A_37, %dma_start3A_192] : memref<10000x128xf32, #tpu.memory_space<vmem_shared>> -> memref<64x128xf32, #tpu.memory_space<vmem_shared>>
      %dma_start3A_194 = arith.constant 0 : i32
      %dma_start3A_195 = tpu.memref_slice %arg18[%add3A_37, %dma_start3A_194] : memref<10000x128xf32, #tpu.memory_space<vmem_shared>> -> memref<64x128xf32, #tpu.memory_space<vmem_shared>>
      %dma_start3A_196 = arith.constant 0 : i32
      %dma_start3A_197 = arith.constant 0 : i32
      %dma_start3A_198 = tpu.memref_slice %arg9[%dma_start3A_196, %dma_start3A_197] : memref<80x128xf32, #tpu.memory_space<vmem>> -> memref<64x128xf32, #tpu.memory_space<vmem>>
      tpu.enqueue_dma source(%dma_start3A_198 : memref<64x128xf32, #tpu.memory_space<vmem>>) target(%dma_start3A_195 : memref<64x128xf32, #tpu.memory_space<vmem_shared>>) target_semaphore(%run_scoped3A_188 : memref<!tpu.dma_semaphore, #tpu.memory_space<semaphore_mem>>)
      %dma_wait3A_199 = arith.constant 0 : i32
      %dma_wait3A_200 = arith.constant 0 : i32
      %dma_wait3A_201 = tpu.memref_slice %arg9[%dma_wait3A_199, %dma_wait3A_200] : memref<80x128xf32, #tpu.memory_space<vmem>> -> memref<64x128xf32, #tpu.memory_space<vmem>>
      %dma_wait3A_202 = arith.constant 0 : i32
      %dma_wait3A_203 = tpu.memref_slice %arg18[%add3A_37, %dma_wait3A_202] : memref<10000x128xf32, #tpu.memory_space<vmem_shared>> -> memref<64x128xf32, #tpu.memory_space<vmem_shared>>
      %dma_wait3A_204 = arith.constant 0 : i32
      %dma_wait3A_205 = tpu.memref_slice %arg18[%add3A_37, %dma_wait3A_204] : memref<10000x128xf32, #tpu.memory_space<vmem_shared>> -> memref<64x128xf32, #tpu.memory_space<vmem_shared>>
      %dma_wait3A_206 = arith.constant 0 : i32
      %dma_wait3A_207 = arith.constant 0 : i32
      %dma_wait3A_208 = tpu.memref_slice %arg9[%dma_wait3A_206, %dma_wait3A_207] : memref<80x128xf32, #tpu.memory_space<vmem>> -> memref<64x128xf32, #tpu.memory_space<vmem>>
      tpu.wait_dma2 semaphore(%run_scoped3A_188 : memref<!tpu.dma_semaphore, #tpu.memory_space<semaphore_mem>>) src(%dma_wait3A_208 : memref<64x128xf32, #tpu.memory_space<vmem>>) dst(%dma_wait3A_205 : memref<64x128xf32, #tpu.memory_space<vmem_shared>>)
      tpu.yield
    }) : () -> ()
    %eq3A = arith.constant 0 : i32
    %eq3A_38 = arith.cmpi eq, %arg1, %eq3A : i32
    %convert_element_type3A = arith.extui %eq3A_38 : i1 to i32
    %cond3A = arith.constant 0 : i32
    %cond3A_39 = arith.cmpi ne, %convert_element_type3A, %cond3A : i32
    scf.if %cond3A_39 {
      "tpu.region"() ({
        %run_scoped3A_188 = tpu.sem_alloc : memref<!tpu.dma_semaphore, #tpu.memory_space<semaphore_mem>>
        %dma_start3A_189 = arith.constant 0 : i32
        %dma_start3A_190 = arith.constant 0 : i32
        %dma_start3A_191 = tpu.memref_slice %arg9[%dma_start3A_189, %dma_start3A_190] : memref<80x128xf32, #tpu.memory_space<vmem>> -> memref<16x128xf32, #tpu.memory_space<vmem>>
        %dma_start3A_192 = arith.constant 9984 : i32
        %dma_start3A_193 = arith.constant 0 : i32
        %dma_start3A_194 = tpu.memref_slice %arg18[%dma_start3A_192, %dma_start3A_193] : memref<10000x128xf32, #tpu.memory_space<vmem_shared>> -> memref<16x128xf32, #tpu.memory_space<vmem_shared>>
        %dma_start3A_195 = arith.constant 9984 : i32
        %dma_start3A_196 = arith.constant 0 : i32
        %dma_start3A_197 = tpu.memref_slice %arg18[%dma_start3A_195, %dma_start3A_196] : memref<10000x128xf32, #tpu.memory_space<vmem_shared>> -> memref<16x128xf32, #tpu.memory_space<vmem_shared>>
        %dma_start3A_198 = arith.constant 0 : i32
        %dma_start3A_199 = arith.constant 0 : i32
        %dma_start3A_200 = tpu.memref_slice %arg9[%dma_start3A_198, %dma_start3A_199] : memref<80x128xf32, #tpu.memory_space<vmem>> -> memref<16x128xf32, #tpu.memory_space<vmem>>
        tpu.enqueue_dma source(%dma_start3A_200 : memref<16x128xf32, #tpu.memory_space<vmem>>) target(%dma_start3A_197 : memref<16x128xf32, #tpu.memory_space<vmem_shared>>) target_semaphore(%run_scoped3A_188 : memref<!tpu.dma_semaphore, #tpu.memory_space<semaphore_mem>>)
        %dma_wait3A_201 = arith.constant 0 : i32
        %dma_wait3A_202 = arith.constant 0 : i32
        %dma_wait3A_203 = tpu.memref_slice %arg9[%dma_wait3A_201, %dma_wait3A_202] : memref<80x128xf32, #tpu.memory_space<vmem>> -> memref<16x128xf32, #tpu.memory_space<vmem>>
        %dma_wait3A_204 = arith.constant 9984 : i32
        %dma_wait3A_205 = arith.constant 0 : i32
        %dma_wait3A_206 = tpu.memref_slice %arg18[%dma_wait3A_204, %dma_wait3A_205] : memref<10000x128xf32, #tpu.memory_space<vmem_shared>> -> memref<16x128xf32, #tpu.memory_space<vmem_shared>>
        %dma_wait3A_207 = arith.constant 9984 : i32
        %dma_wait3A_208 = arith.constant 0 : i32
        %dma_wait3A_209 = tpu.memref_slice %arg18[%dma_wait3A_207, %dma_wait3A_208] : memref<10000x128xf32, #tpu.memory_space<vmem_shared>> -> memref<16x128xf32, #tpu.memory_space<vmem_shared>>
        %dma_wait3A_210 = arith.constant 0 : i32
        %dma_wait3A_211 = arith.constant 0 : i32
        %dma_wait3A_212 = tpu.memref_slice %arg9[%dma_wait3A_210, %dma_wait3A_211] : memref<80x128xf32, #tpu.memory_space<vmem>> -> memref<16x128xf32, #tpu.memory_space<vmem>>
        tpu.wait_dma2 semaphore(%run_scoped3A_188 : memref<!tpu.dma_semaphore, #tpu.memory_space<semaphore_mem>>) src(%dma_wait3A_212 : memref<16x128xf32, #tpu.memory_space<vmem>>) dst(%dma_wait3A_209 : memref<16x128xf32, #tpu.memory_space<vmem_shared>>)
        tpu.yield
      }) : () -> ()
    } else {
    }
    "tpu.region"() ({
      %run_scoped3A_188 = tpu.sem_alloc : memref<!tpu.dma_semaphore, #tpu.memory_space<semaphore_mem>>
      %dma_start3A_189 = arith.constant 0 : i32
      %dma_start3A_190 = tpu.memref_slice %arg3[%add3A, %dma_start3A_189] : memref<32x10000xi32, #tpu.memory_space<hbm>> -> memref<1x10000xi32, #tpu.memory_space<hbm>>
      %dma_start3A_191 = tpu.memref_squeeze %dma_start3A_190 : memref<1x10000xi32, #tpu.memory_space<hbm>> -> memref<10000xi32, #tpu.memory_space<hbm>>
      %dma_start3A_192 = arith.constant 0 : i32
      %dma_start3A_193 = tpu.memref_slice %arg3[%add3A, %dma_start3A_192] : memref<32x10000xi32, #tpu.memory_space<hbm>> -> memref<1x10000xi32, #tpu.memory_space<hbm>>
      %dma_start3A_194 = tpu.memref_squeeze %dma_start3A_193 : memref<1x10000xi32, #tpu.memory_space<hbm>> -> memref<10000xi32, #tpu.memory_space<hbm>>
      tpu.enqueue_dma source(%dma_start3A_194 : memref<10000xi32, #tpu.memory_space<hbm>>) target(%arg7 : memref<10000xi32, #tpu.memory_space<vmem>>) target_semaphore(%run_scoped3A_188 : memref<!tpu.dma_semaphore, #tpu.memory_space<semaphore_mem>>)
      %dma_wait3A_195 = arith.constant 0 : i32
      %dma_wait3A_196 = tpu.memref_slice %arg3[%add3A, %dma_wait3A_195] : memref<32x10000xi32, #tpu.memory_space<hbm>> -> memref<1x10000xi32, #tpu.memory_space<hbm>>
      %dma_wait3A_197 = tpu.memref_squeeze %dma_wait3A_196 : memref<1x10000xi32, #tpu.memory_space<hbm>> -> memref<10000xi32, #tpu.memory_space<hbm>>
      %dma_wait3A_198 = arith.constant 0 : i32
      %dma_wait3A_199 = tpu.memref_slice %arg3[%add3A, %dma_wait3A_198] : memref<32x10000xi32, #tpu.memory_space<hbm>> -> memref<1x10000xi32, #tpu.memory_space<hbm>>
      %dma_wait3A_200 = tpu.memref_squeeze %dma_wait3A_199 : memref<1x10000xi32, #tpu.memory_space<hbm>> -> memref<10000xi32, #tpu.memory_space<hbm>>
      tpu.wait_dma2 semaphore(%run_scoped3A_188 : memref<!tpu.dma_semaphore, #tpu.memory_space<semaphore_mem>>) src(%dma_wait3A_200 : memref<10000xi32, #tpu.memory_space<hbm>>) dst(%arg7 : memref<10000xi32, #tpu.memory_space<vmem>>)
      tpu.yield
    }) : () -> ()
    %barrier3A = arith.constant 0 : index
    tpu.barrier barrier_id(%barrier3A)
    %dma_start3A = arith.constant 0 : i32
    %dma_start3A_40 = arith.constant 0 : i32
    %dma_start3A_41 = arith.constant 0 : i32
    %dma_start3A_42 = arith.constant 0 : i32
    %dma_start3A_43 = tpu.memref_slice %arg8[%dma_start3A_40, %dma_start3A_41, %dma_start3A_42] : memref<3x1x80xi32, #tpu.memory_space<vmem>> -> memref<1x1x80xi32, #tpu.memory_space<vmem>>
    %dma_start3A_44 = tpu.memref_squeeze %dma_start3A_43 : memref<1x1x80xi32, #tpu.memory_space<vmem>> -> memref<1x80xi32, #tpu.memory_space<vmem>>
    %dma_start3A_45 = arith.constant 0 : i32
    %dma_start3A_46 = arith.constant 0 : i32
    %dma_start3A_47 = tpu.memref_slice %arg4[%add3A, %dma_start3A, %dma_start3A_45, %dma_start3A_46] : memref<32x125x1x80xi32, #tpu.memory_space<hbm>> -> memref<1x1x1x80xi32, #tpu.memory_space<hbm>>
    %dma_start3A_48 = tpu.memref_squeeze %dma_start3A_47 : memref<1x1x1x80xi32, #tpu.memory_space<hbm>> -> memref<1x80xi32, #tpu.memory_space<hbm>>
    %dma_start3A_49 = arith.constant 0 : i32
    %dma_start3A_50 = arith.constant 0 : i32
    %dma_start3A_51 = tpu.memref_slice %arg8[%dma_start3A_40, %dma_start3A_49, %dma_start3A_50] : memref<3x1x80xi32, #tpu.memory_space<vmem>> -> memref<1x1x80xi32, #tpu.memory_space<vmem>>
    %dma_start3A_52 = tpu.memref_squeeze %dma_start3A_51 : memref<1x1x80xi32, #tpu.memory_space<vmem>> -> memref<1x80xi32, #tpu.memory_space<vmem>>
    %dma_start3A_53 = arith.constant 0 : i32
    %dma_start3A_54 = arith.constant 0 : i32
    %dma_start3A_55 = tpu.memref_slice %arg4[%add3A, %dma_start3A, %dma_start3A_53, %dma_start3A_54] : memref<32x125x1x80xi32, #tpu.memory_space<hbm>> -> memref<1x1x1x80xi32, #tpu.memory_space<hbm>>
    %dma_start3A_56 = tpu.memref_squeeze %dma_start3A_55 : memref<1x1x1x80xi32, #tpu.memory_space<hbm>> -> memref<1x80xi32, #tpu.memory_space<hbm>>
    tpu.enqueue_dma source(%dma_start3A_56 : memref<1x80xi32, #tpu.memory_space<hbm>>) target(%dma_start3A_52 : memref<1x80xi32, #tpu.memory_space<vmem>>) target_semaphore(%arg15 : memref<!tpu.dma_semaphore, #tpu.memory_space<semaphore_mem>>)
    %dma_start3A_57 = arith.constant 0 : i32
    %dma_start3A_58 = tpu.memref_slice %arg7[%dma_start3A_57] : memref<10000xi32, #tpu.memory_space<vmem>> -> memref<80xi32, #tpu.memory_space<vmem>>
    %dma_start3A_59 = arith.constant 0 : i32
    %dma_start3A_60 = arith.constant 0 : i32
    %dma_start3A_61 = tpu.memref_slice %arg2[%dma_start3A_59, %dma_start3A_60] : memref<10000x128xf32, #tpu.memory_space<hbm>> -> memref<10000x128xf32, #tpu.memory_space<hbm>>
    tpu.enqueue_indirect_dma source(%dma_start3A_61 : memref<10000x128xf32, #tpu.memory_space<hbm>>) target(%arg9 : memref<80x128xf32, #tpu.memory_space<vmem>>) offsets(%dma_start3A_58 : memref<80xi32, #tpu.memory_space<vmem>>) semaphore(%arg12 : memref<!tpu.dma_semaphore, #tpu.memory_space<semaphore_mem>>)
    %dma_start3A_62 = arith.constant 1 : i32
    %dma_start3A_63 = arith.constant 1 : i32
    %dma_start3A_64 = arith.constant 0 : i32
    %dma_start3A_65 = arith.constant 0 : i32
    %dma_start3A_66 = tpu.memref_slice %arg8[%dma_start3A_63, %dma_start3A_64, %dma_start3A_65] : memref<3x1x80xi32, #tpu.memory_space<vmem>> -> memref<1x1x80xi32, #tpu.memory_space<vmem>>
    %dma_start3A_67 = tpu.memref_squeeze %dma_start3A_66 : memref<1x1x80xi32, #tpu.memory_space<vmem>> -> memref<1x80xi32, #tpu.memory_space<vmem>>
    %dma_start3A_68 = arith.constant 0 : i32
    %dma_start3A_69 = arith.constant 0 : i32
    %dma_start3A_70 = tpu.memref_slice %arg4[%add3A, %dma_start3A_62, %dma_start3A_68, %dma_start3A_69] : memref<32x125x1x80xi32, #tpu.memory_space<hbm>> -> memref<1x1x1x80xi32, #tpu.memory_space<hbm>>
    %dma_start3A_71 = tpu.memref_squeeze %dma_start3A_70 : memref<1x1x1x80xi32, #tpu.memory_space<hbm>> -> memref<1x80xi32, #tpu.memory_space<hbm>>
    %dma_start3A_72 = arith.constant 0 : i32
    %dma_start3A_73 = arith.constant 0 : i32
    %dma_start3A_74 = tpu.memref_slice %arg8[%dma_start3A_63, %dma_start3A_72, %dma_start3A_73] : memref<3x1x80xi32, #tpu.memory_space<vmem>> -> memref<1x1x80xi32, #tpu.memory_space<vmem>>
    %dma_start3A_75 = tpu.memref_squeeze %dma_start3A_74 : memref<1x1x80xi32, #tpu.memory_space<vmem>> -> memref<1x80xi32, #tpu.memory_space<vmem>>
    %dma_start3A_76 = arith.constant 0 : i32
    %dma_start3A_77 = arith.constant 0 : i32
    %dma_start3A_78 = tpu.memref_slice %arg4[%add3A, %dma_start3A_62, %dma_start3A_76, %dma_start3A_77] : memref<32x125x1x80xi32, #tpu.memory_space<hbm>> -> memref<1x1x1x80xi32, #tpu.memory_space<hbm>>
    %dma_start3A_79 = tpu.memref_squeeze %dma_start3A_78 : memref<1x1x1x80xi32, #tpu.memory_space<hbm>> -> memref<1x80xi32, #tpu.memory_space<hbm>>
    tpu.enqueue_dma source(%dma_start3A_79 : memref<1x80xi32, #tpu.memory_space<hbm>>) target(%dma_start3A_75 : memref<1x80xi32, #tpu.memory_space<vmem>>) target_semaphore(%arg16 : memref<!tpu.dma_semaphore, #tpu.memory_space<semaphore_mem>>)
    %dma_start3A_80 = arith.constant 80 : i32
    %dma_start3A_81 = tpu.memref_slice %arg7[%dma_start3A_80] : memref<10000xi32, #tpu.memory_space<vmem>> -> memref<80xi32, #tpu.memory_space<vmem>>
    %dma_start3A_82 = arith.constant 0 : i32
    %dma_start3A_83 = arith.constant 0 : i32
    %dma_start3A_84 = tpu.memref_slice %arg2[%dma_start3A_82, %dma_start3A_83] : memref<10000x128xf32, #tpu.memory_space<hbm>> -> memref<10000x128xf32, #tpu.memory_space<hbm>>
    tpu.enqueue_indirect_dma source(%dma_start3A_84 : memref<10000x128xf32, #tpu.memory_space<hbm>>) target(%arg10 : memref<80x128xf32, #tpu.memory_space<vmem>>) offsets(%dma_start3A_81 : memref<80xi32, #tpu.memory_space<vmem>>) semaphore(%arg13 : memref<!tpu.dma_semaphore, #tpu.memory_space<semaphore_mem>>)
    %dma_start3A_85 = arith.constant 2 : i32
    %dma_start3A_86 = arith.constant 2 : i32
    %dma_start3A_87 = arith.constant 0 : i32
    %dma_start3A_88 = arith.constant 0 : i32
    %dma_start3A_89 = tpu.memref_slice %arg8[%dma_start3A_86, %dma_start3A_87, %dma_start3A_88] : memref<3x1x80xi32, #tpu.memory_space<vmem>> -> memref<1x1x80xi32, #tpu.memory_space<vmem>>
    %dma_start3A_90 = tpu.memref_squeeze %dma_start3A_89 : memref<1x1x80xi32, #tpu.memory_space<vmem>> -> memref<1x80xi32, #tpu.memory_space<vmem>>
    %dma_start3A_91 = arith.constant 0 : i32
    %dma_start3A_92 = arith.constant 0 : i32
    %dma_start3A_93 = tpu.memref_slice %arg4[%add3A, %dma_start3A_85, %dma_start3A_91, %dma_start3A_92] : memref<32x125x1x80xi32, #tpu.memory_space<hbm>> -> memref<1x1x1x80xi32, #tpu.memory_space<hbm>>
    %dma_start3A_94 = tpu.memref_squeeze %dma_start3A_93 : memref<1x1x1x80xi32, #tpu.memory_space<hbm>> -> memref<1x80xi32, #tpu.memory_space<hbm>>
    %dma_start3A_95 = arith.constant 0 : i32
    %dma_start3A_96 = arith.constant 0 : i32
    %dma_start3A_97 = tpu.memref_slice %arg8[%dma_start3A_86, %dma_start3A_95, %dma_start3A_96] : memref<3x1x80xi32, #tpu.memory_space<vmem>> -> memref<1x1x80xi32, #tpu.memory_space<vmem>>
    %dma_start3A_98 = tpu.memref_squeeze %dma_start3A_97 : memref<1x1x80xi32, #tpu.memory_space<vmem>> -> memref<1x80xi32, #tpu.memory_space<vmem>>
    %dma_start3A_99 = arith.constant 0 : i32
    %dma_start3A_100 = arith.constant 0 : i32
    %dma_start3A_101 = tpu.memref_slice %arg4[%add3A, %dma_start3A_85, %dma_start3A_99, %dma_start3A_100] : memref<32x125x1x80xi32, #tpu.memory_space<hbm>> -> memref<1x1x1x80xi32, #tpu.memory_space<hbm>>
    %dma_start3A_102 = tpu.memref_squeeze %dma_start3A_101 : memref<1x1x1x80xi32, #tpu.memory_space<hbm>> -> memref<1x80xi32, #tpu.memory_space<hbm>>
    tpu.enqueue_dma source(%dma_start3A_102 : memref<1x80xi32, #tpu.memory_space<hbm>>) target(%dma_start3A_98 : memref<1x80xi32, #tpu.memory_space<vmem>>) target_semaphore(%arg17 : memref<!tpu.dma_semaphore, #tpu.memory_space<semaphore_mem>>)
    %dma_start3A_103 = arith.constant 160 : i32
    %dma_start3A_104 = tpu.memref_slice %arg7[%dma_start3A_103] : memref<10000xi32, #tpu.memory_space<vmem>> -> memref<80xi32, #tpu.memory_space<vmem>>
    %dma_start3A_105 = arith.constant 0 : i32
    %dma_start3A_106 = arith.constant 0 : i32
    %dma_start3A_107 = tpu.memref_slice %arg2[%dma_start3A_105, %dma_start3A_106] : memref<10000x128xf32, #tpu.memory_space<hbm>> -> memref<10000x128xf32, #tpu.memory_space<hbm>>
    tpu.enqueue_indirect_dma source(%dma_start3A_107 : memref<10000x128xf32, #tpu.memory_space<hbm>>) target(%arg11 : memref<80x128xf32, #tpu.memory_space<vmem>>) offsets(%dma_start3A_104 : memref<80xi32, #tpu.memory_space<vmem>>) semaphore(%arg14 : memref<!tpu.dma_semaphore, #tpu.memory_space<semaphore_mem>>)
    %scan3A_108 = arith.constant 0 : i32
    %scan3A_109 = arith.constant 0 : i32
    %scan3A_110 = arith.constant 41 : i32
    %scan3A_111 = arith.addi %scan3A_109, %scan3A_110 : i32
    %scan3A_112 = arith.constant 1 : i32
    scf.for %scan3A_188 = %scan3A_109 to %scan3A_111 step %scan3A_112  : i32 {
      %mul3A_189 = arith.constant 3 : i32
      %mul3A_190 = arith.muli %mul3A_189, %scan3A_188 : i32
      %add3A_191 = arith.constant 0 : i32
      %add3A_192 = arith.addi %mul3A_190, %add3A_191 : i32
      %mul3A_193 = arith.constant 80 : i32
      %mul3A_194 = arith.muli %add3A_192, %mul3A_193 : i32
      %dma_wait3A_195 = tpu.memref_slice %arg7[%mul3A_194] : memref<10000xi32, #tpu.memory_space<vmem>> -> memref<80xi32, #tpu.memory_space<vmem>>
      %dma_wait3A_196 = arith.constant 0 : i32
      %dma_wait3A_197 = arith.constant 0 : i32
      %dma_wait3A_198 = tpu.memref_slice %arg2[%dma_wait3A_196, %dma_wait3A_197] : memref<10000x128xf32, #tpu.memory_space<hbm>> -> memref<10000x128xf32, #tpu.memory_space<hbm>>
      tpu.wait_indirect_dma semaphore(%arg12 : memref<!tpu.dma_semaphore, #tpu.memory_space<semaphore_mem>>) src(%dma_wait3A_198 : memref<10000x128xf32, #tpu.memory_space<hbm>>) dst(%arg9 : memref<80x128xf32, #tpu.memory_space<vmem>>)
      %dma_wait3A_199 = arith.constant 0 : i32
      %dma_wait3A_200 = arith.constant 0 : i32
      %dma_wait3A_201 = arith.constant 0 : i32
      %dma_wait3A_202 = tpu.memref_slice %arg8[%dma_wait3A_199, %dma_wait3A_200, %dma_wait3A_201] : memref<3x1x80xi32, #tpu.memory_space<vmem>> -> memref<1x1x80xi32, #tpu.memory_space<vmem>>
      %dma_wait3A_203 = tpu.memref_squeeze %dma_wait3A_202 : memref<1x1x80xi32, #tpu.memory_space<vmem>> -> memref<1x80xi32, #tpu.memory_space<vmem>>
      %dma_wait3A_204 = arith.constant 0 : i32
      %dma_wait3A_205 = arith.constant 0 : i32
      %dma_wait3A_206 = tpu.memref_slice %arg4[%add3A, %add3A_192, %dma_wait3A_204, %dma_wait3A_205] : memref<32x125x1x80xi32, #tpu.memory_space<hbm>> -> memref<1x1x1x80xi32, #tpu.memory_space<hbm>>
      %dma_wait3A_207 = tpu.memref_squeeze %dma_wait3A_206 : memref<1x1x1x80xi32, #tpu.memory_space<hbm>> -> memref<1x80xi32, #tpu.memory_space<hbm>>
      %dma_wait3A_208 = arith.constant 0 : i32
      %dma_wait3A_209 = arith.constant 0 : i32
      %dma_wait3A_210 = tpu.memref_slice %arg8[%dma_wait3A_199, %dma_wait3A_208, %dma_wait3A_209] : memref<3x1x80xi32, #tpu.memory_space<vmem>> -> memref<1x1x80xi32, #tpu.memory_space<vmem>>
      %dma_wait3A_211 = tpu.memref_squeeze %dma_wait3A_210 : memref<1x1x80xi32, #tpu.memory_space<vmem>> -> memref<1x80xi32, #tpu.memory_space<vmem>>
      %dma_wait3A_212 = arith.constant 0 : i32
      %dma_wait3A_213 = arith.constant 0 : i32
      %dma_wait3A_214 = tpu.memref_slice %arg4[%add3A, %add3A_192, %dma_wait3A_212, %dma_wait3A_213] : memref<32x125x1x80xi32, #tpu.memory_space<hbm>> -> memref<1x1x1x80xi32, #tpu.memory_space<hbm>>
      %dma_wait3A_215 = tpu.memref_squeeze %dma_wait3A_214 : memref<1x1x1x80xi32, #tpu.memory_space<hbm>> -> memref<1x80xi32, #tpu.memory_space<hbm>>
      tpu.wait_dma2 semaphore(%arg15 : memref<!tpu.dma_semaphore, #tpu.memory_space<semaphore_mem>>) src(%dma_wait3A_215 : memref<1x80xi32, #tpu.memory_space<hbm>>) dst(%dma_wait3A_211 : memref<1x80xi32, #tpu.memory_space<vmem>>)
      %run_scoped3A_216 = arith.constant 0 : i32
      %run_scoped3A_217 = arith.constant 0 : i32
      "tpu.region"() ({
        %run_scoped3A_296 = tpu.sem_alloc : memref<!tpu.dma_semaphore, #tpu.memory_space<semaphore_mem>>
        %dma_start3A_297 = arith.constant 0 : i32
        %dma_start3A_298 = tpu.memref_slice %arg8[%run_scoped3A_216, %run_scoped3A_217, %dma_start3A_297] : memref<3x1x80xi32, #tpu.memory_space<vmem>> -> memref<1x1x80xi32, #tpu.memory_space<vmem>>
        %dma_start3A_299 = tpu.memref_squeeze %dma_start3A_298 : memref<1x1x80xi32, #tpu.memory_space<vmem>> -> memref<80xi32, #tpu.memory_space<vmem>>
        %dma_start3A_300 = arith.constant 0 : i32
        %dma_start3A_301 = arith.constant 0 : i32
        %dma_start3A_302 = tpu.memref_slice %arg18[%dma_start3A_300, %dma_start3A_301] : memref<10000x128xf32, #tpu.memory_space<vmem_shared>> -> memref<10000x128xf32, #tpu.memory_space<vmem_shared>>
        tpu.enqueue_indirect_dma source(%arg9 : memref<80x128xf32, #tpu.memory_space<vmem>>) target(%dma_start3A_302 : memref<10000x128xf32, #tpu.memory_space<vmem_shared>>) offsets(%dma_start3A_299 : memref<80xi32, #tpu.memory_space<vmem>>) semaphore(%run_scoped3A_296 : memref<!tpu.dma_semaphore, #tpu.memory_space<semaphore_mem>>) {add = true}
        %dma_wait3A_303 = arith.constant 0 : i32
        %dma_wait3A_304 = tpu.memref_slice %arg8[%run_scoped3A_216, %run_scoped3A_217, %dma_wait3A_303] : memref<3x1x80xi32, #tpu.memory_space<vmem>> -> memref<1x1x80xi32, #tpu.memory_space<vmem>>
        %dma_wait3A_305 = tpu.memref_squeeze %dma_wait3A_304 : memref<1x1x80xi32, #tpu.memory_space<vmem>> -> memref<80xi32, #tpu.memory_space<vmem>>
        %dma_wait3A_306 = arith.constant 0 : i32
        %dma_wait3A_307 = arith.constant 0 : i32
        %dma_wait3A_308 = tpu.memref_slice %arg18[%dma_wait3A_306, %dma_wait3A_307] : memref<10000x128xf32, #tpu.memory_space<vmem_shared>> -> memref<10000x128xf32, #tpu.memory_space<vmem_shared>>
        tpu.wait_indirect_dma semaphore(%run_scoped3A_296 : memref<!tpu.dma_semaphore, #tpu.memory_space<semaphore_mem>>) src(%arg9 : memref<80x128xf32, #tpu.memory_space<vmem>>) dst(%dma_wait3A_308 : memref<10000x128xf32, #tpu.memory_space<vmem_shared>>)
        tpu.yield
      }) : () -> ()
      %add3A_218 = arith.constant 3 : i32
      %add3A_219 = arith.addi %add3A_192, %add3A_218 : i32
      %lt3A = arith.constant 125 : i32
      %lt3A_220 = arith.cmpi slt, %add3A_219, %lt3A : i32
      %convert_element_type3A_221 = arith.extui %lt3A_220 : i1 to i32
      %cond3A_222 = arith.constant 0 : i32
      %cond3A_223 = arith.cmpi ne, %convert_element_type3A_221, %cond3A_222 : i32
      scf.if %cond3A_223 {
        %add3A_296 = arith.constant 3 : i32
        %add3A_297 = arith.addi %add3A_192, %add3A_296 : i32
        %dma_start3A_298 = arith.constant 0 : i32
        %dma_start3A_299 = arith.constant 0 : i32
        %dma_start3A_300 = arith.constant 0 : i32
        %dma_start3A_301 = tpu.memref_slice %arg8[%dma_start3A_298, %dma_start3A_299, %dma_start3A_300] : memref<3x1x80xi32, #tpu.memory_space<vmem>> -> memref<1x1x80xi32, #tpu.memory_space<vmem>>
        %dma_start3A_302 = tpu.memref_squeeze %dma_start3A_301 : memref<1x1x80xi32, #tpu.memory_space<vmem>> -> memref<1x80xi32, #tpu.memory_space<vmem>>
        %dma_start3A_303 = arith.constant 0 : i32
        %dma_start3A_304 = arith.constant 0 : i32
        %dma_start3A_305 = tpu.memref_slice %arg4[%add3A, %add3A_297, %dma_start3A_303, %dma_start3A_304] : memref<32x125x1x80xi32, #tpu.memory_space<hbm>> -> memref<1x1x1x80xi32, #tpu.memory_space<hbm>>
        %dma_start3A_306 = tpu.memref_squeeze %dma_start3A_305 : memref<1x1x1x80xi32, #tpu.memory_space<hbm>> -> memref<1x80xi32, #tpu.memory_space<hbm>>
        %dma_start3A_307 = arith.constant 0 : i32
        %dma_start3A_308 = arith.constant 0 : i32
        %dma_start3A_309 = tpu.memref_slice %arg8[%dma_start3A_298, %dma_start3A_307, %dma_start3A_308] : memref<3x1x80xi32, #tpu.memory_space<vmem>> -> memref<1x1x80xi32, #tpu.memory_space<vmem>>
        %dma_start3A_310 = tpu.memref_squeeze %dma_start3A_309 : memref<1x1x80xi32, #tpu.memory_space<vmem>> -> memref<1x80xi32, #tpu.memory_space<vmem>>
        %dma_start3A_311 = arith.constant 0 : i32
        %dma_start3A_312 = arith.constant 0 : i32
        %dma_start3A_313 = tpu.memref_slice %arg4[%add3A, %add3A_297, %dma_start3A_311, %dma_start3A_312] : memref<32x125x1x80xi32, #tpu.memory_space<hbm>> -> memref<1x1x1x80xi32, #tpu.memory_space<hbm>>
        %dma_start3A_314 = tpu.memref_squeeze %dma_start3A_313 : memref<1x1x1x80xi32, #tpu.memory_space<hbm>> -> memref<1x80xi32, #tpu.memory_space<hbm>>
        tpu.enqueue_dma source(%dma_start3A_314 : memref<1x80xi32, #tpu.memory_space<hbm>>) target(%dma_start3A_310 : memref<1x80xi32, #tpu.memory_space<vmem>>) target_semaphore(%arg15 : memref<!tpu.dma_semaphore, #tpu.memory_space<semaphore_mem>>)
        %add3A_315 = arith.constant 3 : i32
        %add3A_316 = arith.addi %add3A_192, %add3A_315 : i32
        %mul3A_317 = arith.constant 80 : i32
        %mul3A_318 = arith.muli %add3A_316, %mul3A_317 : i32
        %dma_start3A_319 = tpu.memref_slice %arg7[%mul3A_318] : memref<10000xi32, #tpu.memory_space<vmem>> -> memref<80xi32, #tpu.memory_space<vmem>>
        %dma_start3A_320 = arith.constant 0 : i32
        %dma_start3A_321 = arith.constant 0 : i32
        %dma_start3A_322 = tpu.memref_slice %arg2[%dma_start3A_320, %dma_start3A_321] : memref<10000x128xf32, #tpu.memory_space<hbm>> -> memref<10000x128xf32, #tpu.memory_space<hbm>>
        tpu.enqueue_indirect_dma source(%dma_start3A_322 : memref<10000x128xf32, #tpu.memory_space<hbm>>) target(%arg9 : memref<80x128xf32, #tpu.memory_space<vmem>>) offsets(%dma_start3A_319 : memref<80xi32, #tpu.memory_space<vmem>>) semaphore(%arg12 : memref<!tpu.dma_semaphore, #tpu.memory_space<semaphore_mem>>)
      } else {
      }
      %mul3A_224 = arith.constant 3 : i32
      %mul3A_225 = arith.muli %mul3A_224, %scan3A_188 : i32
      %add3A_226 = arith.constant 1 : i32
      %add3A_227 = arith.addi %mul3A_225, %add3A_226 : i32
      %mul3A_228 = arith.constant 80 : i32
      %mul3A_229 = arith.muli %add3A_227, %mul3A_228 : i32
      %dma_wait3A_230 = tpu.memref_slice %arg7[%mul3A_229] : memref<10000xi32, #tpu.memory_space<vmem>> -> memref<80xi32, #tpu.memory_space<vmem>>
      %dma_wait3A_231 = arith.constant 0 : i32
      %dma_wait3A_232 = arith.constant 0 : i32
      %dma_wait3A_233 = tpu.memref_slice %arg2[%dma_wait3A_231, %dma_wait3A_232] : memref<10000x128xf32, #tpu.memory_space<hbm>> -> memref<10000x128xf32, #tpu.memory_space<hbm>>
      tpu.wait_indirect_dma semaphore(%arg13 : memref<!tpu.dma_semaphore, #tpu.memory_space<semaphore_mem>>) src(%dma_wait3A_233 : memref<10000x128xf32, #tpu.memory_space<hbm>>) dst(%arg10 : memref<80x128xf32, #tpu.memory_space<vmem>>)
      %dma_wait3A_234 = arith.constant 1 : i32
      %dma_wait3A_235 = arith.constant 0 : i32
      %dma_wait3A_236 = arith.constant 0 : i32
      %dma_wait3A_237 = tpu.memref_slice %arg8[%dma_wait3A_234, %dma_wait3A_235, %dma_wait3A_236] : memref<3x1x80xi32, #tpu.memory_space<vmem>> -> memref<1x1x80xi32, #tpu.memory_space<vmem>>
      %dma_wait3A_238 = tpu.memref_squeeze %dma_wait3A_237 : memref<1x1x80xi32, #tpu.memory_space<vmem>> -> memref<1x80xi32, #tpu.memory_space<vmem>>
      %dma_wait3A_239 = arith.constant 0 : i32
      %dma_wait3A_240 = arith.constant 0 : i32
      %dma_wait3A_241 = tpu.memref_slice %arg4[%add3A, %add3A_227, %dma_wait3A_239, %dma_wait3A_240] : memref<32x125x1x80xi32, #tpu.memory_space<hbm>> -> memref<1x1x1x80xi32, #tpu.memory_space<hbm>>
      %dma_wait3A_242 = tpu.memref_squeeze %dma_wait3A_241 : memref<1x1x1x80xi32, #tpu.memory_space<hbm>> -> memref<1x80xi32, #tpu.memory_space<hbm>>
      %dma_wait3A_243 = arith.constant 0 : i32
      %dma_wait3A_244 = arith.constant 0 : i32
      %dma_wait3A_245 = tpu.memref_slice %arg8[%dma_wait3A_234, %dma_wait3A_243, %dma_wait3A_244] : memref<3x1x80xi32, #tpu.memory_space<vmem>> -> memref<1x1x80xi32, #tpu.memory_space<vmem>>
      %dma_wait3A_246 = tpu.memref_squeeze %dma_wait3A_245 : memref<1x1x80xi32, #tpu.memory_space<vmem>> -> memref<1x80xi32, #tpu.memory_space<vmem>>
      %dma_wait3A_247 = arith.constant 0 : i32
      %dma_wait3A_248 = arith.constant 0 : i32
      %dma_wait3A_249 = tpu.memref_slice %arg4[%add3A, %add3A_227, %dma_wait3A_247, %dma_wait3A_248] : memref<32x125x1x80xi32, #tpu.memory_space<hbm>> -> memref<1x1x1x80xi32, #tpu.memory_space<hbm>>
      %dma_wait3A_250 = tpu.memref_squeeze %dma_wait3A_249 : memref<1x1x1x80xi32, #tpu.memory_space<hbm>> -> memref<1x80xi32, #tpu.memory_space<hbm>>
      tpu.wait_dma2 semaphore(%arg16 : memref<!tpu.dma_semaphore, #tpu.memory_space<semaphore_mem>>) src(%dma_wait3A_250 : memref<1x80xi32, #tpu.memory_space<hbm>>) dst(%dma_wait3A_246 : memref<1x80xi32, #tpu.memory_space<vmem>>)
      %run_scoped3A_251 = arith.constant 1 : i32
      %run_scoped3A_252 = arith.constant 0 : i32
      "tpu.region"() ({
        %run_scoped3A_296 = tpu.sem_alloc : memref<!tpu.dma_semaphore, #tpu.memory_space<semaphore_mem>>
        %dma_start3A_297 = arith.constant 0 : i32
        %dma_start3A_298 = tpu.memref_slice %arg8[%run_scoped3A_251, %run_scoped3A_252, %dma_start3A_297] : memref<3x1x80xi32, #tpu.memory_space<vmem>> -> memref<1x1x80xi32, #tpu.memory_space<vmem>>
        %dma_start3A_299 = tpu.memref_squeeze %dma_start3A_298 : memref<1x1x80xi32, #tpu.memory_space<vmem>> -> memref<80xi32, #tpu.memory_space<vmem>>
        %dma_start3A_300 = arith.constant 0 : i32
        %dma_start3A_301 = arith.constant 0 : i32
        %dma_start3A_302 = tpu.memref_slice %arg18[%dma_start3A_300, %dma_start3A_301] : memref<10000x128xf32, #tpu.memory_space<vmem_shared>> -> memref<10000x128xf32, #tpu.memory_space<vmem_shared>>
        tpu.enqueue_indirect_dma source(%arg10 : memref<80x128xf32, #tpu.memory_space<vmem>>) target(%dma_start3A_302 : memref<10000x128xf32, #tpu.memory_space<vmem_shared>>) offsets(%dma_start3A_299 : memref<80xi32, #tpu.memory_space<vmem>>) semaphore(%run_scoped3A_296 : memref<!tpu.dma_semaphore, #tpu.memory_space<semaphore_mem>>) {add = true}
        %dma_wait3A_303 = arith.constant 0 : i32
        %dma_wait3A_304 = tpu.memref_slice %arg8[%run_scoped3A_251, %run_scoped3A_252, %dma_wait3A_303] : memref<3x1x80xi32, #tpu.memory_space<vmem>> -> memref<1x1x80xi32, #tpu.memory_space<vmem>>
        %dma_wait3A_305 = tpu.memref_squeeze %dma_wait3A_304 : memref<1x1x80xi32, #tpu.memory_space<vmem>> -> memref<80xi32, #tpu.memory_space<vmem>>
        %dma_wait3A_306 = arith.constant 0 : i32
        %dma_wait3A_307 = arith.constant 0 : i32
        %dma_wait3A_308 = tpu.memref_slice %arg18[%dma_wait3A_306, %dma_wait3A_307] : memref<10000x128xf32, #tpu.memory_space<vmem_shared>> -> memref<10000x128xf32, #tpu.memory_space<vmem_shared>>
        tpu.wait_indirect_dma semaphore(%run_scoped3A_296 : memref<!tpu.dma_semaphore, #tpu.memory_space<semaphore_mem>>) src(%arg10 : memref<80x128xf32, #tpu.memory_space<vmem>>) dst(%dma_wait3A_308 : memref<10000x128xf32, #tpu.memory_space<vmem_shared>>)
        tpu.yield
      }) : () -> ()
      %add3A_253 = arith.constant 3 : i32
      %add3A_254 = arith.addi %add3A_227, %add3A_253 : i32
      %lt3A_255 = arith.constant 125 : i32
      %lt3A_256 = arith.cmpi slt, %add3A_254, %lt3A_255 : i32
      %convert_element_type3A_257 = arith.extui %lt3A_256 : i1 to i32
      %cond3A_258 = arith.constant 0 : i32
      %cond3A_259 = arith.cmpi ne, %convert_element_type3A_257, %cond3A_258 : i32
      scf.if %cond3A_259 {
        %add3A_296 = arith.constant 3 : i32
        %add3A_297 = arith.addi %add3A_227, %add3A_296 : i32
        %dma_start3A_298 = arith.constant 1 : i32
        %dma_start3A_299 = arith.constant 0 : i32
        %dma_start3A_300 = arith.constant 0 : i32
        %dma_start3A_301 = tpu.memref_slice %arg8[%dma_start3A_298, %dma_start3A_299, %dma_start3A_300] : memref<3x1x80xi32, #tpu.memory_space<vmem>> -> memref<1x1x80xi32, #tpu.memory_space<vmem>>
        %dma_start3A_302 = tpu.memref_squeeze %dma_start3A_301 : memref<1x1x80xi32, #tpu.memory_space<vmem>> -> memref<1x80xi32, #tpu.memory_space<vmem>>
        %dma_start3A_303 = arith.constant 0 : i32
        %dma_start3A_304 = arith.constant 0 : i32
        %dma_start3A_305 = tpu.memref_slice %arg4[%add3A, %add3A_297, %dma_start3A_303, %dma_start3A_304] : memref<32x125x1x80xi32, #tpu.memory_space<hbm>> -> memref<1x1x1x80xi32, #tpu.memory_space<hbm>>
        %dma_start3A_306 = tpu.memref_squeeze %dma_start3A_305 : memref<1x1x1x80xi32, #tpu.memory_space<hbm>> -> memref<1x80xi32, #tpu.memory_space<hbm>>
        %dma_start3A_307 = arith.constant 0 : i32
        %dma_start3A_308 = arith.constant 0 : i32
        %dma_start3A_309 = tpu.memref_slice %arg8[%dma_start3A_298, %dma_start3A_307, %dma_start3A_308] : memref<3x1x80xi32, #tpu.memory_space<vmem>> -> memref<1x1x80xi32, #tpu.memory_space<vmem>>
        %dma_start3A_310 = tpu.memref_squeeze %dma_start3A_309 : memref<1x1x80xi32, #tpu.memory_space<vmem>> -> memref<1x80xi32, #tpu.memory_space<vmem>>
        %dma_start3A_311 = arith.constant 0 : i32
        %dma_start3A_312 = arith.constant 0 : i32
        %dma_start3A_313 = tpu.memref_slice %arg4[%add3A, %add3A_297, %dma_start3A_311, %dma_start3A_312] : memref<32x125x1x80xi32, #tpu.memory_space<hbm>> -> memref<1x1x1x80xi32, #tpu.memory_space<hbm>>
        %dma_start3A_314 = tpu.memref_squeeze %dma_start3A_313 : memref<1x1x1x80xi32, #tpu.memory_space<hbm>> -> memref<1x80xi32, #tpu.memory_space<hbm>>
        tpu.enqueue_dma source(%dma_start3A_314 : memref<1x80xi32, #tpu.memory_space<hbm>>) target(%dma_start3A_310 : memref<1x80xi32, #tpu.memory_space<vmem>>) target_semaphore(%arg16 : memref<!tpu.dma_semaphore, #tpu.memory_space<semaphore_mem>>)
        %add3A_315 = arith.constant 3 : i32
        %add3A_316 = arith.addi %add3A_227, %add3A_315 : i32
        %mul3A_317 = arith.constant 80 : i32
        %mul3A_318 = arith.muli %add3A_316, %mul3A_317 : i32
        %dma_start3A_319 = tpu.memref_slice %arg7[%mul3A_318] : memref<10000xi32, #tpu.memory_space<vmem>> -> memref<80xi32, #tpu.memory_space<vmem>>
        %dma_start3A_320 = arith.constant 0 : i32
        %dma_start3A_321 = arith.constant 0 : i32
        %dma_start3A_322 = tpu.memref_slice %arg2[%dma_start3A_320, %dma_start3A_321] : memref<10000x128xf32, #tpu.memory_space<hbm>> -> memref<10000x128xf32, #tpu.memory_space<hbm>>
        tpu.enqueue_indirect_dma source(%dma_start3A_322 : memref<10000x128xf32, #tpu.memory_space<hbm>>) target(%arg10 : memref<80x128xf32, #tpu.memory_space<vmem>>) offsets(%dma_start3A_319 : memref<80xi32, #tpu.memory_space<vmem>>) semaphore(%arg13 : memref<!tpu.dma_semaphore, #tpu.memory_space<semaphore_mem>>)
      } else {
      }
      %mul3A_260 = arith.constant 3 : i32
      %mul3A_261 = arith.muli %mul3A_260, %scan3A_188 : i32
      %add3A_262 = arith.constant 2 : i32
      %add3A_263 = arith.addi %mul3A_261, %add3A_262 : i32
      %mul3A_264 = arith.constant 80 : i32
      %mul3A_265 = arith.muli %add3A_263, %mul3A_264 : i32
      %dma_wait3A_266 = tpu.memref_slice %arg7[%mul3A_265] : memref<10000xi32, #tpu.memory_space<vmem>> -> memref<80xi32, #tpu.memory_space<vmem>>
      %dma_wait3A_267 = arith.constant 0 : i32
      %dma_wait3A_268 = arith.constant 0 : i32
      %dma_wait3A_269 = tpu.memref_slice %arg2[%dma_wait3A_267, %dma_wait3A_268] : memref<10000x128xf32, #tpu.memory_space<hbm>> -> memref<10000x128xf32, #tpu.memory_space<hbm>>
      tpu.wait_indirect_dma semaphore(%arg14 : memref<!tpu.dma_semaphore, #tpu.memory_space<semaphore_mem>>) src(%dma_wait3A_269 : memref<10000x128xf32, #tpu.memory_space<hbm>>) dst(%arg11 : memref<80x128xf32, #tpu.memory_space<vmem>>)
      %dma_wait3A_270 = arith.constant 2 : i32
      %dma_wait3A_271 = arith.constant 0 : i32
      %dma_wait3A_272 = arith.constant 0 : i32
      %dma_wait3A_273 = tpu.memref_slice %arg8[%dma_wait3A_270, %dma_wait3A_271, %dma_wait3A_272] : memref<3x1x80xi32, #tpu.memory_space<vmem>> -> memref<1x1x80xi32, #tpu.memory_space<vmem>>
      %dma_wait3A_274 = tpu.memref_squeeze %dma_wait3A_273 : memref<1x1x80xi32, #tpu.memory_space<vmem>> -> memref<1x80xi32, #tpu.memory_space<vmem>>
      %dma_wait3A_275 = arith.constant 0 : i32
      %dma_wait3A_276 = arith.constant 0 : i32
      %dma_wait3A_277 = tpu.memref_slice %arg4[%add3A, %add3A_263, %dma_wait3A_275, %dma_wait3A_276] : memref<32x125x1x80xi32, #tpu.memory_space<hbm>> -> memref<1x1x1x80xi32, #tpu.memory_space<hbm>>
      %dma_wait3A_278 = tpu.memref_squeeze %dma_wait3A_277 : memref<1x1x1x80xi32, #tpu.memory_space<hbm>> -> memref<1x80xi32, #tpu.memory_space<hbm>>
      %dma_wait3A_279 = arith.constant 0 : i32
      %dma_wait3A_280 = arith.constant 0 : i32
      %dma_wait3A_281 = tpu.memref_slice %arg8[%dma_wait3A_270, %dma_wait3A_279, %dma_wait3A_280] : memref<3x1x80xi32, #tpu.memory_space<vmem>> -> memref<1x1x80xi32, #tpu.memory_space<vmem>>
      %dma_wait3A_282 = tpu.memref_squeeze %dma_wait3A_281 : memref<1x1x80xi32, #tpu.memory_space<vmem>> -> memref<1x80xi32, #tpu.memory_space<vmem>>
      %dma_wait3A_283 = arith.constant 0 : i32
      %dma_wait3A_284 = arith.constant 0 : i32
      %dma_wait3A_285 = tpu.memref_slice %arg4[%add3A, %add3A_263, %dma_wait3A_283, %dma_wait3A_284] : memref<32x125x1x80xi32, #tpu.memory_space<hbm>> -> memref<1x1x1x80xi32, #tpu.memory_space<hbm>>
      %dma_wait3A_286 = tpu.memref_squeeze %dma_wait3A_285 : memref<1x1x1x80xi32, #tpu.memory_space<hbm>> -> memref<1x80xi32, #tpu.memory_space<hbm>>
      tpu.wait_dma2 semaphore(%arg17 : memref<!tpu.dma_semaphore, #tpu.memory_space<semaphore_mem>>) src(%dma_wait3A_286 : memref<1x80xi32, #tpu.memory_space<hbm>>) dst(%dma_wait3A_282 : memref<1x80xi32, #tpu.memory_space<vmem>>)
      %run_scoped3A_287 = arith.constant 2 : i32
      %run_scoped3A_288 = arith.constant 0 : i32
      "tpu.region"() ({
        %run_scoped3A_296 = tpu.sem_alloc : memref<!tpu.dma_semaphore, #tpu.memory_space<semaphore_mem>>
        %dma_start3A_297 = arith.constant 0 : i32
        %dma_start3A_298 = tpu.memref_slice %arg8[%run_scoped3A_287, %run_scoped3A_288, %dma_start3A_297] : memref<3x1x80xi32, #tpu.memory_space<vmem>> -> memref<1x1x80xi32, #tpu.memory_space<vmem>>
        %dma_start3A_299 = tpu.memref_squeeze %dma_start3A_298 : memref<1x1x80xi32, #tpu.memory_space<vmem>> -> memref<80xi32, #tpu.memory_space<vmem>>
        %dma_start3A_300 = arith.constant 0 : i32
        %dma_start3A_301 = arith.constant 0 : i32
        %dma_start3A_302 = tpu.memref_slice %arg18[%dma_start3A_300, %dma_start3A_301] : memref<10000x128xf32, #tpu.memory_space<vmem_shared>> -> memref<10000x128xf32, #tpu.memory_space<vmem_shared>>
        tpu.enqueue_indirect_dma source(%arg11 : memref<80x128xf32, #tpu.memory_space<vmem>>) target(%dma_start3A_302 : memref<10000x128xf32, #tpu.memory_space<vmem_shared>>) offsets(%dma_start3A_299 : memref<80xi32, #tpu.memory_space<vmem>>) semaphore(%run_scoped3A_296 : memref<!tpu.dma_semaphore, #tpu.memory_space<semaphore_mem>>) {add = true}
        %dma_wait3A_303 = arith.constant 0 : i32
        %dma_wait3A_304 = tpu.memref_slice %arg8[%run_scoped3A_287, %run_scoped3A_288, %dma_wait3A_303] : memref<3x1x80xi32, #tpu.memory_space<vmem>> -> memref<1x1x80xi32, #tpu.memory_space<vmem>>
        %dma_wait3A_305 = tpu.memref_squeeze %dma_wait3A_304 : memref<1x1x80xi32, #tpu.memory_space<vmem>> -> memref<80xi32, #tpu.memory_space<vmem>>
        %dma_wait3A_306 = arith.constant 0 : i32
        %dma_wait3A_307 = arith.constant 0 : i32
        %dma_wait3A_308 = tpu.memref_slice %arg18[%dma_wait3A_306, %dma_wait3A_307] : memref<10000x128xf32, #tpu.memory_space<vmem_shared>> -> memref<10000x128xf32, #tpu.memory_space<vmem_shared>>
        tpu.wait_indirect_dma semaphore(%run_scoped3A_296 : memref<!tpu.dma_semaphore, #tpu.memory_space<semaphore_mem>>) src(%arg11 : memref<80x128xf32, #tpu.memory_space<vmem>>) dst(%dma_wait3A_308 : memref<10000x128xf32, #tpu.memory_space<vmem_shared>>)
        tpu.yield
      }) : () -> ()
      %add3A_289 = arith.constant 3 : i32
      %add3A_290 = arith.addi %add3A_263, %add3A_289 : i32
      %lt3A_291 = arith.constant 125 : i32
      %lt3A_292 = arith.cmpi slt, %add3A_290, %lt3A_291 : i32
      %convert_element_type3A_293 = arith.extui %lt3A_292 : i1 to i32
      %cond3A_294 = arith.constant 0 : i32
      %cond3A_295 = arith.cmpi ne, %convert_element_type3A_293, %cond3A_294 : i32
      scf.if %cond3A_295 {
        %add3A_296 = arith.constant 3 : i32
        %add3A_297 = arith.addi %add3A_263, %add3A_296 : i32
        %dma_start3A_298 = arith.constant 2 : i32
        %dma_start3A_299 = arith.constant 0 : i32
        %dma_start3A_300 = arith.constant 0 : i32
        %dma_start3A_301 = tpu.memref_slice %arg8[%dma_start3A_298, %dma_start3A_299, %dma_start3A_300] : memref<3x1x80xi32, #tpu.memory_space<vmem>> -> memref<1x1x80xi32, #tpu.memory_space<vmem>>
        %dma_start3A_302 = tpu.memref_squeeze %dma_start3A_301 : memref<1x1x80xi32, #tpu.memory_space<vmem>> -> memref<1x80xi32, #tpu.memory_space<vmem>>
        %dma_start3A_303 = arith.constant 0 : i32
        %dma_start3A_304 = arith.constant 0 : i32
        %dma_start3A_305 = tpu.memref_slice %arg4[%add3A, %add3A_297, %dma_start3A_303, %dma_start3A_304] : memref<32x125x1x80xi32, #tpu.memory_space<hbm>> -> memref<1x1x1x80xi32, #tpu.memory_space<hbm>>
        %dma_start3A_306 = tpu.memref_squeeze %dma_start3A_305 : memref<1x1x1x80xi32, #tpu.memory_space<hbm>> -> memref<1x80xi32, #tpu.memory_space<hbm>>
        %dma_start3A_307 = arith.constant 0 : i32
        %dma_start3A_308 = arith.constant 0 : i32
        %dma_start3A_309 = tpu.memref_slice %arg8[%dma_start3A_298, %dma_start3A_307, %dma_start3A_308] : memref<3x1x80xi32, #tpu.memory_space<vmem>> -> memref<1x1x80xi32, #tpu.memory_space<vmem>>
        %dma_start3A_310 = tpu.memref_squeeze %dma_start3A_309 : memref<1x1x80xi32, #tpu.memory_space<vmem>> -> memref<1x80xi32, #tpu.memory_space<vmem>>
        %dma_start3A_311 = arith.constant 0 : i32
        %dma_start3A_312 = arith.constant 0 : i32
        %dma_start3A_313 = tpu.memref_slice %arg4[%add3A, %add3A_297, %dma_start3A_311, %dma_start3A_312] : memref<32x125x1x80xi32, #tpu.memory_space<hbm>> -> memref<1x1x1x80xi32, #tpu.memory_space<hbm>>
        %dma_start3A_314 = tpu.memref_squeeze %dma_start3A_313 : memref<1x1x1x80xi32, #tpu.memory_space<hbm>> -> memref<1x80xi32, #tpu.memory_space<hbm>>
        tpu.enqueue_dma source(%dma_start3A_314 : memref<1x80xi32, #tpu.memory_space<hbm>>) target(%dma_start3A_310 : memref<1x80xi32, #tpu.memory_space<vmem>>) target_semaphore(%arg17 : memref<!tpu.dma_semaphore, #tpu.memory_space<semaphore_mem>>)
        %add3A_315 = arith.constant 3 : i32
        %add3A_316 = arith.addi %add3A_263, %add3A_315 : i32
        %mul3A_317 = arith.constant 80 : i32
        %mul3A_318 = arith.muli %add3A_316, %mul3A_317 : i32
        %dma_start3A_319 = tpu.memref_slice %arg7[%mul3A_318] : memref<10000xi32, #tpu.memory_space<vmem>> -> memref<80xi32, #tpu.memory_space<vmem>>
        %dma_start3A_320 = arith.constant 0 : i32
        %dma_start3A_321 = arith.constant 0 : i32
        %dma_start3A_322 = tpu.memref_slice %arg2[%dma_start3A_320, %dma_start3A_321] : memref<10000x128xf32, #tpu.memory_space<hbm>> -> memref<10000x128xf32, #tpu.memory_space<hbm>>
        tpu.enqueue_indirect_dma source(%dma_start3A_322 : memref<10000x128xf32, #tpu.memory_space<hbm>>) target(%arg11 : memref<80x128xf32, #tpu.memory_space<vmem>>) offsets(%dma_start3A_319 : memref<80xi32, #tpu.memory_space<vmem>>) semaphore(%arg14 : memref<!tpu.dma_semaphore, #tpu.memory_space<semaphore_mem>>)
      } else {
      }
    }
    %scan3A_113 = arith.constant 41 : i32
    %dma_wait3A = arith.constant 9840 : i32
    %dma_wait3A_114 = tpu.memref_slice %arg7[%dma_wait3A] : memref<10000xi32, #tpu.memory_space<vmem>> -> memref<80xi32, #tpu.memory_space<vmem>>
    %dma_wait3A_115 = arith.constant 0 : i32
    %dma_wait3A_116 = arith.constant 0 : i32
    %dma_wait3A_117 = tpu.memref_slice %arg2[%dma_wait3A_115, %dma_wait3A_116] : memref<10000x128xf32, #tpu.memory_space<hbm>> -> memref<10000x128xf32, #tpu.memory_space<hbm>>
    tpu.wait_indirect_dma semaphore(%arg12 : memref<!tpu.dma_semaphore, #tpu.memory_space<semaphore_mem>>) src(%dma_wait3A_117 : memref<10000x128xf32, #tpu.memory_space<hbm>>) dst(%arg9 : memref<80x128xf32, #tpu.memory_space<vmem>>)
    %dma_wait3A_118 = arith.constant 123 : i32
    %dma_wait3A_119 = arith.constant 0 : i32
    %dma_wait3A_120 = arith.constant 0 : i32
    %dma_wait3A_121 = arith.constant 0 : i32
    %dma_wait3A_122 = tpu.memref_slice %arg8[%dma_wait3A_119, %dma_wait3A_120, %dma_wait3A_121] : memref<3x1x80xi32, #tpu.memory_space<vmem>> -> memref<1x1x80xi32, #tpu.memory_space<vmem>>
    %dma_wait3A_123 = tpu.memref_squeeze %dma_wait3A_122 : memref<1x1x80xi32, #tpu.memory_space<vmem>> -> memref<1x80xi32, #tpu.memory_space<vmem>>
    %dma_wait3A_124 = arith.constant 0 : i32
    %dma_wait3A_125 = arith.constant 0 : i32
    %dma_wait3A_126 = tpu.memref_slice %arg4[%add3A, %dma_wait3A_118, %dma_wait3A_124, %dma_wait3A_125] : memref<32x125x1x80xi32, #tpu.memory_space<hbm>> -> memref<1x1x1x80xi32, #tpu.memory_space<hbm>>
    %dma_wait3A_127 = tpu.memref_squeeze %dma_wait3A_126 : memref<1x1x1x80xi32, #tpu.memory_space<hbm>> -> memref<1x80xi32, #tpu.memory_space<hbm>>
    %dma_wait3A_128 = arith.constant 0 : i32
    %dma_wait3A_129 = arith.constant 0 : i32
    %dma_wait3A_130 = tpu.memref_slice %arg8[%dma_wait3A_119, %dma_wait3A_128, %dma_wait3A_129] : memref<3x1x80xi32, #tpu.memory_space<vmem>> -> memref<1x1x80xi32, #tpu.memory_space<vmem>>
    %dma_wait3A_131 = tpu.memref_squeeze %dma_wait3A_130 : memref<1x1x80xi32, #tpu.memory_space<vmem>> -> memref<1x80xi32, #tpu.memory_space<vmem>>
    %dma_wait3A_132 = arith.constant 0 : i32
    %dma_wait3A_133 = arith.constant 0 : i32
    %dma_wait3A_134 = tpu.memref_slice %arg4[%add3A, %dma_wait3A_118, %dma_wait3A_132, %dma_wait3A_133] : memref<32x125x1x80xi32, #tpu.memory_space<hbm>> -> memref<1x1x1x80xi32, #tpu.memory_space<hbm>>
    %dma_wait3A_135 = tpu.memref_squeeze %dma_wait3A_134 : memref<1x1x1x80xi32, #tpu.memory_space<hbm>> -> memref<1x80xi32, #tpu.memory_space<hbm>>
    tpu.wait_dma2 semaphore(%arg15 : memref<!tpu.dma_semaphore, #tpu.memory_space<semaphore_mem>>) src(%dma_wait3A_135 : memref<1x80xi32, #tpu.memory_space<hbm>>) dst(%dma_wait3A_131 : memref<1x80xi32, #tpu.memory_space<vmem>>)
    %run_scoped3A = arith.constant 0 : i32
    %run_scoped3A_136 = arith.constant 0 : i32
    "tpu.region"() ({
      %run_scoped3A_188 = tpu.sem_alloc : memref<!tpu.dma_semaphore, #tpu.memory_space<semaphore_mem>>
      %dma_start3A_189 = arith.constant 0 : i32
      %dma_start3A_190 = tpu.memref_slice %arg8[%run_scoped3A, %run_scoped3A_136, %dma_start3A_189] : memref<3x1x80xi32, #tpu.memory_space<vmem>> -> memref<1x1x80xi32, #tpu.memory_space<vmem>>
      %dma_start3A_191 = tpu.memref_squeeze %dma_start3A_190 : memref<1x1x80xi32, #tpu.memory_space<vmem>> -> memref<80xi32, #tpu.memory_space<vmem>>
      %dma_start3A_192 = arith.constant 0 : i32
      %dma_start3A_193 = arith.constant 0 : i32
      %dma_start3A_194 = tpu.memref_slice %arg18[%dma_start3A_192, %dma_start3A_193] : memref<10000x128xf32, #tpu.memory_space<vmem_shared>> -> memref<10000x128xf32, #tpu.memory_space<vmem_shared>>
      tpu.enqueue_indirect_dma source(%arg9 : memref<80x128xf32, #tpu.memory_space<vmem>>) target(%dma_start3A_194 : memref<10000x128xf32, #tpu.memory_space<vmem_shared>>) offsets(%dma_start3A_191 : memref<80xi32, #tpu.memory_space<vmem>>) semaphore(%run_scoped3A_188 : memref<!tpu.dma_semaphore, #tpu.memory_space<semaphore_mem>>) {add = true}
      %dma_wait3A_195 = arith.constant 0 : i32
      %dma_wait3A_196 = tpu.memref_slice %arg8[%run_scoped3A, %run_scoped3A_136, %dma_wait3A_195] : memref<3x1x80xi32, #tpu.memory_space<vmem>> -> memref<1x1x80xi32, #tpu.memory_space<vmem>>
      %dma_wait3A_197 = tpu.memref_squeeze %dma_wait3A_196 : memref<1x1x80xi32, #tpu.memory_space<vmem>> -> memref<80xi32, #tpu.memory_space<vmem>>
      %dma_wait3A_198 = arith.constant 0 : i32
      %dma_wait3A_199 = arith.constant 0 : i32
      %dma_wait3A_200 = tpu.memref_slice %arg18[%dma_wait3A_198, %dma_wait3A_199] : memref<10000x128xf32, #tpu.memory_space<vmem_shared>> -> memref<10000x128xf32, #tpu.memory_space<vmem_shared>>
      tpu.wait_indirect_dma semaphore(%run_scoped3A_188 : memref<!tpu.dma_semaphore, #tpu.memory_space<semaphore_mem>>) src(%arg9 : memref<80x128xf32, #tpu.memory_space<vmem>>) dst(%dma_wait3A_200 : memref<10000x128xf32, #tpu.memory_space<vmem_shared>>)
      tpu.yield
    }) : () -> ()
    %dma_wait3A_137 = arith.constant 9920 : i32
    %dma_wait3A_138 = tpu.memref_slice %arg7[%dma_wait3A_137] : memref<10000xi32, #tpu.memory_space<vmem>> -> memref<80xi32, #tpu.memory_space<vmem>>
    %dma_wait3A_139 = arith.constant 0 : i32
    %dma_wait3A_140 = arith.constant 0 : i32
    %dma_wait3A_141 = tpu.memref_slice %arg2[%dma_wait3A_139, %dma_wait3A_140] : memref<10000x128xf32, #tpu.memory_space<hbm>> -> memref<10000x128xf32, #tpu.memory_space<hbm>>
    tpu.wait_indirect_dma semaphore(%arg13 : memref<!tpu.dma_semaphore, #tpu.memory_space<semaphore_mem>>) src(%dma_wait3A_141 : memref<10000x128xf32, #tpu.memory_space<hbm>>) dst(%arg10 : memref<80x128xf32, #tpu.memory_space<vmem>>)
    %dma_wait3A_142 = arith.constant 124 : i32
    %dma_wait3A_143 = arith.constant 1 : i32
    %dma_wait3A_144 = arith.constant 0 : i32
    %dma_wait3A_145 = arith.constant 0 : i32
    %dma_wait3A_146 = tpu.memref_slice %arg8[%dma_wait3A_143, %dma_wait3A_144, %dma_wait3A_145] : memref<3x1x80xi32, #tpu.memory_space<vmem>> -> memref<1x1x80xi32, #tpu.memory_space<vmem>>
    %dma_wait3A_147 = tpu.memref_squeeze %dma_wait3A_146 : memref<1x1x80xi32, #tpu.memory_space<vmem>> -> memref<1x80xi32, #tpu.memory_space<vmem>>
    %dma_wait3A_148 = arith.constant 0 : i32
    %dma_wait3A_149 = arith.constant 0 : i32
    %dma_wait3A_150 = tpu.memref_slice %arg4[%add3A, %dma_wait3A_142, %dma_wait3A_148, %dma_wait3A_149] : memref<32x125x1x80xi32, #tpu.memory_space<hbm>> -> memref<1x1x1x80xi32, #tpu.memory_space<hbm>>
    %dma_wait3A_151 = tpu.memref_squeeze %dma_wait3A_150 : memref<1x1x1x80xi32, #tpu.memory_space<hbm>> -> memref<1x80xi32, #tpu.memory_space<hbm>>
    %dma_wait3A_152 = arith.constant 0 : i32
    %dma_wait3A_153 = arith.constant 0 : i32
    %dma_wait3A_154 = tpu.memref_slice %arg8[%dma_wait3A_143, %dma_wait3A_152, %dma_wait3A_153] : memref<3x1x80xi32, #tpu.memory_space<vmem>> -> memref<1x1x80xi32, #tpu.memory_space<vmem>>
    %dma_wait3A_155 = tpu.memref_squeeze %dma_wait3A_154 : memref<1x1x80xi32, #tpu.memory_space<vmem>> -> memref<1x80xi32, #tpu.memory_space<vmem>>
    %dma_wait3A_156 = arith.constant 0 : i32
    %dma_wait3A_157 = arith.constant 0 : i32
    %dma_wait3A_158 = tpu.memref_slice %arg4[%add3A, %dma_wait3A_142, %dma_wait3A_156, %dma_wait3A_157] : memref<32x125x1x80xi32, #tpu.memory_space<hbm>> -> memref<1x1x1x80xi32, #tpu.memory_space<hbm>>
    %dma_wait3A_159 = tpu.memref_squeeze %dma_wait3A_158 : memref<1x1x1x80xi32, #tpu.memory_space<hbm>> -> memref<1x80xi32, #tpu.memory_space<hbm>>
    tpu.wait_dma2 semaphore(%arg16 : memref<!tpu.dma_semaphore, #tpu.memory_space<semaphore_mem>>) src(%dma_wait3A_159 : memref<1x80xi32, #tpu.memory_space<hbm>>) dst(%dma_wait3A_155 : memref<1x80xi32, #tpu.memory_space<vmem>>)
    %run_scoped3A_160 = arith.constant 1 : i32
    %run_scoped3A_161 = arith.constant 0 : i32
    "tpu.region"() ({
      %run_scoped3A_188 = tpu.sem_alloc : memref<!tpu.dma_semaphore, #tpu.memory_space<semaphore_mem>>
      %dma_start3A_189 = arith.constant 0 : i32
      %dma_start3A_190 = tpu.memref_slice %arg8[%run_scoped3A_160, %run_scoped3A_161, %dma_start3A_189] : memref<3x1x80xi32, #tpu.memory_space<vmem>> -> memref<1x1x80xi32, #tpu.memory_space<vmem>>
      %dma_start3A_191 = tpu.memref_squeeze %dma_start3A_190 : memref<1x1x80xi32, #tpu.memory_space<vmem>> -> memref<80xi32, #tpu.memory_space<vmem>>
      %dma_start3A_192 = arith.constant 0 : i32
      %dma_start3A_193 = arith.constant 0 : i32
      %dma_start3A_194 = tpu.memref_slice %arg18[%dma_start3A_192, %dma_start3A_193] : memref<10000x128xf32, #tpu.memory_space<vmem_shared>> -> memref<10000x128xf32, #tpu.memory_space<vmem_shared>>
      tpu.enqueue_indirect_dma source(%arg10 : memref<80x128xf32, #tpu.memory_space<vmem>>) target(%dma_start3A_194 : memref<10000x128xf32, #tpu.memory_space<vmem_shared>>) offsets(%dma_start3A_191 : memref<80xi32, #tpu.memory_space<vmem>>) semaphore(%run_scoped3A_188 : memref<!tpu.dma_semaphore, #tpu.memory_space<semaphore_mem>>) {add = true}
      %dma_wait3A_195 = arith.constant 0 : i32
      %dma_wait3A_196 = tpu.memref_slice %arg8[%run_scoped3A_160, %run_scoped3A_161, %dma_wait3A_195] : memref<3x1x80xi32, #tpu.memory_space<vmem>> -> memref<1x1x80xi32, #tpu.memory_space<vmem>>
      %dma_wait3A_197 = tpu.memref_squeeze %dma_wait3A_196 : memref<1x1x80xi32, #tpu.memory_space<vmem>> -> memref<80xi32, #tpu.memory_space<vmem>>
      %dma_wait3A_198 = arith.constant 0 : i32
      %dma_wait3A_199 = arith.constant 0 : i32
      %dma_wait3A_200 = tpu.memref_slice %arg18[%dma_wait3A_198, %dma_wait3A_199] : memref<10000x128xf32, #tpu.memory_space<vmem_shared>> -> memref<10000x128xf32, #tpu.memory_space<vmem_shared>>
      tpu.wait_indirect_dma semaphore(%run_scoped3A_188 : memref<!tpu.dma_semaphore, #tpu.memory_space<semaphore_mem>>) src(%arg10 : memref<80x128xf32, #tpu.memory_space<vmem>>) dst(%dma_wait3A_200 : memref<10000x128xf32, #tpu.memory_space<vmem_shared>>)
      tpu.yield
    }) : () -> ()
    %barrier3A_162 = arith.constant 0 : index
    tpu.barrier barrier_id(%barrier3A_162)
    %eq3A_163 = arith.constant 0 : i32
    %eq3A_164 = arith.cmpi eq, %arg0, %eq3A_163 : i32
    %convert_element_type3A_165 = arith.extui %eq3A_164 : i1 to i32
    %cond3A_166 = arith.constant 0 : i32
    %cond3A_167 = arith.cmpi ne, %convert_element_type3A_165, %cond3A_166 : i32
    scf.if %cond3A_167 {
      %mul3A_188 = arith.constant 624 : i32
      %mul3A_189 = arith.muli %arg1, %mul3A_188 : i32
      %mul3A_190 = arith.constant 624 : i32
      %mul3A_191 = arith.muli %arg1, %mul3A_190 : i32
      "tpu.region"() ({
        %run_scoped3A_192 = tpu.sem_alloc : memref<!tpu.dma_semaphore, #tpu.memory_space<semaphore_mem>>
        %dma_start3A_193 = arith.constant 0 : i32
        %dma_start3A_194 = tpu.memref_slice %arg5[%mul3A_191, %dma_start3A_193] : memref<10000x128xf32, #tpu.memory_space<hbm>> -> memref<624x128xf32, #tpu.memory_space<hbm>>
        %dma_start3A_195 = arith.constant 0 : i32
        %dma_start3A_196 = tpu.memref_slice %arg18[%mul3A_189, %dma_start3A_195] : memref<10000x128xf32, #tpu.memory_space<vmem_shared>> -> memref<624x128xf32, #tpu.memory_space<vmem_shared>>
        tpu.enqueue_dma source(%dma_start3A_196 : memref<624x128xf32, #tpu.memory_space<vmem_shared>>) target(%dma_start3A_194 : memref<624x128xf32, #tpu.memory_space<hbm>>) target_semaphore(%run_scoped3A_192 : memref<!tpu.dma_semaphore, #tpu.memory_space<semaphore_mem>>)
        %dma_wait3A_197 = arith.constant 0 : i32
        %dma_wait3A_198 = tpu.memref_slice %arg5[%mul3A_191, %dma_wait3A_197] : memref<10000x128xf32, #tpu.memory_space<hbm>> -> memref<624x128xf32, #tpu.memory_space<hbm>>
        %dma_wait3A_199 = arith.constant 0 : i32
        %dma_wait3A_200 = tpu.memref_slice %arg18[%mul3A_189, %dma_wait3A_199] : memref<10000x128xf32, #tpu.memory_space<vmem_shared>> -> memref<624x128xf32, #tpu.memory_space<vmem_shared>>
        tpu.wait_dma2 semaphore(%run_scoped3A_192 : memref<!tpu.dma_semaphore, #tpu.memory_space<semaphore_mem>>) src(%dma_wait3A_200 : memref<624x128xf32, #tpu.memory_space<vmem_shared>>) dst(%dma_wait3A_198 : memref<624x128xf32, #tpu.memory_space<hbm>>)
        tpu.yield
      }) : () -> ()
    } else {
    }
    %eq3A_168 = arith.constant 1 : i32
    %eq3A_169 = arith.cmpi eq, %arg0, %eq3A_168 : i32
    %convert_element_type3A_170 = arith.extui %eq3A_169 : i1 to i32
    %cond3A_171 = arith.constant 0 : i32
    %cond3A_172 = arith.cmpi ne, %convert_element_type3A_170, %cond3A_171 : i32
    scf.if %cond3A_172 {
      %mul3A_188 = arith.constant 624 : i32
      %mul3A_189 = arith.muli %arg1, %mul3A_188 : i32
      %mul3A_190 = arith.constant 624 : i32
      %mul3A_191 = arith.muli %arg1, %mul3A_190 : i32
      "tpu.region"() ({
        %run_scoped3A_192 = tpu.sem_alloc : memref<!tpu.dma_semaphore, #tpu.memory_space<semaphore_mem>>
        %dma_start3A_193 = arith.constant 0 : i32
        %dma_start3A_194 = tpu.memref_slice %arg6[%mul3A_191, %dma_start3A_193] : memref<10000x128xf32, #tpu.memory_space<hbm>> -> memref<624x128xf32, #tpu.memory_space<hbm>>
        %dma_start3A_195 = arith.constant 0 : i32
        %dma_start3A_196 = tpu.memref_slice %arg18[%mul3A_189, %dma_start3A_195] : memref<10000x128xf32, #tpu.memory_space<vmem_shared>> -> memref<624x128xf32, #tpu.memory_space<vmem_shared>>
        tpu.enqueue_dma source(%dma_start3A_196 : memref<624x128xf32, #tpu.memory_space<vmem_shared>>) target(%dma_start3A_194 : memref<624x128xf32, #tpu.memory_space<hbm>>) target_semaphore(%run_scoped3A_192 : memref<!tpu.dma_semaphore, #tpu.memory_space<semaphore_mem>>)
        %dma_wait3A_197 = arith.constant 0 : i32
        %dma_wait3A_198 = tpu.memref_slice %arg6[%mul3A_191, %dma_wait3A_197] : memref<10000x128xf32, #tpu.memory_space<hbm>> -> memref<624x128xf32, #tpu.memory_space<hbm>>
        %dma_wait3A_199 = arith.constant 0 : i32
        %dma_wait3A_200 = tpu.memref_slice %arg18[%mul3A_189, %dma_wait3A_199] : memref<10000x128xf32, #tpu.memory_space<vmem_shared>> -> memref<624x128xf32, #tpu.memory_space<vmem_shared>>
        tpu.wait_dma2 semaphore(%run_scoped3A_192 : memref<!tpu.dma_semaphore, #tpu.memory_space<semaphore_mem>>) src(%dma_wait3A_200 : memref<624x128xf32, #tpu.memory_space<vmem_shared>>) dst(%dma_wait3A_198 : memref<624x128xf32, #tpu.memory_space<hbm>>)
        tpu.yield
      }) : () -> ()
    } else {
    }
    %eq3A_173 = arith.constant 0 : i32
    %eq3A_174 = arith.cmpi eq, %arg1, %eq3A_173 : i32
    %eq3A_175 = arith.constant 0 : i32
    %eq3A_176 = arith.cmpi eq, %arg0, %eq3A_175 : i32
    %and3A = arith.andi %eq3A_174, %eq3A_176 : i1
    %convert_element_type3A_177 = arith.extui %and3A : i1 to i32
    %cond3A_178 = arith.constant 0 : i32
    %cond3A_179 = arith.cmpi ne, %convert_element_type3A_177, %cond3A_178 : i32
    scf.if %cond3A_179 {
      "tpu.region"() ({
        %run_scoped3A_188 = tpu.sem_alloc : memref<!tpu.dma_semaphore, #tpu.memory_space<semaphore_mem>>
        %dma_start3A_189 = arith.constant 9984 : i32
        %dma_start3A_190 = arith.constant 0 : i32
        %dma_start3A_191 = tpu.memref_slice %arg5[%dma_start3A_189, %dma_start3A_190] : memref<10000x128xf32, #tpu.memory_space<hbm>> -> memref<16x128xf32, #tpu.memory_space<hbm>>
        %dma_start3A_192 = arith.constant 9984 : i32
        %dma_start3A_193 = arith.constant 0 : i32
        %dma_start3A_194 = tpu.memref_slice %arg18[%dma_start3A_192, %dma_start3A_193] : memref<10000x128xf32, #tpu.memory_space<vmem_shared>> -> memref<16x128xf32, #tpu.memory_space<vmem_shared>>
        tpu.enqueue_dma source(%dma_start3A_194 : memref<16x128xf32, #tpu.memory_space<vmem_shared>>) target(%dma_start3A_191 : memref<16x128xf32, #tpu.memory_space<hbm>>) target_semaphore(%run_scoped3A_188 : memref<!tpu.dma_semaphore, #tpu.memory_space<semaphore_mem>>)
        %dma_wait3A_195 = arith.constant 9984 : i32
        %dma_wait3A_196 = arith.constant 0 : i32
        %dma_wait3A_197 = tpu.memref_slice %arg5[%dma_wait3A_195, %dma_wait3A_196] : memref<10000x128xf32, #tpu.memory_space<hbm>> -> memref<16x128xf32, #tpu.memory_space<hbm>>
        %dma_wait3A_198 = arith.constant 9984 : i32
        %dma_wait3A_199 = arith.constant 0 : i32
        %dma_wait3A_200 = tpu.memref_slice %arg18[%dma_wait3A_198, %dma_wait3A_199] : memref<10000x128xf32, #tpu.memory_space<vmem_shared>> -> memref<16x128xf32, #tpu.memory_space<vmem_shared>>
        tpu.wait_dma2 semaphore(%run_scoped3A_188 : memref<!tpu.dma_semaphore, #tpu.memory_space<semaphore_mem>>) src(%dma_wait3A_200 : memref<16x128xf32, #tpu.memory_space<vmem_shared>>) dst(%dma_wait3A_197 : memref<16x128xf32, #tpu.memory_space<hbm>>)
        tpu.yield
      }) : () -> ()
    } else {
    }
    %eq3A_180 = arith.constant 0 : i32
    %eq3A_181 = arith.cmpi eq, %arg1, %eq3A_180 : i32
    %eq3A_182 = arith.constant 1 : i32
    %eq3A_183 = arith.cmpi eq, %arg0, %eq3A_182 : i32
    %and3A_184 = arith.andi %eq3A_181, %eq3A_183 : i1
    %convert_element_type3A_185 = arith.extui %and3A_184 : i1 to i32
    %cond3A_186 = arith.constant 0 : i32
    %cond3A_187 = arith.cmpi ne, %convert_element_type3A_185, %cond3A_186 : i32
    scf.if %cond3A_187 {
      "tpu.region"() ({
        %run_scoped3A_188 = tpu.sem_alloc : memref<!tpu.dma_semaphore, #tpu.memory_space<semaphore_mem>>
        %dma_start3A_189 = arith.constant 9984 : i32
        %dma_start3A_190 = arith.constant 0 : i32
        %dma_start3A_191 = tpu.memref_slice %arg6[%dma_start3A_189, %dma_start3A_190] : memref<10000x128xf32, #tpu.memory_space<hbm>> -> memref<16x128xf32, #tpu.memory_space<hbm>>
        %dma_start3A_192 = arith.constant 9984 : i32
        %dma_start3A_193 = arith.constant 0 : i32
        %dma_start3A_194 = tpu.memref_slice %arg18[%dma_start3A_192, %dma_start3A_193] : memref<10000x128xf32, #tpu.memory_space<vmem_shared>> -> memref<16x128xf32, #tpu.memory_space<vmem_shared>>
        tpu.enqueue_dma source(%dma_start3A_194 : memref<16x128xf32, #tpu.memory_space<vmem_shared>>) target(%dma_start3A_191 : memref<16x128xf32, #tpu.memory_space<hbm>>) target_semaphore(%run_scoped3A_188 : memref<!tpu.dma_semaphore, #tpu.memory_space<semaphore_mem>>)
        %dma_wait3A_195 = arith.constant 9984 : i32
        %dma_wait3A_196 = arith.constant 0 : i32
        %dma_wait3A_197 = tpu.memref_slice %arg6[%dma_wait3A_195, %dma_wait3A_196] : memref<10000x128xf32, #tpu.memory_space<hbm>> -> memref<16x128xf32, #tpu.memory_space<hbm>>
        %dma_wait3A_198 = arith.constant 9984 : i32
        %dma_wait3A_199 = arith.constant 0 : i32
        %dma_wait3A_200 = tpu.memref_slice %arg18[%dma_wait3A_198, %dma_wait3A_199] : memref<10000x128xf32, #tpu.memory_space<vmem_shared>> -> memref<16x128xf32, #tpu.memory_space<vmem_shared>>
        tpu.wait_dma2 semaphore(%run_scoped3A_188 : memref<!tpu.dma_semaphore, #tpu.memory_space<semaphore_mem>>) src(%dma_wait3A_200 : memref<16x128xf32, #tpu.memory_space<vmem_shared>>) dst(%dma_wait3A_197 : memref<16x128xf32, #tpu.memory_space<hbm>>)
        tpu.yield
      }) : () -> ()
    } else {
    }
    return
  }
}

#map = affine_map<(d0, d1) -> (0, 0)>
#map1 = affine_map<(d0, d1) -> (0, 0, 0, 0)>
module attributes {stable_mosaic.version = 14 : i64} {
  func.func @_prop_body(%arg0: i32, %arg1: i32, %arg2: memref<10000x128xf32, #tpu.memory_space<hbm>>, %arg3: memref<32x10000xi32, #tpu.memory_space<hbm>>, %arg4: memref<32x125x1x80xi32, #tpu.memory_space<hbm>>, %arg5: memref<10000x128xf32, #tpu.memory_space<hbm>>, %arg6: memref<10000x128xf32, #tpu.memory_space<hbm>>, %arg7: memref<10000xi32, #tpu.memory_space<vmem>>, %arg8: memref<3x1x80xi32, #tpu.memory_space<vmem>>, %arg9: memref<80x128xf32, #tpu.memory_space<vmem>>, %arg10: memref<80x128xf32, #tpu.memory_space<vmem>>, %arg11: memref<80x128xf32, #tpu.memory_space<vmem>>, %arg12: memref<!tpu.dma_semaphore, #tpu.memory_space<semaphore_mem>>, %arg13: memref<!tpu.dma_semaphore, #tpu.memory_space<semaphore_mem>>, %arg14: memref<!tpu.dma_semaphore, #tpu.memory_space<semaphore_mem>>, %arg15: memref<!tpu.dma_semaphore, #tpu.memory_space<semaphore_mem>>, %arg16: memref<!tpu.dma_semaphore, #tpu.memory_space<semaphore_mem>>, %arg17: memref<!tpu.dma_semaphore, #tpu.memory_space<semaphore_mem>>, %arg18: memref<10000x128xf32, #tpu.memory_space<vmem_shared>>) attributes {dimension_semantics = [#tpu.dimension_semantics<core_parallel>, #tpu.dimension_semantics<subcore_parallel>], iteration_bounds = array<i64: 2, 16>, scalar_prefetch = 0 : i64, scratch_operands = 12 : i64, tpu.core_type = #tpu.core_type<sc_vector_subcore>, window_params = [{transform_indices = #map}, {transform_indices = #map}, {transform_indices = #map1}, {transform_indices = #map}, {transform_indices = #map}]} {
    %mul3A = arith.constant 16 : i32
    %mul3A_0 = arith.muli %arg0, %mul3A : i32
    %add3A = arith.addi %mul3A_0, %arg1 : i32
    %scan3A = arith.constant 0 : i32
    %scan3A_1 = arith.constant 0 : i32
    %scan3A_2 = arith.constant 80 : i32
    %scan3A_3 = arith.addi %scan3A_1, %scan3A_2 : i32
    %scan3A_4 = arith.constant 1 : i32
    scf.for %scan3A_188 = %scan3A_1 to %scan3A_3 step %scan3A_4  : i32 {
      %broadcast_in_dim3A = arith.constant 0.000000e+00 : f32
      %broadcast_in_dim3A_189 = vector.broadcast %broadcast_in_dim3A : f32 to vector<16xf32>
      %swap3A = arith.index_cast %scan3A_188 : i32 to index
      %swap3A_190 = arith.constant 0 : index
      %swap3A_191 = tpu.vector_load %arg9[%swap3A, %swap3A_190] {strides = array<i32>} : memref<80x128xf32, #tpu.memory_space<vmem>>, vector<1x16xf32>,
      %swap3A_192 = vector.shape_cast %swap3A_191 : vector<1x16xf32> to vector<16xf32>
      %swap3A_193 = vector.shape_cast %broadcast_in_dim3A_189 : vector<16xf32> to vector<1x16xf32>
      tpu.vector_store %arg9[%swap3A, %swap3A_190], %swap3A_193 {strides = array<i32>} : memref<80x128xf32, #tpu.memory_space<vmem>>, vector<1x16xf32>,
      %broadcast_in_dim3A_194 = arith.constant 0.000000e+00 : f32
      %broadcast_in_dim3A_195 = vector.broadcast %broadcast_in_dim3A_194 : f32 to vector<16xf32>
      %swap3A_196 = arith.index_cast %scan3A_188 : i32 to index
      %swap3A_197 = arith.constant 16 : index
      %swap3A_198 = tpu.vector_load %arg9[%swap3A_196, %swap3A_197] {strides = array<i32>} : memref<80x128xf32, #tpu.memory_space<vmem>>, vector<1x16xf32>,
      %swap3A_199 = vector.shape_cast %swap3A_198 : vector<1x16xf32> to vector<16xf32>
      %swap3A_200 = vector.shape_cast %broadcast_in_dim3A_195 : vector<16xf32> to vector<1x16xf32>
      tpu.vector_store %arg9[%swap3A_196, %swap3A_197], %swap3A_200 {strides = array<i32>} : memref<80x128xf32, #tpu.memory_space<vmem>>, vector<1x16xf32>,
      %broadcast_in_dim3A_201 = arith.constant 0.000000e+00 : f32
      %broadcast_in_dim3A_202 = vector.broadcast %broadcast_in_dim3A_201 : f32 to vector<16xf32>
      %swap3A_203 = arith.index_cast %scan3A_188 : i32 to index
      %swap3A_204 = arith.constant 32 : index
      %swap3A_205 = tpu.vector_load %arg9[%swap3A_203, %swap3A_204] {strides = array<i32>} : memref<80x128xf32, #tpu.memory_space<vmem>>, vector<1x16xf32>,
      %swap3A_206 = vector.shape_cast %swap3A_205 : vector<1x16xf32> to vector<16xf32>
      %swap3A_207 = vector.shape_cast %broadcast_in_dim3A_202 : vector<16xf32> to vector<1x16xf32>
      tpu.vector_store %arg9[%swap3A_203, %swap3A_204], %swap3A_207 {strides = array<i32>} : memref<80x128xf32, #tpu.memory_space<vmem>>, vector<1x16xf32>,
      %broadcast_in_dim3A_208 = arith.constant 0.000000e+00 : f32
      %broadcast_in_dim3A_209 = vector.broadcast %broadcast_in_dim3A_208 : f32 to vector<16xf32>
      %swap3A_210 = arith.index_cast %scan3A_188 : i32 to index
      %swap3A_211 = arith.constant 48 : index
      %swap3A_212 = tpu.vector_load %arg9[%swap3A_210, %swap3A_211] {strides = array<i32>} : memref<80x128xf32, #tpu.memory_space<vmem>>, vector<1x16xf32>,
      %swap3A_213 = vector.shape_cast %swap3A_212 : vector<1x16xf32> to vector<16xf32>
      %swap3A_214 = vector.shape_cast %broadcast_in_dim3A_209 : vector<16xf32> to vector<1x16xf32>
      tpu.vector_store %arg9[%swap3A_210, %swap3A_211], %swap3A_214 {strides = array<i32>} : memref<80x128xf32, #tpu.memory_space<vmem>>, vector<1x16xf32>,
      %broadcast_in_dim3A_215 = arith.constant 0.000000e+00 : f32
      %broadcast_in_dim3A_216 = vector.broadcast %broadcast_in_dim3A_215 : f32 to vector<16xf32>
      %swap3A_217 = arith.index_cast %scan3A_188 : i32 to index
      %swap3A_218 = arith.constant 64 : index
      %swap3A_219 = tpu.vector_load %arg9[%swap3A_217, %swap3A_218] {strides = array<i32>} : memref<80x128xf32, #tpu.memory_space<vmem>>, vector<1x16xf32>,
      %swap3A_220 = vector.shape_cast %swap3A_219 : vector<1x16xf32> to vector<16xf32>
      %swap3A_221 = vector.shape_cast %broadcast_in_dim3A_216 : vector<16xf32> to vector<1x16xf32>
      tpu.vector_store %arg9[%swap3A_217, %swap3A_218], %swap3A_221 {strides = array<i32>} : memref<80x128xf32, #tpu.memory_space<vmem>>, vector<1x16xf32>,
      %broadcast_in_dim3A_222 = arith.constant 0.000000e+00 : f32
      %broadcast_in_dim3A_223 = vector.broadcast %broadcast_in_dim3A_222 : f32 to vector<16xf32>
      %swap3A_224 = arith.index_cast %scan3A_188 : i32 to index
      %swap3A_225 = arith.constant 80 : index
      %swap3A_226 = tpu.vector_load %arg9[%swap3A_224, %swap3A_225] {strides = array<i32>} : memref<80x128xf32, #tpu.memory_space<vmem>>, vector<1x16xf32>,
      %swap3A_227 = vector.shape_cast %swap3A_226 : vector<1x16xf32> to vector<16xf32>
      %swap3A_228 = vector.shape_cast %broadcast_in_dim3A_223 : vector<16xf32> to vector<1x16xf32>
      tpu.vector_store %arg9[%swap3A_224, %swap3A_225], %swap3A_228 {strides = array<i32>} : memref<80x128xf32, #tpu.memory_space<vmem>>, vector<1x16xf32>,
      %broadcast_in_dim3A_229 = arith.constant 0.000000e+00 : f32
      %broadcast_in_dim3A_230 = vector.broadcast %broadcast_in_dim3A_229 : f32 to vector<16xf32>
      %swap3A_231 = arith.index_cast %scan3A_188 : i32 to index
      %swap3A_232 = arith.constant 96 : index
      %swap3A_233 = tpu.vector_load %arg9[%swap3A_231, %swap3A_232] {strides = array<i32>} : memref<80x128xf32, #tpu.memory_space<vmem>>, vector<1x16xf32>,
      %swap3A_234 = vector.shape_cast %swap3A_233 : vector<1x16xf32> to vector<16xf32>
      %swap3A_235 = vector.shape_cast %broadcast_in_dim3A_230 : vector<16xf32> to vector<1x16xf32>
      tpu.vector_store %arg9[%swap3A_231, %swap3A_232], %swap3A_235 {strides = array<i32>} : memref<80x128xf32, #tpu.memory_space<vmem>>, vector<1x16xf32>,
      %broadcast_in_dim3A_236 = arith.constant 0.000000e+00 : f32
      %broadcast_in_dim3A_237 = vector.broadcast %broadcast_in_dim3A_236 : f32 to vector<16xf32>
      %swap3A_238 = arith.index_cast %scan3A_188 : i32 to index
      %swap3A_239 = arith.constant 112 : index
      %swap3A_240 = tpu.vector_load %arg9[%swap3A_238, %swap3A_239] {strides = array<i32>} : memref<80x128xf32, #tpu.memory_space<vmem>>, vector<1x16xf32>,
      %swap3A_241 = vector.shape_cast %swap3A_240 : vector<1x16xf32> to vector<16xf32>
      %swap3A_242 = vector.shape_cast %broadcast_in_dim3A_237 : vector<16xf32> to vector<1x16xf32>
      tpu.vector_store %arg9[%swap3A_238, %swap3A_239], %swap3A_242 {strides = array<i32>} : memref<80x128xf32, #tpu.memory_space<vmem>>, vector<1x16xf32>,
    }
    %scan3A_5 = arith.constant 80 : i32
    %mul3A_6 = arith.constant 624 : i32
    %mul3A_7 = arith.muli %arg1, %mul3A_6 : i32
    %add3A_8 = arith.constant 0 : i32
    %add3A_9 = arith.addi %mul3A_7, %add3A_8 : i32
    "tpu.region"() ({
      %run_scoped3A_188 = tpu.sem_alloc : memref<!tpu.dma_semaphore, #tpu.memory_space<semaphore_mem>>
      %dma_start3A_189 = arith.constant 0 : i32
      %dma_start3A_190 = tpu.memref_slice %arg18[%add3A_9, %dma_start3A_189] : memref<10000x128xf32, #tpu.memory_space<vmem_shared>> -> memref<80x128xf32, #tpu.memory_space<vmem_shared>>
      %dma_start3A_191 = arith.constant 0 : i32
      %dma_start3A_192 = tpu.memref_slice %arg18[%add3A_9, %dma_start3A_191] : memref<10000x128xf32, #tpu.memory_space<vmem_shared>> -> memref<80x128xf32, #tpu.memory_space<vmem_shared>>
      tpu.enqueue_dma source(%arg9 : memref<80x128xf32, #tpu.memory_space<vmem>>) target(%dma_start3A_192 : memref<80x128xf32, #tpu.memory_space<vmem_shared>>) target_semaphore(%run_scoped3A_188 : memref<!tpu.dma_semaphore, #tpu.memory_space<semaphore_mem>>)
      %dma_wait3A_193 = arith.constant 0 : i32
      %dma_wait3A_194 = tpu.memref_slice %arg18[%add3A_9, %dma_wait3A_193] : memref<10000x128xf32, #tpu.memory_space<vmem_shared>> -> memref<80x128xf32, #tpu.memory_space<vmem_shared>>
      %dma_wait3A_195 = arith.constant 0 : i32
      %dma_wait3A_196 = tpu.memref_slice %arg18[%add3A_9, %dma_wait3A_195] : memref<10000x128xf32, #tpu.memory_space<vmem_shared>> -> memref<80x128xf32, #tpu.memory_space<vmem_shared>>
      tpu.wait_dma2 semaphore(%run_scoped3A_188 : memref<!tpu.dma_semaphore, #tpu.memory_space<semaphore_mem>>) src(%arg9 : memref<80x128xf32, #tpu.memory_space<vmem>>) dst(%dma_wait3A_196 : memref<80x128xf32, #tpu.memory_space<vmem_shared>>)
      tpu.yield
    }) : () -> ()
    %mul3A_10 = arith.constant 624 : i32
    %mul3A_11 = arith.muli %arg1, %mul3A_10 : i32
    %add3A_12 = arith.constant 80 : i32
    %add3A_13 = arith.addi %mul3A_11, %add3A_12 : i32
    "tpu.region"() ({
      %run_scoped3A_188 = tpu.sem_alloc : memref<!tpu.dma_semaphore, #tpu.memory_space<semaphore_mem>>
      %dma_start3A_189 = arith.constant 0 : i32
      %dma_start3A_190 = tpu.memref_slice %arg18[%add3A_13, %dma_start3A_189] : memref<10000x128xf32, #tpu.memory_space<vmem_shared>> -> memref<80x128xf32, #tpu.memory_space<vmem_shared>>
      %dma_start3A_191 = arith.constant 0 : i32
      %dma_start3A_192 = tpu.memref_slice %arg18[%add3A_13, %dma_start3A_191] : memref<10000x128xf32, #tpu.memory_space<vmem_shared>> -> memref<80x128xf32, #tpu.memory_space<vmem_shared>>
      tpu.enqueue_dma source(%arg9 : memref<80x128xf32, #tpu.memory_space<vmem>>) target(%dma_start3A_192 : memref<80x128xf32, #tpu.memory_space<vmem_shared>>) target_semaphore(%run_scoped3A_188 : memref<!tpu.dma_semaphore, #tpu.memory_space<semaphore_mem>>)
      %dma_wait3A_193 = arith.constant 0 : i32
      %dma_wait3A_194 = tpu.memref_slice %arg18[%add3A_13, %dma_wait3A_193] : memref<10000x128xf32, #tpu.memory_space<vmem_shared>> -> memref<80x128xf32, #tpu.memory_space<vmem_shared>>
      %dma_wait3A_195 = arith.constant 0 : i32
      %dma_wait3A_196 = tpu.memref_slice %arg18[%add3A_13, %dma_wait3A_195] : memref<10000x128xf32, #tpu.memory_space<vmem_shared>> -> memref<80x128xf32, #tpu.memory_space<vmem_shared>>
      tpu.wait_dma2 semaphore(%run_scoped3A_188 : memref<!tpu.dma_semaphore, #tpu.memory_space<semaphore_mem>>) src(%arg9 : memref<80x128xf32, #tpu.memory_space<vmem>>) dst(%dma_wait3A_196 : memref<80x128xf32, #tpu.memory_space<vmem_shared>>)
      tpu.yield
    }) : () -> ()
    %mul3A_14 = arith.constant 624 : i32
    %mul3A_15 = arith.muli %arg1, %mul3A_14 : i32
    %add3A_16 = arith.constant 160 : i32
    %add3A_17 = arith.addi %mul3A_15, %add3A_16 : i32
    "tpu.region"() ({
      %run_scoped3A_188 = tpu.sem_alloc : memref<!tpu.dma_semaphore, #tpu.memory_space<semaphore_mem>>
      %dma_start3A_189 = arith.constant 0 : i32
      %dma_start3A_190 = tpu.memref_slice %arg18[%add3A_17, %dma_start3A_189] : memref<10000x128xf32, #tpu.memory_space<vmem_shared>> -> memref<80x128xf32, #tpu.memory_space<vmem_shared>>
      %dma_start3A_191 = arith.constant 0 : i32
      %dma_start3A_192 = tpu.memref_slice %arg18[%add3A_17, %dma_start3A_191] : memref<10000x128xf32, #tpu.memory_space<vmem_shared>> -> memref<80x128xf32, #tpu.memory_space<vmem_shared>>
      tpu.enqueue_dma source(%arg9 : memref<80x128xf32, #tpu.memory_space<vmem>>) target(%dma_start3A_192 : memref<80x128xf32, #tpu.memory_space<vmem_shared>>) target_semaphore(%run_scoped3A_188 : memref<!tpu.dma_semaphore, #tpu.memory_space<semaphore_mem>>)
      %dma_wait3A_193 = arith.constant 0 : i32
      %dma_wait3A_194 = tpu.memref_slice %arg18[%add3A_17, %dma_wait3A_193] : memref<10000x128xf32, #tpu.memory_space<vmem_shared>> -> memref<80x128xf32, #tpu.memory_space<vmem_shared>>
      %dma_wait3A_195 = arith.constant 0 : i32
      %dma_wait3A_196 = tpu.memref_slice %arg18[%add3A_17, %dma_wait3A_195] : memref<10000x128xf32, #tpu.memory_space<vmem_shared>> -> memref<80x128xf32, #tpu.memory_space<vmem_shared>>
      tpu.wait_dma2 semaphore(%run_scoped3A_188 : memref<!tpu.dma_semaphore, #tpu.memory_space<semaphore_mem>>) src(%arg9 : memref<80x128xf32, #tpu.memory_space<vmem>>) dst(%dma_wait3A_196 : memref<80x128xf32, #tpu.memory_space<vmem_shared>>)
      tpu.yield
    }) : () -> ()
    %mul3A_18 = arith.constant 624 : i32
    %mul3A_19 = arith.muli %arg1, %mul3A_18 : i32
    %add3A_20 = arith.constant 240 : i32
    %add3A_21 = arith.addi %mul3A_19, %add3A_20 : i32
    "tpu.region"() ({
      %run_scoped3A_188 = tpu.sem_alloc : memref<!tpu.dma_semaphore, #tpu.memory_space<semaphore_mem>>
      %dma_start3A_189 = arith.constant 0 : i32
      %dma_start3A_190 = tpu.memref_slice %arg18[%add3A_21, %dma_start3A_189] : memref<10000x128xf32, #tpu.memory_space<vmem_shared>> -> memref<80x128xf32, #tpu.memory_space<vmem_shared>>
      %dma_start3A_191 = arith.constant 0 : i32
      %dma_start3A_192 = tpu.memref_slice %arg18[%add3A_21, %dma_start3A_191] : memref<10000x128xf32, #tpu.memory_space<vmem_shared>> -> memref<80x128xf32, #tpu.memory_space<vmem_shared>>
      tpu.enqueue_dma source(%arg9 : memref<80x128xf32, #tpu.memory_space<vmem>>) target(%dma_start3A_192 : memref<80x128xf32, #tpu.memory_space<vmem_shared>>) target_semaphore(%run_scoped3A_188 : memref<!tpu.dma_semaphore, #tpu.memory_space<semaphore_mem>>)
      %dma_wait3A_193 = arith.constant 0 : i32
      %dma_wait3A_194 = tpu.memref_slice %arg18[%add3A_21, %dma_wait3A_193] : memref<10000x128xf32, #tpu.memory_space<vmem_shared>> -> memref<80x128xf32, #tpu.memory_space<vmem_shared>>
      %dma_wait3A_195 = arith.constant 0 : i32
      %dma_wait3A_196 = tpu.memref_slice %arg18[%add3A_21, %dma_wait3A_195] : memref<10000x128xf32, #tpu.memory_space<vmem_shared>> -> memref<80x128xf32, #tpu.memory_space<vmem_shared>>
      tpu.wait_dma2 semaphore(%run_scoped3A_188 : memref<!tpu.dma_semaphore, #tpu.memory_space<semaphore_mem>>) src(%arg9 : memref<80x128xf32, #tpu.memory_space<vmem>>) dst(%dma_wait3A_196 : memref<80x128xf32, #tpu.memory_space<vmem_shared>>)
      tpu.yield
    }) : () -> ()
    %mul3A_22 = arith.constant 624 : i32
    %mul3A_23 = arith.muli %arg1, %mul3A_22 : i32
    %add3A_24 = arith.constant 320 : i32
    %add3A_25 = arith.addi %mul3A_23, %add3A_24 : i32
    "tpu.region"() ({
      %run_scoped3A_188 = tpu.sem_alloc : memref<!tpu.dma_semaphore, #tpu.memory_space<semaphore_mem>>
      %dma_start3A_189 = arith.constant 0 : i32
      %dma_start3A_190 = tpu.memref_slice %arg18[%add3A_25, %dma_start3A_189] : memref<10000x128xf32, #tpu.memory_space<vmem_shared>> -> memref<80x128xf32, #tpu.memory_space<vmem_shared>>
      %dma_start3A_191 = arith.constant 0 : i32
      %dma_start3A_192 = tpu.memref_slice %arg18[%add3A_25, %dma_start3A_191] : memref<10000x128xf32, #tpu.memory_space<vmem_shared>> -> memref<80x128xf32, #tpu.memory_space<vmem_shared>>
      tpu.enqueue_dma source(%arg9 : memref<80x128xf32, #tpu.memory_space<vmem>>) target(%dma_start3A_192 : memref<80x128xf32, #tpu.memory_space<vmem_shared>>) target_semaphore(%run_scoped3A_188 : memref<!tpu.dma_semaphore, #tpu.memory_space<semaphore_mem>>)
      %dma_wait3A_193 = arith.constant 0 : i32
      %dma_wait3A_194 = tpu.memref_slice %arg18[%add3A_25, %dma_wait3A_193] : memref<10000x128xf32, #tpu.memory_space<vmem_shared>> -> memref<80x128xf32, #tpu.memory_space<vmem_shared>>
      %dma_wait3A_195 = arith.constant 0 : i32
      %dma_wait3A_196 = tpu.memref_slice %arg18[%add3A_25, %dma_wait3A_195] : memref<10000x128xf32, #tpu.memory_space<vmem_shared>> -> memref<80x128xf32, #tpu.memory_space<vmem_shared>>
      tpu.wait_dma2 semaphore(%run_scoped3A_188 : memref<!tpu.dma_semaphore, #tpu.memory_space<semaphore_mem>>) src(%arg9 : memref<80x128xf32, #tpu.memory_space<vmem>>) dst(%dma_wait3A_196 : memref<80x128xf32, #tpu.memory_space<vmem_shared>>)
      tpu.yield
    }) : () -> ()
    %mul3A_26 = arith.constant 624 : i32
    %mul3A_27 = arith.muli %arg1, %mul3A_26 : i32
    %add3A_28 = arith.constant 400 : i32
    %add3A_29 = arith.addi %mul3A_27, %add3A_28 : i32
    "tpu.region"() ({
      %run_scoped3A_188 = tpu.sem_alloc : memref<!tpu.dma_semaphore, #tpu.memory_space<semaphore_mem>>
      %dma_start3A_189 = arith.constant 0 : i32
      %dma_start3A_190 = tpu.memref_slice %arg18[%add3A_29, %dma_start3A_189] : memref<10000x128xf32, #tpu.memory_space<vmem_shared>> -> memref<80x128xf32, #tpu.memory_space<vmem_shared>>
      %dma_start3A_191 = arith.constant 0 : i32
      %dma_start3A_192 = tpu.memref_slice %arg18[%add3A_29, %dma_start3A_191] : memref<10000x128xf32, #tpu.memory_space<vmem_shared>> -> memref<80x128xf32, #tpu.memory_space<vmem_shared>>
      tpu.enqueue_dma source(%arg9 : memref<80x128xf32, #tpu.memory_space<vmem>>) target(%dma_start3A_192 : memref<80x128xf32, #tpu.memory_space<vmem_shared>>) target_semaphore(%run_scoped3A_188 : memref<!tpu.dma_semaphore, #tpu.memory_space<semaphore_mem>>)
      %dma_wait3A_193 = arith.constant 0 : i32
      %dma_wait3A_194 = tpu.memref_slice %arg18[%add3A_29, %dma_wait3A_193] : memref<10000x128xf32, #tpu.memory_space<vmem_shared>> -> memref<80x128xf32, #tpu.memory_space<vmem_shared>>
      %dma_wait3A_195 = arith.constant 0 : i32
      %dma_wait3A_196 = tpu.memref_slice %arg18[%add3A_29, %dma_wait3A_195] : memref<10000x128xf32, #tpu.memory_space<vmem_shared>> -> memref<80x128xf32, #tpu.memory_space<vmem_shared>>
      tpu.wait_dma2 semaphore(%run_scoped3A_188 : memref<!tpu.dma_semaphore, #tpu.memory_space<semaphore_mem>>) src(%arg9 : memref<80x128xf32, #tpu.memory_space<vmem>>) dst(%dma_wait3A_196 : memref<80x128xf32, #tpu.memory_space<vmem_shared>>)
      tpu.yield
    }) : () -> ()
    %mul3A_30 = arith.constant 624 : i32
    %mul3A_31 = arith.muli %arg1, %mul3A_30 : i32
    %add3A_32 = arith.constant 480 : i32
    %add3A_33 = arith.addi %mul3A_31, %add3A_32 : i32
    "tpu.region"() ({
      %run_scoped3A_188 = tpu.sem_alloc : memref<!tpu.dma_semaphore, #tpu.memory_space<semaphore_mem>>
      %dma_start3A_189 = arith.constant 0 : i32
      %dma_start3A_190 = tpu.memref_slice %arg18[%add3A_33, %dma_start3A_189] : memref<10000x128xf32, #tpu.memory_space<vmem_shared>> -> memref<80x128xf32, #tpu.memory_space<vmem_shared>>
      %dma_start3A_191 = arith.constant 0 : i32
      %dma_start3A_192 = tpu.memref_slice %arg18[%add3A_33, %dma_start3A_191] : memref<10000x128xf32, #tpu.memory_space<vmem_shared>> -> memref<80x128xf32, #tpu.memory_space<vmem_shared>>
      tpu.enqueue_dma source(%arg9 : memref<80x128xf32, #tpu.memory_space<vmem>>) target(%dma_start3A_192 : memref<80x128xf32, #tpu.memory_space<vmem_shared>>) target_semaphore(%run_scoped3A_188 : memref<!tpu.dma_semaphore, #tpu.memory_space<semaphore_mem>>)
      %dma_wait3A_193 = arith.constant 0 : i32
      %dma_wait3A_194 = tpu.memref_slice %arg18[%add3A_33, %dma_wait3A_193] : memref<10000x128xf32, #tpu.memory_space<vmem_shared>> -> memref<80x128xf32, #tpu.memory_space<vmem_shared>>
      %dma_wait3A_195 = arith.constant 0 : i32
      %dma_wait3A_196 = tpu.memref_slice %arg18[%add3A_33, %dma_wait3A_195] : memref<10000x128xf32, #tpu.memory_space<vmem_shared>> -> memref<80x128xf32, #tpu.memory_space<vmem_shared>>
      tpu.wait_dma2 semaphore(%run_scoped3A_188 : memref<!tpu.dma_semaphore, #tpu.memory_space<semaphore_mem>>) src(%arg9 : memref<80x128xf32, #tpu.memory_space<vmem>>) dst(%dma_wait3A_196 : memref<80x128xf32, #tpu.memory_space<vmem_shared>>)
      tpu.yield
    }) : () -> ()
    %mul3A_34 = arith.constant 624 : i32
    %mul3A_35 = arith.muli %arg1, %mul3A_34 : i32
    %add3A_36 = arith.constant 560 : i32
    %add3A_37 = arith.addi %mul3A_35, %add3A_36 : i32
    "tpu.region"() ({
      %run_scoped3A_188 = tpu.sem_alloc : memref<!tpu.dma_semaphore, #tpu.memory_space<semaphore_mem>>
      %dma_start3A_189 = arith.constant 0 : i32
      %dma_start3A_190 = arith.constant 0 : i32
      %dma_start3A_191 = tpu.memref_slice %arg9[%dma_start3A_189, %dma_start3A_190] : memref<80x128xf32, #tpu.memory_space<vmem>> -> memref<64x128xf32, #tpu.memory_space<vmem>>
      %dma_start3A_192 = arith.constant 0 : i32
      %dma_start3A_193 = tpu.memref_slice %arg18[%add3A_37, %dma_start3A_192] : memref<10000x128xf32, #tpu.memory_space<vmem_shared>> -> memref<64x128xf32, #tpu.memory_space<vmem_shared>>
      %dma_start3A_194 = arith.constant 0 : i32
      %dma_start3A_195 = tpu.memref_slice %arg18[%add3A_37, %dma_start3A_194] : memref<10000x128xf32, #tpu.memory_space<vmem_shared>> -> memref<64x128xf32, #tpu.memory_space<vmem_shared>>
      %dma_start3A_196 = arith.constant 0 : i32
      %dma_start3A_197 = arith.constant 0 : i32
      %dma_start3A_198 = tpu.memref_slice %arg9[%dma_start3A_196, %dma_start3A_197] : memref<80x128xf32, #tpu.memory_space<vmem>> -> memref<64x128xf32, #tpu.memory_space<vmem>>
      tpu.enqueue_dma source(%dma_start3A_198 : memref<64x128xf32, #tpu.memory_space<vmem>>) target(%dma_start3A_195 : memref<64x128xf32, #tpu.memory_space<vmem_shared>>) target_semaphore(%run_scoped3A_188 : memref<!tpu.dma_semaphore, #tpu.memory_space<semaphore_mem>>)
      %dma_wait3A_199 = arith.constant 0 : i32
      %dma_wait3A_200 = arith.constant 0 : i32
      %dma_wait3A_201 = tpu.memref_slice %arg9[%dma_wait3A_199, %dma_wait3A_200] : memref<80x128xf32, #tpu.memory_space<vmem>> -> memref<64x128xf32, #tpu.memory_space<vmem>>
      %dma_wait3A_202 = arith.constant 0 : i32
      %dma_wait3A_203 = tpu.memref_slice %arg18[%add3A_37, %dma_wait3A_202] : memref<10000x128xf32, #tpu.memory_space<vmem_shared>> -> memref<64x128xf32, #tpu.memory_space<vmem_shared>>
      %dma_wait3A_204 = arith.constant 0 : i32
      %dma_wait3A_205 = tpu.memref_slice %arg18[%add3A_37, %dma_wait3A_204] : memref<10000x128xf32, #tpu.memory_space<vmem_shared>> -> memref<64x128xf32, #tpu.memory_space<vmem_shared>>
      %dma_wait3A_206 = arith.constant 0 : i32
      %dma_wait3A_207 = arith.constant 0 : i32
      %dma_wait3A_208 = tpu.memref_slice %arg9[%dma_wait3A_206, %dma_wait3A_207] : memref<80x128xf32, #tpu.memory_space<vmem>> -> memref<64x128xf32, #tpu.memory_space<vmem>>
      tpu.wait_dma2 semaphore(%run_scoped3A_188 : memref<!tpu.dma_semaphore, #tpu.memory_space<semaphore_mem>>) src(%dma_wait3A_208 : memref<64x128xf32, #tpu.memory_space<vmem>>) dst(%dma_wait3A_205 : memref<64x128xf32, #tpu.memory_space<vmem_shared>>)
      tpu.yield
    }) : () -> ()
    %eq3A = arith.constant 0 : i32
    %eq3A_38 = arith.cmpi eq, %arg1, %eq3A : i32
    %convert_element_type3A = arith.extui %eq3A_38 : i1 to i32
    %cond3A = arith.constant 0 : i32
    %cond3A_39 = arith.cmpi ne, %convert_element_type3A, %cond3A : i32
    scf.if %cond3A_39 {
      "tpu.region"() ({
        %run_scoped3A_188 = tpu.sem_alloc : memref<!tpu.dma_semaphore, #tpu.memory_space<semaphore_mem>>
        %dma_start3A_189 = arith.constant 0 : i32
        %dma_start3A_190 = arith.constant 0 : i32
        %dma_start3A_191 = tpu.memref_slice %arg9[%dma_start3A_189, %dma_start3A_190] : memref<80x128xf32, #tpu.memory_space<vmem>> -> memref<16x128xf32, #tpu.memory_space<vmem>>
        %dma_start3A_192 = arith.constant 9984 : i32
        %dma_start3A_193 = arith.constant 0 : i32
        %dma_start3A_194 = tpu.memref_slice %arg18[%dma_start3A_192, %dma_start3A_193] : memref<10000x128xf32, #tpu.memory_space<vmem_shared>> -> memref<16x128xf32, #tpu.memory_space<vmem_shared>>
        %dma_start3A_195 = arith.constant 9984 : i32
        %dma_start3A_196 = arith.constant 0 : i32
        %dma_start3A_197 = tpu.memref_slice %arg18[%dma_start3A_195, %dma_start3A_196] : memref<10000x128xf32, #tpu.memory_space<vmem_shared>> -> memref<16x128xf32, #tpu.memory_space<vmem_shared>>
        %dma_start3A_198 = arith.constant 0 : i32
        %dma_start3A_199 = arith.constant 0 : i32
        %dma_start3A_200 = tpu.memref_slice %arg9[%dma_start3A_198, %dma_start3A_199] : memref<80x128xf32, #tpu.memory_space<vmem>> -> memref<16x128xf32, #tpu.memory_space<vmem>>
        tpu.enqueue_dma source(%dma_start3A_200 : memref<16x128xf32, #tpu.memory_space<vmem>>) target(%dma_start3A_197 : memref<16x128xf32, #tpu.memory_space<vmem_shared>>) target_semaphore(%run_scoped3A_188 : memref<!tpu.dma_semaphore, #tpu.memory_space<semaphore_mem>>)
        %dma_wait3A_201 = arith.constant 0 : i32
        %dma_wait3A_202 = arith.constant 0 : i32
        %dma_wait3A_203 = tpu.memref_slice %arg9[%dma_wait3A_201, %dma_wait3A_202] : memref<80x128xf32, #tpu.memory_space<vmem>> -> memref<16x128xf32, #tpu.memory_space<vmem>>
        %dma_wait3A_204 = arith.constant 9984 : i32
        %dma_wait3A_205 = arith.constant 0 : i32
        %dma_wait3A_206 = tpu.memref_slice %arg18[%dma_wait3A_204, %dma_wait3A_205] : memref<10000x128xf32, #tpu.memory_space<vmem_shared>> -> memref<16x128xf32, #tpu.memory_space<vmem_shared>>
        %dma_wait3A_207 = arith.constant 9984 : i32
        %dma_wait3A_208 = arith.constant 0 : i32
        %dma_wait3A_209 = tpu.memref_slice %arg18[%dma_wait3A_207, %dma_wait3A_208] : memref<10000x128xf32, #tpu.memory_space<vmem_shared>> -> memref<16x128xf32, #tpu.memory_space<vmem_shared>>
        %dma_wait3A_210 = arith.constant 0 : i32
        %dma_wait3A_211 = arith.constant 0 : i32
        %dma_wait3A_212 = tpu.memref_slice %arg9[%dma_wait3A_210, %dma_wait3A_211] : memref<80x128xf32, #tpu.memory_space<vmem>> -> memref<16x128xf32, #tpu.memory_space<vmem>>
        tpu.wait_dma2 semaphore(%run_scoped3A_188 : memref<!tpu.dma_semaphore, #tpu.memory_space<semaphore_mem>>) src(%dma_wait3A_212 : memref<16x128xf32, #tpu.memory_space<vmem>>) dst(%dma_wait3A_209 : memref<16x128xf32, #tpu.memory_space<vmem_shared>>)
        tpu.yield
      }) : () -> ()
    } else {
    }
    "tpu.region"() ({
      %run_scoped3A_188 = tpu.sem_alloc : memref<!tpu.dma_semaphore, #tpu.memory_space<semaphore_mem>>
      %dma_start3A_189 = arith.constant 0 : i32
      %dma_start3A_190 = tpu.memref_slice %arg3[%add3A, %dma_start3A_189] : memref<32x10000xi32, #tpu.memory_space<hbm>> -> memref<1x10000xi32, #tpu.memory_space<hbm>>
      %dma_start3A_191 = tpu.memref_squeeze %dma_start3A_190 : memref<1x10000xi32, #tpu.memory_space<hbm>> -> memref<10000xi32, #tpu.memory_space<hbm>>
      %dma_start3A_192 = arith.constant 0 : i32
      %dma_start3A_193 = tpu.memref_slice %arg3[%add3A, %dma_start3A_192] : memref<32x10000xi32, #tpu.memory_space<hbm>> -> memref<1x10000xi32, #tpu.memory_space<hbm>>
      %dma_start3A_194 = tpu.memref_squeeze %dma_start3A_193 : memref<1x10000xi32, #tpu.memory_space<hbm>> -> memref<10000xi32, #tpu.memory_space<hbm>>
      tpu.enqueue_dma source(%dma_start3A_194 : memref<10000xi32, #tpu.memory_space<hbm>>) target(%arg7 : memref<10000xi32, #tpu.memory_space<vmem>>) target_semaphore(%run_scoped3A_188 : memref<!tpu.dma_semaphore, #tpu.memory_space<semaphore_mem>>)
      %dma_wait3A_195 = arith.constant 0 : i32
      %dma_wait3A_196 = tpu.memref_slice %arg3[%add3A, %dma_wait3A_195] : memref<32x10000xi32, #tpu.memory_space<hbm>> -> memref<1x10000xi32, #tpu.memory_space<hbm>>
      %dma_wait3A_197 = tpu.memref_squeeze %dma_wait3A_196 : memref<1x10000xi32, #tpu.memory_space<hbm>> -> memref<10000xi32, #tpu.memory_space<hbm>>
      %dma_wait3A_198 = arith.constant 0 : i32
      %dma_wait3A_199 = tpu.memref_slice %arg3[%add3A, %dma_wait3A_198] : memref<32x10000xi32, #tpu.memory_space<hbm>> -> memref<1x10000xi32, #tpu.memory_space<hbm>>
      %dma_wait3A_200 = tpu.memref_squeeze %dma_wait3A_199 : memref<1x10000xi32, #tpu.memory_space<hbm>> -> memref<10000xi32, #tpu.memory_space<hbm>>
      tpu.wait_dma2 semaphore(%run_scoped3A_188 : memref<!tpu.dma_semaphore, #tpu.memory_space<semaphore_mem>>) src(%dma_wait3A_200 : memref<10000xi32, #tpu.memory_space<hbm>>) dst(%arg7 : memref<10000xi32, #tpu.memory_space<vmem>>)
      tpu.yield
    }) : () -> ()
    %barrier3A = arith.constant 0 : index
    tpu.barrier barrier_id(%barrier3A)
    %dma_start3A = arith.constant 0 : i32
    %dma_start3A_40 = arith.constant 0 : i32
    %dma_start3A_41 = arith.constant 0 : i32
    %dma_start3A_42 = arith.constant 0 : i32
    %dma_start3A_43 = tpu.memref_slice %arg8[%dma_start3A_40, %dma_start3A_41, %dma_start3A_42] : memref<3x1x80xi32, #tpu.memory_space<vmem>> -> memref<1x1x80xi32, #tpu.memory_space<vmem>>
    %dma_start3A_44 = tpu.memref_squeeze %dma_start3A_43 : memref<1x1x80xi32, #tpu.memory_space<vmem>> -> memref<1x80xi32, #tpu.memory_space<vmem>>
    %dma_start3A_45 = arith.constant 0 : i32
    %dma_start3A_46 = arith.constant 0 : i32
    %dma_start3A_47 = tpu.memref_slice %arg4[%add3A, %dma_start3A, %dma_start3A_45, %dma_start3A_46] : memref<32x125x1x80xi32, #tpu.memory_space<hbm>> -> memref<1x1x1x80xi32, #tpu.memory_space<hbm>>
    %dma_start3A_48 = tpu.memref_squeeze %dma_start3A_47 : memref<1x1x1x80xi32, #tpu.memory_space<hbm>> -> memref<1x80xi32, #tpu.memory_space<hbm>>
    %dma_start3A_49 = arith.constant 0 : i32
    %dma_start3A_50 = arith.constant 0 : i32
    %dma_start3A_51 = tpu.memref_slice %arg8[%dma_start3A_40, %dma_start3A_49, %dma_start3A_50] : memref<3x1x80xi32, #tpu.memory_space<vmem>> -> memref<1x1x80xi32, #tpu.memory_space<vmem>>
    %dma_start3A_52 = tpu.memref_squeeze %dma_start3A_51 : memref<1x1x80xi32, #tpu.memory_space<vmem>> -> memref<1x80xi32, #tpu.memory_space<vmem>>
    %dma_start3A_53 = arith.constant 0 : i32
    %dma_start3A_54 = arith.constant 0 : i32
    %dma_start3A_55 = tpu.memref_slice %arg4[%add3A, %dma_start3A, %dma_start3A_53, %dma_start3A_54] : memref<32x125x1x80xi32, #tpu.memory_space<hbm>> -> memref<1x1x1x80xi32, #tpu.memory_space<hbm>>
    %dma_start3A_56 = tpu.memref_squeeze %dma_start3A_55 : memref<1x1x1x80xi32, #tpu.memory_space<hbm>> -> memref<1x80xi32, #tpu.memory_space<hbm>>
    tpu.enqueue_dma source(%dma_start3A_56 : memref<1x80xi32, #tpu.memory_space<hbm>>) target(%dma_start3A_52 : memref<1x80xi32, #tpu.memory_space<vmem>>) target_semaphore(%arg15 : memref<!tpu.dma_semaphore, #tpu.memory_space<semaphore_mem>>)
    %dma_start3A_57 = arith.constant 0 : i32
    %dma_start3A_58 = tpu.memref_slice %arg7[%dma_start3A_57] : memref<10000xi32, #tpu.memory_space<vmem>> -> memref<80xi32, #tpu.memory_space<vmem>>
    %dma_start3A_59 = arith.constant 0 : i32
    %dma_start3A_60 = arith.constant 0 : i32
    %dma_start3A_61 = tpu.memref_slice %arg2[%dma_start3A_59, %dma_start3A_60] : memref<10000x128xf32, #tpu.memory_space<hbm>> -> memref<10000x128xf32, #tpu.memory_space<hbm>>
    tpu.enqueue_indirect_dma source(%dma_start3A_61 : memref<10000x128xf32, #tpu.memory_space<hbm>>) target(%arg9 : memref<80x128xf32, #tpu.memory_space<vmem>>) offsets(%dma_start3A_58 : memref<80xi32, #tpu.memory_space<vmem>>) semaphore(%arg12 : memref<!tpu.dma_semaphore, #tpu.memory_space<semaphore_mem>>)
    %dma_start3A_62 = arith.constant 1 : i32
    %dma_start3A_63 = arith.constant 1 : i32
    %dma_start3A_64 = arith.constant 0 : i32
    %dma_start3A_65 = arith.constant 0 : i32
    %dma_start3A_66 = tpu.memref_slice %arg8[%dma_start3A_63, %dma_start3A_64, %dma_start3A_65] : memref<3x1x80xi32, #tpu.memory_space<vmem>> -> memref<1x1x80xi32, #tpu.memory_space<vmem>>
    %dma_start3A_67 = tpu.memref_squeeze %dma_start3A_66 : memref<1x1x80xi32, #tpu.memory_space<vmem>> -> memref<1x80xi32, #tpu.memory_space<vmem>>
    %dma_start3A_68 = arith.constant 0 : i32
    %dma_start3A_69 = arith.constant 0 : i32
    %dma_start3A_70 = tpu.memref_slice %arg4[%add3A, %dma_start3A_62, %dma_start3A_68, %dma_start3A_69] : memref<32x125x1x80xi32, #tpu.memory_space<hbm>> -> memref<1x1x1x80xi32, #tpu.memory_space<hbm>>
    %dma_start3A_71 = tpu.memref_squeeze %dma_start3A_70 : memref<1x1x1x80xi32, #tpu.memory_space<hbm>> -> memref<1x80xi32, #tpu.memory_space<hbm>>
    %dma_start3A_72 = arith.constant 0 : i32
    %dma_start3A_73 = arith.constant 0 : i32
    %dma_start3A_74 = tpu.memref_slice %arg8[%dma_start3A_63, %dma_start3A_72, %dma_start3A_73] : memref<3x1x80xi32, #tpu.memory_space<vmem>> -> memref<1x1x80xi32, #tpu.memory_space<vmem>>
    %dma_start3A_75 = tpu.memref_squeeze %dma_start3A_74 : memref<1x1x80xi32, #tpu.memory_space<vmem>> -> memref<1x80xi32, #tpu.memory_space<vmem>>
    %dma_start3A_76 = arith.constant 0 : i32
    %dma_start3A_77 = arith.constant 0 : i32
    %dma_start3A_78 = tpu.memref_slice %arg4[%add3A, %dma_start3A_62, %dma_start3A_76, %dma_start3A_77] : memref<32x125x1x80xi32, #tpu.memory_space<hbm>> -> memref<1x1x1x80xi32, #tpu.memory_space<hbm>>
    %dma_start3A_79 = tpu.memref_squeeze %dma_start3A_78 : memref<1x1x1x80xi32, #tpu.memory_space<hbm>> -> memref<1x80xi32, #tpu.memory_space<hbm>>
    tpu.enqueue_dma source(%dma_start3A_79 : memref<1x80xi32, #tpu.memory_space<hbm>>) target(%dma_start3A_75 : memref<1x80xi32, #tpu.memory_space<vmem>>) target_semaphore(%arg16 : memref<!tpu.dma_semaphore, #tpu.memory_space<semaphore_mem>>)
    %dma_start3A_80 = arith.constant 80 : i32
    %dma_start3A_81 = tpu.memref_slice %arg7[%dma_start3A_80] : memref<10000xi32, #tpu.memory_space<vmem>> -> memref<80xi32, #tpu.memory_space<vmem>>
    %dma_start3A_82 = arith.constant 0 : i32
    %dma_start3A_83 = arith.constant 0 : i32
    %dma_start3A_84 = tpu.memref_slice %arg2[%dma_start3A_82, %dma_start3A_83] : memref<10000x128xf32, #tpu.memory_space<hbm>> -> memref<10000x128xf32, #tpu.memory_space<hbm>>
    tpu.enqueue_indirect_dma source(%dma_start3A_84 : memref<10000x128xf32, #tpu.memory_space<hbm>>) target(%arg10 : memref<80x128xf32, #tpu.memory_space<vmem>>) offsets(%dma_start3A_81 : memref<80xi32, #tpu.memory_space<vmem>>) semaphore(%arg13 : memref<!tpu.dma_semaphore, #tpu.memory_space<semaphore_mem>>)
    %dma_start3A_85 = arith.constant 2 : i32
    %dma_start3A_86 = arith.constant 2 : i32
    %dma_start3A_87 = arith.constant 0 : i32
    %dma_start3A_88 = arith.constant 0 : i32
    %dma_start3A_89 = tpu.memref_slice %arg8[%dma_start3A_86, %dma_start3A_87, %dma_start3A_88] : memref<3x1x80xi32, #tpu.memory_space<vmem>> -> memref<1x1x80xi32, #tpu.memory_space<vmem>>
    %dma_start3A_90 = tpu.memref_squeeze %dma_start3A_89 : memref<1x1x80xi32, #tpu.memory_space<vmem>> -> memref<1x80xi32, #tpu.memory_space<vmem>>
    %dma_start3A_91 = arith.constant 0 : i32
    %dma_start3A_92 = arith.constant 0 : i32
    %dma_start3A_93 = tpu.memref_slice %arg4[%add3A, %dma_start3A_85, %dma_start3A_91, %dma_start3A_92] : memref<32x125x1x80xi32, #tpu.memory_space<hbm>> -> memref<1x1x1x80xi32, #tpu.memory_space<hbm>>
    %dma_start3A_94 = tpu.memref_squeeze %dma_start3A_93 : memref<1x1x1x80xi32, #tpu.memory_space<hbm>> -> memref<1x80xi32, #tpu.memory_space<hbm>>
    %dma_start3A_95 = arith.constant 0 : i32
    %dma_start3A_96 = arith.constant 0 : i32
    %dma_start3A_97 = tpu.memref_slice %arg8[%dma_start3A_86, %dma_start3A_95, %dma_start3A_96] : memref<3x1x80xi32, #tpu.memory_space<vmem>> -> memref<1x1x80xi32, #tpu.memory_space<vmem>>
    %dma_start3A_98 = tpu.memref_squeeze %dma_start3A_97 : memref<1x1x80xi32, #tpu.memory_space<vmem>> -> memref<1x80xi32, #tpu.memory_space<vmem>>
    %dma_start3A_99 = arith.constant 0 : i32
    %dma_start3A_100 = arith.constant 0 : i32
    %dma_start3A_101 = tpu.memref_slice %arg4[%add3A, %dma_start3A_85, %dma_start3A_99, %dma_start3A_100] : memref<32x125x1x80xi32, #tpu.memory_space<hbm>> -> memref<1x1x1x80xi32, #tpu.memory_space<hbm>>
    %dma_start3A_102 = tpu.memref_squeeze %dma_start3A_101 : memref<1x1x1x80xi32, #tpu.memory_space<hbm>> -> memref<1x80xi32, #tpu.memory_space<hbm>>
    tpu.enqueue_dma source(%dma_start3A_102 : memref<1x80xi32, #tpu.memory_space<hbm>>) target(%dma_start3A_98 : memref<1x80xi32, #tpu.memory_space<vmem>>) target_semaphore(%arg17 : memref<!tpu.dma_semaphore, #tpu.memory_space<semaphore_mem>>)
    %dma_start3A_103 = arith.constant 160 : i32
    %dma_start3A_104 = tpu.memref_slice %arg7[%dma_start3A_103] : memref<10000xi32, #tpu.memory_space<vmem>> -> memref<80xi32, #tpu.memory_space<vmem>>
    %dma_start3A_105 = arith.constant 0 : i32
    %dma_start3A_106 = arith.constant 0 : i32
    %dma_start3A_107 = tpu.memref_slice %arg2[%dma_start3A_105, %dma_start3A_106] : memref<10000x128xf32, #tpu.memory_space<hbm>> -> memref<10000x128xf32, #tpu.memory_space<hbm>>
    tpu.enqueue_indirect_dma source(%dma_start3A_107 : memref<10000x128xf32, #tpu.memory_space<hbm>>) target(%arg11 : memref<80x128xf32, #tpu.memory_space<vmem>>) offsets(%dma_start3A_104 : memref<80xi32, #tpu.memory_space<vmem>>) semaphore(%arg14 : memref<!tpu.dma_semaphore, #tpu.memory_space<semaphore_mem>>)
    %scan3A_108 = arith.constant 0 : i32
    %scan3A_109 = arith.constant 0 : i32
    %scan3A_110 = arith.constant 41 : i32
    %scan3A_111 = arith.addi %scan3A_109, %scan3A_110 : i32
    %scan3A_112 = arith.constant 1 : i32
    scf.for %scan3A_188 = %scan3A_109 to %scan3A_111 step %scan3A_112  : i32 {
      %mul3A_189 = arith.constant 3 : i32
      %mul3A_190 = arith.muli %mul3A_189, %scan3A_188 : i32
      %add3A_191 = arith.constant 0 : i32
      %add3A_192 = arith.addi %mul3A_190, %add3A_191 : i32
      %mul3A_193 = arith.constant 80 : i32
      %mul3A_194 = arith.muli %add3A_192, %mul3A_193 : i32
      %dma_wait3A_195 = tpu.memref_slice %arg7[%mul3A_194] : memref<10000xi32, #tpu.memory_space<vmem>> -> memref<80xi32, #tpu.memory_space<vmem>>
      %dma_wait3A_196 = arith.constant 0 : i32
      %dma_wait3A_197 = arith.constant 0 : i32
      %dma_wait3A_198 = tpu.memref_slice %arg2[%dma_wait3A_196, %dma_wait3A_197] : memref<10000x128xf32, #tpu.memory_space<hbm>> -> memref<10000x128xf32, #tpu.memory_space<hbm>>
      tpu.wait_indirect_dma semaphore(%arg12 : memref<!tpu.dma_semaphore, #tpu.memory_space<semaphore_mem>>) src(%dma_wait3A_198 : memref<10000x128xf32, #tpu.memory_space<hbm>>) dst(%arg9 : memref<80x128xf32, #tpu.memory_space<vmem>>)
      %dma_wait3A_199 = arith.constant 0 : i32
      %dma_wait3A_200 = arith.constant 0 : i32
      %dma_wait3A_201 = arith.constant 0 : i32
      %dma_wait3A_202 = tpu.memref_slice %arg8[%dma_wait3A_199, %dma_wait3A_200, %dma_wait3A_201] : memref<3x1x80xi32, #tpu.memory_space<vmem>> -> memref<1x1x80xi32, #tpu.memory_space<vmem>>
      %dma_wait3A_203 = tpu.memref_squeeze %dma_wait3A_202 : memref<1x1x80xi32, #tpu.memory_space<vmem>> -> memref<1x80xi32, #tpu.memory_space<vmem>>
      %dma_wait3A_204 = arith.constant 0 : i32
      %dma_wait3A_205 = arith.constant 0 : i32
      %dma_wait3A_206 = tpu.memref_slice %arg4[%add3A, %add3A_192, %dma_wait3A_204, %dma_wait3A_205] : memref<32x125x1x80xi32, #tpu.memory_space<hbm>> -> memref<1x1x1x80xi32, #tpu.memory_space<hbm>>
      %dma_wait3A_207 = tpu.memref_squeeze %dma_wait3A_206 : memref<1x1x1x80xi32, #tpu.memory_space<hbm>> -> memref<1x80xi32, #tpu.memory_space<hbm>>
      %dma_wait3A_208 = arith.constant 0 : i32
      %dma_wait3A_209 = arith.constant 0 : i32
      %dma_wait3A_210 = tpu.memref_slice %arg8[%dma_wait3A_199, %dma_wait3A_208, %dma_wait3A_209] : memref<3x1x80xi32, #tpu.memory_space<vmem>> -> memref<1x1x80xi32, #tpu.memory_space<vmem>>
      %dma_wait3A_211 = tpu.memref_squeeze %dma_wait3A_210 : memref<1x1x80xi32, #tpu.memory_space<vmem>> -> memref<1x80xi32, #tpu.memory_space<vmem>>
      %dma_wait3A_212 = arith.constant 0 : i32
      %dma_wait3A_213 = arith.constant 0 : i32
      %dma_wait3A_214 = tpu.memref_slice %arg4[%add3A, %add3A_192, %dma_wait3A_212, %dma_wait3A_213] : memref<32x125x1x80xi32, #tpu.memory_space<hbm>> -> memref<1x1x1x80xi32, #tpu.memory_space<hbm>>
      %dma_wait3A_215 = tpu.memref_squeeze %dma_wait3A_214 : memref<1x1x1x80xi32, #tpu.memory_space<hbm>> -> memref<1x80xi32, #tpu.memory_space<hbm>>
      tpu.wait_dma2 semaphore(%arg15 : memref<!tpu.dma_semaphore, #tpu.memory_space<semaphore_mem>>) src(%dma_wait3A_215 : memref<1x80xi32, #tpu.memory_space<hbm>>) dst(%dma_wait3A_211 : memref<1x80xi32, #tpu.memory_space<vmem>>)
      %run_scoped3A_216 = arith.constant 0 : i32
      %run_scoped3A_217 = arith.constant 0 : i32
      "tpu.region"() ({
        %run_scoped3A_296 = tpu.sem_alloc : memref<!tpu.dma_semaphore, #tpu.memory_space<semaphore_mem>>
        %dma_start3A_297 = arith.constant 0 : i32
        %dma_start3A_298 = tpu.memref_slice %arg8[%run_scoped3A_216, %run_scoped3A_217, %dma_start3A_297] : memref<3x1x80xi32, #tpu.memory_space<vmem>> -> memref<1x1x80xi32, #tpu.memory_space<vmem>>
        %dma_start3A_299 = tpu.memref_squeeze %dma_start3A_298 : memref<1x1x80xi32, #tpu.memory_space<vmem>> -> memref<80xi32, #tpu.memory_space<vmem>>
        %dma_start3A_300 = arith.constant 0 : i32
        %dma_start3A_301 = arith.constant 0 : i32
        %dma_start3A_302 = tpu.memref_slice %arg18[%dma_start3A_300, %dma_start3A_301] : memref<10000x128xf32, #tpu.memory_space<vmem_shared>> -> memref<10000x128xf32, #tpu.memory_space<vmem_shared>>
        tpu.enqueue_indirect_dma source(%arg9 : memref<80x128xf32, #tpu.memory_space<vmem>>) target(%dma_start3A_302 : memref<10000x128xf32, #tpu.memory_space<vmem_shared>>) offsets(%dma_start3A_299 : memref<80xi32, #tpu.memory_space<vmem>>) semaphore(%run_scoped3A_296 : memref<!tpu.dma_semaphore, #tpu.memory_space<semaphore_mem>>) {add = true}
        %dma_wait3A_303 = arith.constant 0 : i32
        %dma_wait3A_304 = tpu.memref_slice %arg8[%run_scoped3A_216, %run_scoped3A_217, %dma_wait3A_303] : memref<3x1x80xi32, #tpu.memory_space<vmem>> -> memref<1x1x80xi32, #tpu.memory_space<vmem>>
        %dma_wait3A_305 = tpu.memref_squeeze %dma_wait3A_304 : memref<1x1x80xi32, #tpu.memory_space<vmem>> -> memref<80xi32, #tpu.memory_space<vmem>>
        %dma_wait3A_306 = arith.constant 0 : i32
        %dma_wait3A_307 = arith.constant 0 : i32
        %dma_wait3A_308 = tpu.memref_slice %arg18[%dma_wait3A_306, %dma_wait3A_307] : memref<10000x128xf32, #tpu.memory_space<vmem_shared>> -> memref<10000x128xf32, #tpu.memory_space<vmem_shared>>
        tpu.wait_indirect_dma semaphore(%run_scoped3A_296 : memref<!tpu.dma_semaphore, #tpu.memory_space<semaphore_mem>>) src(%arg9 : memref<80x128xf32, #tpu.memory_space<vmem>>) dst(%dma_wait3A_308 : memref<10000x128xf32, #tpu.memory_space<vmem_shared>>)
        tpu.yield
      }) : () -> ()
      %add3A_218 = arith.constant 3 : i32
      %add3A_219 = arith.addi %add3A_192, %add3A_218 : i32
      %lt3A = arith.constant 125 : i32
      %lt3A_220 = arith.cmpi slt, %add3A_219, %lt3A : i32
      %convert_element_type3A_221 = arith.extui %lt3A_220 : i1 to i32
      %cond3A_222 = arith.constant 0 : i32
      %cond3A_223 = arith.cmpi ne, %convert_element_type3A_221, %cond3A_222 : i32
      scf.if %cond3A_223 {
        %add3A_296 = arith.constant 3 : i32
        %add3A_297 = arith.addi %add3A_192, %add3A_296 : i32
        %dma_start3A_298 = arith.constant 0 : i32
        %dma_start3A_299 = arith.constant 0 : i32
        %dma_start3A_300 = arith.constant 0 : i32
        %dma_start3A_301 = tpu.memref_slice %arg8[%dma_start3A_298, %dma_start3A_299, %dma_start3A_300] : memref<3x1x80xi32, #tpu.memory_space<vmem>> -> memref<1x1x80xi32, #tpu.memory_space<vmem>>
        %dma_start3A_302 = tpu.memref_squeeze %dma_start3A_301 : memref<1x1x80xi32, #tpu.memory_space<vmem>> -> memref<1x80xi32, #tpu.memory_space<vmem>>
        %dma_start3A_303 = arith.constant 0 : i32
        %dma_start3A_304 = arith.constant 0 : i32
        %dma_start3A_305 = tpu.memref_slice %arg4[%add3A, %add3A_297, %dma_start3A_303, %dma_start3A_304] : memref<32x125x1x80xi32, #tpu.memory_space<hbm>> -> memref<1x1x1x80xi32, #tpu.memory_space<hbm>>
        %dma_start3A_306 = tpu.memref_squeeze %dma_start3A_305 : memref<1x1x1x80xi32, #tpu.memory_space<hbm>> -> memref<1x80xi32, #tpu.memory_space<hbm>>
        %dma_start3A_307 = arith.constant 0 : i32
        %dma_start3A_308 = arith.constant 0 : i32
        %dma_start3A_309 = tpu.memref_slice %arg8[%dma_start3A_298, %dma_start3A_307, %dma_start3A_308] : memref<3x1x80xi32, #tpu.memory_space<vmem>> -> memref<1x1x80xi32, #tpu.memory_space<vmem>>
        %dma_start3A_310 = tpu.memref_squeeze %dma_start3A_309 : memref<1x1x80xi32, #tpu.memory_space<vmem>> -> memref<1x80xi32, #tpu.memory_space<vmem>>
        %dma_start3A_311 = arith.constant 0 : i32
        %dma_start3A_312 = arith.constant 0 : i32
        %dma_start3A_313 = tpu.memref_slice %arg4[%add3A, %add3A_297, %dma_start3A_311, %dma_start3A_312] : memref<32x125x1x80xi32, #tpu.memory_space<hbm>> -> memref<1x1x1x80xi32, #tpu.memory_space<hbm>>
        %dma_start3A_314 = tpu.memref_squeeze %dma_start3A_313 : memref<1x1x1x80xi32, #tpu.memory_space<hbm>> -> memref<1x80xi32, #tpu.memory_space<hbm>>
        tpu.enqueue_dma source(%dma_start3A_314 : memref<1x80xi32, #tpu.memory_space<hbm>>) target(%dma_start3A_310 : memref<1x80xi32, #tpu.memory_space<vmem>>) target_semaphore(%arg15 : memref<!tpu.dma_semaphore, #tpu.memory_space<semaphore_mem>>)
        %add3A_315 = arith.constant 3 : i32
        %add3A_316 = arith.addi %add3A_192, %add3A_315 : i32
        %mul3A_317 = arith.constant 80 : i32
        %mul3A_318 = arith.muli %add3A_316, %mul3A_317 : i32
        %dma_start3A_319 = tpu.memref_slice %arg7[%mul3A_318] : memref<10000xi32, #tpu.memory_space<vmem>> -> memref<80xi32, #tpu.memory_space<vmem>>
        %dma_start3A_320 = arith.constant 0 : i32
        %dma_start3A_321 = arith.constant 0 : i32
        %dma_start3A_322 = tpu.memref_slice %arg2[%dma_start3A_320, %dma_start3A_321] : memref<10000x128xf32, #tpu.memory_space<hbm>> -> memref<10000x128xf32, #tpu.memory_space<hbm>>
        tpu.enqueue_indirect_dma source(%dma_start3A_322 : memref<10000x128xf32, #tpu.memory_space<hbm>>) target(%arg9 : memref<80x128xf32, #tpu.memory_space<vmem>>) offsets(%dma_start3A_319 : memref<80xi32, #tpu.memory_space<vmem>>) semaphore(%arg12 : memref<!tpu.dma_semaphore, #tpu.memory_space<semaphore_mem>>)
      } else {
      }
      %mul3A_224 = arith.constant 3 : i32
      %mul3A_225 = arith.muli %mul3A_224, %scan3A_188 : i32
      %add3A_226 = arith.constant 1 : i32
      %add3A_227 = arith.addi %mul3A_225, %add3A_226 : i32
      %mul3A_228 = arith.constant 80 : i32
      %mul3A_229 = arith.muli %add3A_227, %mul3A_228 : i32
      %dma_wait3A_230 = tpu.memref_slice %arg7[%mul3A_229] : memref<10000xi32, #tpu.memory_space<vmem>> -> memref<80xi32, #tpu.memory_space<vmem>>
      %dma_wait3A_231 = arith.constant 0 : i32
      %dma_wait3A_232 = arith.constant 0 : i32
      %dma_wait3A_233 = tpu.memref_slice %arg2[%dma_wait3A_231, %dma_wait3A_232] : memref<10000x128xf32, #tpu.memory_space<hbm>> -> memref<10000x128xf32, #tpu.memory_space<hbm>>
      tpu.wait_indirect_dma semaphore(%arg13 : memref<!tpu.dma_semaphore, #tpu.memory_space<semaphore_mem>>) src(%dma_wait3A_233 : memref<10000x128xf32, #tpu.memory_space<hbm>>) dst(%arg10 : memref<80x128xf32, #tpu.memory_space<vmem>>)
      %dma_wait3A_234 = arith.constant 1 : i32
      %dma_wait3A_235 = arith.constant 0 : i32
      %dma_wait3A_236 = arith.constant 0 : i32
      %dma_wait3A_237 = tpu.memref_slice %arg8[%dma_wait3A_234, %dma_wait3A_235, %dma_wait3A_236] : memref<3x1x80xi32, #tpu.memory_space<vmem>> -> memref<1x1x80xi32, #tpu.memory_space<vmem>>
      %dma_wait3A_238 = tpu.memref_squeeze %dma_wait3A_237 : memref<1x1x80xi32, #tpu.memory_space<vmem>> -> memref<1x80xi32, #tpu.memory_space<vmem>>
      %dma_wait3A_239 = arith.constant 0 : i32
      %dma_wait3A_240 = arith.constant 0 : i32
      %dma_wait3A_241 = tpu.memref_slice %arg4[%add3A, %add3A_227, %dma_wait3A_239, %dma_wait3A_240] : memref<32x125x1x80xi32, #tpu.memory_space<hbm>> -> memref<1x1x1x80xi32, #tpu.memory_space<hbm>>
      %dma_wait3A_242 = tpu.memref_squeeze %dma_wait3A_241 : memref<1x1x1x80xi32, #tpu.memory_space<hbm>> -> memref<1x80xi32, #tpu.memory_space<hbm>>
      %dma_wait3A_243 = arith.constant 0 : i32
      %dma_wait3A_244 = arith.constant 0 : i32
      %dma_wait3A_245 = tpu.memref_slice %arg8[%dma_wait3A_234, %dma_wait3A_243, %dma_wait3A_244] : memref<3x1x80xi32, #tpu.memory_space<vmem>> -> memref<1x1x80xi32, #tpu.memory_space<vmem>>
      %dma_wait3A_246 = tpu.memref_squeeze %dma_wait3A_245 : memref<1x1x80xi32, #tpu.memory_space<vmem>> -> memref<1x80xi32, #tpu.memory_space<vmem>>
      %dma_wait3A_247 = arith.constant 0 : i32
      %dma_wait3A_248 = arith.constant 0 : i32
      %dma_wait3A_249 = tpu.memref_slice %arg4[%add3A, %add3A_227, %dma_wait3A_247, %dma_wait3A_248] : memref<32x125x1x80xi32, #tpu.memory_space<hbm>> -> memref<1x1x1x80xi32, #tpu.memory_space<hbm>>
      %dma_wait3A_250 = tpu.memref_squeeze %dma_wait3A_249 : memref<1x1x1x80xi32, #tpu.memory_space<hbm>> -> memref<1x80xi32, #tpu.memory_space<hbm>>
      tpu.wait_dma2 semaphore(%arg16 : memref<!tpu.dma_semaphore, #tpu.memory_space<semaphore_mem>>) src(%dma_wait3A_250 : memref<1x80xi32, #tpu.memory_space<hbm>>) dst(%dma_wait3A_246 : memref<1x80xi32, #tpu.memory_space<vmem>>)
      %run_scoped3A_251 = arith.constant 1 : i32
      %run_scoped3A_252 = arith.constant 0 : i32
      "tpu.region"() ({
        %run_scoped3A_296 = tpu.sem_alloc : memref<!tpu.dma_semaphore, #tpu.memory_space<semaphore_mem>>
        %dma_start3A_297 = arith.constant 0 : i32
        %dma_start3A_298 = tpu.memref_slice %arg8[%run_scoped3A_251, %run_scoped3A_252, %dma_start3A_297] : memref<3x1x80xi32, #tpu.memory_space<vmem>> -> memref<1x1x80xi32, #tpu.memory_space<vmem>>
        %dma_start3A_299 = tpu.memref_squeeze %dma_start3A_298 : memref<1x1x80xi32, #tpu.memory_space<vmem>> -> memref<80xi32, #tpu.memory_space<vmem>>
        %dma_start3A_300 = arith.constant 0 : i32
        %dma_start3A_301 = arith.constant 0 : i32
        %dma_start3A_302 = tpu.memref_slice %arg18[%dma_start3A_300, %dma_start3A_301] : memref<10000x128xf32, #tpu.memory_space<vmem_shared>> -> memref<10000x128xf32, #tpu.memory_space<vmem_shared>>
        tpu.enqueue_indirect_dma source(%arg10 : memref<80x128xf32, #tpu.memory_space<vmem>>) target(%dma_start3A_302 : memref<10000x128xf32, #tpu.memory_space<vmem_shared>>) offsets(%dma_start3A_299 : memref<80xi32, #tpu.memory_space<vmem>>) semaphore(%run_scoped3A_296 : memref<!tpu.dma_semaphore, #tpu.memory_space<semaphore_mem>>) {add = true}
        %dma_wait3A_303 = arith.constant 0 : i32
        %dma_wait3A_304 = tpu.memref_slice %arg8[%run_scoped3A_251, %run_scoped3A_252, %dma_wait3A_303] : memref<3x1x80xi32, #tpu.memory_space<vmem>> -> memref<1x1x80xi32, #tpu.memory_space<vmem>>
        %dma_wait3A_305 = tpu.memref_squeeze %dma_wait3A_304 : memref<1x1x80xi32, #tpu.memory_space<vmem>> -> memref<80xi32, #tpu.memory_space<vmem>>
        %dma_wait3A_306 = arith.constant 0 : i32
        %dma_wait3A_307 = arith.constant 0 : i32
        %dma_wait3A_308 = tpu.memref_slice %arg18[%dma_wait3A_306, %dma_wait3A_307] : memref<10000x128xf32, #tpu.memory_space<vmem_shared>> -> memref<10000x128xf32, #tpu.memory_space<vmem_shared>>
        tpu.wait_indirect_dma semaphore(%run_scoped3A_296 : memref<!tpu.dma_semaphore, #tpu.memory_space<semaphore_mem>>) src(%arg10 : memref<80x128xf32, #tpu.memory_space<vmem>>) dst(%dma_wait3A_308 : memref<10000x128xf32, #tpu.memory_space<vmem_shared>>)
        tpu.yield
      }) : () -> ()
      %add3A_253 = arith.constant 3 : i32
      %add3A_254 = arith.addi %add3A_227, %add3A_253 : i32
      %lt3A_255 = arith.constant 125 : i32
      %lt3A_256 = arith.cmpi slt, %add3A_254, %lt3A_255 : i32
      %convert_element_type3A_257 = arith.extui %lt3A_256 : i1 to i32
      %cond3A_258 = arith.constant 0 : i32
      %cond3A_259 = arith.cmpi ne, %convert_element_type3A_257, %cond3A_258 : i32
      scf.if %cond3A_259 {
        %add3A_296 = arith.constant 3 : i32
        %add3A_297 = arith.addi %add3A_227, %add3A_296 : i32
        %dma_start3A_298 = arith.constant 1 : i32
        %dma_start3A_299 = arith.constant 0 : i32
        %dma_start3A_300 = arith.constant 0 : i32
        %dma_start3A_301 = tpu.memref_slice %arg8[%dma_start3A_298, %dma_start3A_299, %dma_start3A_300] : memref<3x1x80xi32, #tpu.memory_space<vmem>> -> memref<1x1x80xi32, #tpu.memory_space<vmem>>
        %dma_start3A_302 = tpu.memref_squeeze %dma_start3A_301 : memref<1x1x80xi32, #tpu.memory_space<vmem>> -> memref<1x80xi32, #tpu.memory_space<vmem>>
        %dma_start3A_303 = arith.constant 0 : i32
        %dma_start3A_304 = arith.constant 0 : i32
        %dma_start3A_305 = tpu.memref_slice %arg4[%add3A, %add3A_297, %dma_start3A_303, %dma_start3A_304] : memref<32x125x1x80xi32, #tpu.memory_space<hbm>> -> memref<1x1x1x80xi32, #tpu.memory_space<hbm>>
        %dma_start3A_306 = tpu.memref_squeeze %dma_start3A_305 : memref<1x1x1x80xi32, #tpu.memory_space<hbm>> -> memref<1x80xi32, #tpu.memory_space<hbm>>
        %dma_start3A_307 = arith.constant 0 : i32
        %dma_start3A_308 = arith.constant 0 : i32
        %dma_start3A_309 = tpu.memref_slice %arg8[%dma_start3A_298, %dma_start3A_307, %dma_start3A_308] : memref<3x1x80xi32, #tpu.memory_space<vmem>> -> memref<1x1x80xi32, #tpu.memory_space<vmem>>
        %dma_start3A_310 = tpu.memref_squeeze %dma_start3A_309 : memref<1x1x80xi32, #tpu.memory_space<vmem>> -> memref<1x80xi32, #tpu.memory_space<vmem>>
        %dma_start3A_311 = arith.constant 0 : i32
        %dma_start3A_312 = arith.constant 0 : i32
        %dma_start3A_313 = tpu.memref_slice %arg4[%add3A, %add3A_297, %dma_start3A_311, %dma_start3A_312] : memref<32x125x1x80xi32, #tpu.memory_space<hbm>> -> memref<1x1x1x80xi32, #tpu.memory_space<hbm>>
        %dma_start3A_314 = tpu.memref_squeeze %dma_start3A_313 : memref<1x1x1x80xi32, #tpu.memory_space<hbm>> -> memref<1x80xi32, #tpu.memory_space<hbm>>
        tpu.enqueue_dma source(%dma_start3A_314 : memref<1x80xi32, #tpu.memory_space<hbm>>) target(%dma_start3A_310 : memref<1x80xi32, #tpu.memory_space<vmem>>) target_semaphore(%arg16 : memref<!tpu.dma_semaphore, #tpu.memory_space<semaphore_mem>>)
        %add3A_315 = arith.constant 3 : i32
        %add3A_316 = arith.addi %add3A_227, %add3A_315 : i32
        %mul3A_317 = arith.constant 80 : i32
        %mul3A_318 = arith.muli %add3A_316, %mul3A_317 : i32
        %dma_start3A_319 = tpu.memref_slice %arg7[%mul3A_318] : memref<10000xi32, #tpu.memory_space<vmem>> -> memref<80xi32, #tpu.memory_space<vmem>>
        %dma_start3A_320 = arith.constant 0 : i32
        %dma_start3A_321 = arith.constant 0 : i32
        %dma_start3A_322 = tpu.memref_slice %arg2[%dma_start3A_320, %dma_start3A_321] : memref<10000x128xf32, #tpu.memory_space<hbm>> -> memref<10000x128xf32, #tpu.memory_space<hbm>>
        tpu.enqueue_indirect_dma source(%dma_start3A_322 : memref<10000x128xf32, #tpu.memory_space<hbm>>) target(%arg10 : memref<80x128xf32, #tpu.memory_space<vmem>>) offsets(%dma_start3A_319 : memref<80xi32, #tpu.memory_space<vmem>>) semaphore(%arg13 : memref<!tpu.dma_semaphore, #tpu.memory_space<semaphore_mem>>)
      } else {
      }
      %mul3A_260 = arith.constant 3 : i32
      %mul3A_261 = arith.muli %mul3A_260, %scan3A_188 : i32
      %add3A_262 = arith.constant 2 : i32
      %add3A_263 = arith.addi %mul3A_261, %add3A_262 : i32
      %mul3A_264 = arith.constant 80 : i32
      %mul3A_265 = arith.muli %add3A_263, %mul3A_264 : i32
      %dma_wait3A_266 = tpu.memref_slice %arg7[%mul3A_265] : memref<10000xi32, #tpu.memory_space<vmem>> -> memref<80xi32, #tpu.memory_space<vmem>>
      %dma_wait3A_267 = arith.constant 0 : i32
      %dma_wait3A_268 = arith.constant 0 : i32
      %dma_wait3A_269 = tpu.memref_slice %arg2[%dma_wait3A_267, %dma_wait3A_268] : memref<10000x128xf32, #tpu.memory_space<hbm>> -> memref<10000x128xf32, #tpu.memory_space<hbm>>
      tpu.wait_indirect_dma semaphore(%arg14 : memref<!tpu.dma_semaphore, #tpu.memory_space<semaphore_mem>>) src(%dma_wait3A_269 : memref<10000x128xf32, #tpu.memory_space<hbm>>) dst(%arg11 : memref<80x128xf32, #tpu.memory_space<vmem>>)
      %dma_wait3A_270 = arith.constant 2 : i32
      %dma_wait3A_271 = arith.constant 0 : i32
      %dma_wait3A_272 = arith.constant 0 : i32
      %dma_wait3A_273 = tpu.memref_slice %arg8[%dma_wait3A_270, %dma_wait3A_271, %dma_wait3A_272] : memref<3x1x80xi32, #tpu.memory_space<vmem>> -> memref<1x1x80xi32, #tpu.memory_space<vmem>>
      %dma_wait3A_274 = tpu.memref_squeeze %dma_wait3A_273 : memref<1x1x80xi32, #tpu.memory_space<vmem>> -> memref<1x80xi32, #tpu.memory_space<vmem>>
      %dma_wait3A_275 = arith.constant 0 : i32
      %dma_wait3A_276 = arith.constant 0 : i32
      %dma_wait3A_277 = tpu.memref_slice %arg4[%add3A, %add3A_263, %dma_wait3A_275, %dma_wait3A_276] : memref<32x125x1x80xi32, #tpu.memory_space<hbm>> -> memref<1x1x1x80xi32, #tpu.memory_space<hbm>>
      %dma_wait3A_278 = tpu.memref_squeeze %dma_wait3A_277 : memref<1x1x1x80xi32, #tpu.memory_space<hbm>> -> memref<1x80xi32, #tpu.memory_space<hbm>>
      %dma_wait3A_279 = arith.constant 0 : i32
      %dma_wait3A_280 = arith.constant 0 : i32
      %dma_wait3A_281 = tpu.memref_slice %arg8[%dma_wait3A_270, %dma_wait3A_279, %dma_wait3A_280] : memref<3x1x80xi32, #tpu.memory_space<vmem>> -> memref<1x1x80xi32, #tpu.memory_space<vmem>>
      %dma_wait3A_282 = tpu.memref_squeeze %dma_wait3A_281 : memref<1x1x80xi32, #tpu.memory_space<vmem>> -> memref<1x80xi32, #tpu.memory_space<vmem>>
      %dma_wait3A_283 = arith.constant 0 : i32
      %dma_wait3A_284 = arith.constant 0 : i32
      %dma_wait3A_285 = tpu.memref_slice %arg4[%add3A, %add3A_263, %dma_wait3A_283, %dma_wait3A_284] : memref<32x125x1x80xi32, #tpu.memory_space<hbm>> -> memref<1x1x1x80xi32, #tpu.memory_space<hbm>>
      %dma_wait3A_286 = tpu.memref_squeeze %dma_wait3A_285 : memref<1x1x1x80xi32, #tpu.memory_space<hbm>> -> memref<1x80xi32, #tpu.memory_space<hbm>>
      tpu.wait_dma2 semaphore(%arg17 : memref<!tpu.dma_semaphore, #tpu.memory_space<semaphore_mem>>) src(%dma_wait3A_286 : memref<1x80xi32, #tpu.memory_space<hbm>>) dst(%dma_wait3A_282 : memref<1x80xi32, #tpu.memory_space<vmem>>)
      %run_scoped3A_287 = arith.constant 2 : i32
      %run_scoped3A_288 = arith.constant 0 : i32
      "tpu.region"() ({
        %run_scoped3A_296 = tpu.sem_alloc : memref<!tpu.dma_semaphore, #tpu.memory_space<semaphore_mem>>
        %dma_start3A_297 = arith.constant 0 : i32
        %dma_start3A_298 = tpu.memref_slice %arg8[%run_scoped3A_287, %run_scoped3A_288, %dma_start3A_297] : memref<3x1x80xi32, #tpu.memory_space<vmem>> -> memref<1x1x80xi32, #tpu.memory_space<vmem>>
        %dma_start3A_299 = tpu.memref_squeeze %dma_start3A_298 : memref<1x1x80xi32, #tpu.memory_space<vmem>> -> memref<80xi32, #tpu.memory_space<vmem>>
        %dma_start3A_300 = arith.constant 0 : i32
        %dma_start3A_301 = arith.constant 0 : i32
        %dma_start3A_302 = tpu.memref_slice %arg18[%dma_start3A_300, %dma_start3A_301] : memref<10000x128xf32, #tpu.memory_space<vmem_shared>> -> memref<10000x128xf32, #tpu.memory_space<vmem_shared>>
        tpu.enqueue_indirect_dma source(%arg11 : memref<80x128xf32, #tpu.memory_space<vmem>>) target(%dma_start3A_302 : memref<10000x128xf32, #tpu.memory_space<vmem_shared>>) offsets(%dma_start3A_299 : memref<80xi32, #tpu.memory_space<vmem>>) semaphore(%run_scoped3A_296 : memref<!tpu.dma_semaphore, #tpu.memory_space<semaphore_mem>>) {add = true}
        %dma_wait3A_303 = arith.constant 0 : i32
        %dma_wait3A_304 = tpu.memref_slice %arg8[%run_scoped3A_287, %run_scoped3A_288, %dma_wait3A_303] : memref<3x1x80xi32, #tpu.memory_space<vmem>> -> memref<1x1x80xi32, #tpu.memory_space<vmem>>
        %dma_wait3A_305 = tpu.memref_squeeze %dma_wait3A_304 : memref<1x1x80xi32, #tpu.memory_space<vmem>> -> memref<80xi32, #tpu.memory_space<vmem>>
        %dma_wait3A_306 = arith.constant 0 : i32
        %dma_wait3A_307 = arith.constant 0 : i32
        %dma_wait3A_308 = tpu.memref_slice %arg18[%dma_wait3A_306, %dma_wait3A_307] : memref<10000x128xf32, #tpu.memory_space<vmem_shared>> -> memref<10000x128xf32, #tpu.memory_space<vmem_shared>>
        tpu.wait_indirect_dma semaphore(%run_scoped3A_296 : memref<!tpu.dma_semaphore, #tpu.memory_space<semaphore_mem>>) src(%arg11 : memref<80x128xf32, #tpu.memory_space<vmem>>) dst(%dma_wait3A_308 : memref<10000x128xf32, #tpu.memory_space<vmem_shared>>)
        tpu.yield
      }) : () -> ()
      %add3A_289 = arith.constant 3 : i32
      %add3A_290 = arith.addi %add3A_263, %add3A_289 : i32
      %lt3A_291 = arith.constant 125 : i32
      %lt3A_292 = arith.cmpi slt, %add3A_290, %lt3A_291 : i32
      %convert_element_type3A_293 = arith.extui %lt3A_292 : i1 to i32
      %cond3A_294 = arith.constant 0 : i32
      %cond3A_295 = arith.cmpi ne, %convert_element_type3A_293, %cond3A_294 : i32
      scf.if %cond3A_295 {
        %add3A_296 = arith.constant 3 : i32
        %add3A_297 = arith.addi %add3A_263, %add3A_296 : i32
        %dma_start3A_298 = arith.constant 2 : i32
        %dma_start3A_299 = arith.constant 0 : i32
        %dma_start3A_300 = arith.constant 0 : i32
        %dma_start3A_301 = tpu.memref_slice %arg8[%dma_start3A_298, %dma_start3A_299, %dma_start3A_300] : memref<3x1x80xi32, #tpu.memory_space<vmem>> -> memref<1x1x80xi32, #tpu.memory_space<vmem>>
        %dma_start3A_302 = tpu.memref_squeeze %dma_start3A_301 : memref<1x1x80xi32, #tpu.memory_space<vmem>> -> memref<1x80xi32, #tpu.memory_space<vmem>>
        %dma_start3A_303 = arith.constant 0 : i32
        %dma_start3A_304 = arith.constant 0 : i32
        %dma_start3A_305 = tpu.memref_slice %arg4[%add3A, %add3A_297, %dma_start3A_303, %dma_start3A_304] : memref<32x125x1x80xi32, #tpu.memory_space<hbm>> -> memref<1x1x1x80xi32, #tpu.memory_space<hbm>>
        %dma_start3A_306 = tpu.memref_squeeze %dma_start3A_305 : memref<1x1x1x80xi32, #tpu.memory_space<hbm>> -> memref<1x80xi32, #tpu.memory_space<hbm>>
        %dma_start3A_307 = arith.constant 0 : i32
        %dma_start3A_308 = arith.constant 0 : i32
        %dma_start3A_309 = tpu.memref_slice %arg8[%dma_start3A_298, %dma_start3A_307, %dma_start3A_308] : memref<3x1x80xi32, #tpu.memory_space<vmem>> -> memref<1x1x80xi32, #tpu.memory_space<vmem>>
        %dma_start3A_310 = tpu.memref_squeeze %dma_start3A_309 : memref<1x1x80xi32, #tpu.memory_space<vmem>> -> memref<1x80xi32, #tpu.memory_space<vmem>>
        %dma_start3A_311 = arith.constant 0 : i32
        %dma_start3A_312 = arith.constant 0 : i32
        %dma_start3A_313 = tpu.memref_slice %arg4[%add3A, %add3A_297, %dma_start3A_311, %dma_start3A_312] : memref<32x125x1x80xi32, #tpu.memory_space<hbm>> -> memref<1x1x1x80xi32, #tpu.memory_space<hbm>>
        %dma_start3A_314 = tpu.memref_squeeze %dma_start3A_313 : memref<1x1x1x80xi32, #tpu.memory_space<hbm>> -> memref<1x80xi32, #tpu.memory_space<hbm>>
        tpu.enqueue_dma source(%dma_start3A_314 : memref<1x80xi32, #tpu.memory_space<hbm>>) target(%dma_start3A_310 : memref<1x80xi32, #tpu.memory_space<vmem>>) target_semaphore(%arg17 : memref<!tpu.dma_semaphore, #tpu.memory_space<semaphore_mem>>)
        %add3A_315 = arith.constant 3 : i32
        %add3A_316 = arith.addi %add3A_263, %add3A_315 : i32
        %mul3A_317 = arith.constant 80 : i32
        %mul3A_318 = arith.muli %add3A_316, %mul3A_317 : i32
        %dma_start3A_319 = tpu.memref_slice %arg7[%mul3A_318] : memref<10000xi32, #tpu.memory_space<vmem>> -> memref<80xi32, #tpu.memory_space<vmem>>
        %dma_start3A_320 = arith.constant 0 : i32
        %dma_start3A_321 = arith.constant 0 : i32
        %dma_start3A_322 = tpu.memref_slice %arg2[%dma_start3A_320, %dma_start3A_321] : memref<10000x128xf32, #tpu.memory_space<hbm>> -> memref<10000x128xf32, #tpu.memory_space<hbm>>
        tpu.enqueue_indirect_dma source(%dma_start3A_322 : memref<10000x128xf32, #tpu.memory_space<hbm>>) target(%arg11 : memref<80x128xf32, #tpu.memory_space<vmem>>) offsets(%dma_start3A_319 : memref<80xi32, #tpu.memory_space<vmem>>) semaphore(%arg14 : memref<!tpu.dma_semaphore, #tpu.memory_space<semaphore_mem>>)
      } else {
      }
    }
    %scan3A_113 = arith.constant 41 : i32
    %dma_wait3A = arith.constant 9840 : i32
    %dma_wait3A_114 = tpu.memref_slice %arg7[%dma_wait3A] : memref<10000xi32, #tpu.memory_space<vmem>> -> memref<80xi32, #tpu.memory_space<vmem>>
    %dma_wait3A_115 = arith.constant 0 : i32
    %dma_wait3A_116 = arith.constant 0 : i32
    %dma_wait3A_117 = tpu.memref_slice %arg2[%dma_wait3A_115, %dma_wait3A_116] : memref<10000x128xf32, #tpu.memory_space<hbm>> -> memref<10000x128xf32, #tpu.memory_space<hbm>>
    tpu.wait_indirect_dma semaphore(%arg12 : memref<!tpu.dma_semaphore, #tpu.memory_space<semaphore_mem>>) src(%dma_wait3A_117 : memref<10000x128xf32, #tpu.memory_space<hbm>>) dst(%arg9 : memref<80x128xf32, #tpu.memory_space<vmem>>)
    %dma_wait3A_118 = arith.constant 123 : i32
    %dma_wait3A_119 = arith.constant 0 : i32
    %dma_wait3A_120 = arith.constant 0 : i32
    %dma_wait3A_121 = arith.constant 0 : i32
    %dma_wait3A_122 = tpu.memref_slice %arg8[%dma_wait3A_119, %dma_wait3A_120, %dma_wait3A_121] : memref<3x1x80xi32, #tpu.memory_space<vmem>> -> memref<1x1x80xi32, #tpu.memory_space<vmem>>
    %dma_wait3A_123 = tpu.memref_squeeze %dma_wait3A_122 : memref<1x1x80xi32, #tpu.memory_space<vmem>> -> memref<1x80xi32, #tpu.memory_space<vmem>>
    %dma_wait3A_124 = arith.constant 0 : i32
    %dma_wait3A_125 = arith.constant 0 : i32
    %dma_wait3A_126 = tpu.memref_slice %arg4[%add3A, %dma_wait3A_118, %dma_wait3A_124, %dma_wait3A_125] : memref<32x125x1x80xi32, #tpu.memory_space<hbm>> -> memref<1x1x1x80xi32, #tpu.memory_space<hbm>>
    %dma_wait3A_127 = tpu.memref_squeeze %dma_wait3A_126 : memref<1x1x1x80xi32, #tpu.memory_space<hbm>> -> memref<1x80xi32, #tpu.memory_space<hbm>>
    %dma_wait3A_128 = arith.constant 0 : i32
    %dma_wait3A_129 = arith.constant 0 : i32
    %dma_wait3A_130 = tpu.memref_slice %arg8[%dma_wait3A_119, %dma_wait3A_128, %dma_wait3A_129] : memref<3x1x80xi32, #tpu.memory_space<vmem>> -> memref<1x1x80xi32, #tpu.memory_space<vmem>>
    %dma_wait3A_131 = tpu.memref_squeeze %dma_wait3A_130 : memref<1x1x80xi32, #tpu.memory_space<vmem>> -> memref<1x80xi32, #tpu.memory_space<vmem>>
    %dma_wait3A_132 = arith.constant 0 : i32
    %dma_wait3A_133 = arith.constant 0 : i32
    %dma_wait3A_134 = tpu.memref_slice %arg4[%add3A, %dma_wait3A_118, %dma_wait3A_132, %dma_wait3A_133] : memref<32x125x1x80xi32, #tpu.memory_space<hbm>> -> memref<1x1x1x80xi32, #tpu.memory_space<hbm>>
    %dma_wait3A_135 = tpu.memref_squeeze %dma_wait3A_134 : memref<1x1x1x80xi32, #tpu.memory_space<hbm>> -> memref<1x80xi32, #tpu.memory_space<hbm>>
    tpu.wait_dma2 semaphore(%arg15 : memref<!tpu.dma_semaphore, #tpu.memory_space<semaphore_mem>>) src(%dma_wait3A_135 : memref<1x80xi32, #tpu.memory_space<hbm>>) dst(%dma_wait3A_131 : memref<1x80xi32, #tpu.memory_space<vmem>>)
    %run_scoped3A = arith.constant 0 : i32
    %run_scoped3A_136 = arith.constant 0 : i32
    "tpu.region"() ({
      %run_scoped3A_188 = tpu.sem_alloc : memref<!tpu.dma_semaphore, #tpu.memory_space<semaphore_mem>>
      %dma_start3A_189 = arith.constant 0 : i32
      %dma_start3A_190 = tpu.memref_slice %arg8[%run_scoped3A, %run_scoped3A_136, %dma_start3A_189] : memref<3x1x80xi32, #tpu.memory_space<vmem>> -> memref<1x1x80xi32, #tpu.memory_space<vmem>>
      %dma_start3A_191 = tpu.memref_squeeze %dma_start3A_190 : memref<1x1x80xi32, #tpu.memory_space<vmem>> -> memref<80xi32, #tpu.memory_space<vmem>>
      %dma_start3A_192 = arith.constant 0 : i32
      %dma_start3A_193 = arith.constant 0 : i32
      %dma_start3A_194 = tpu.memref_slice %arg18[%dma_start3A_192, %dma_start3A_193] : memref<10000x128xf32, #tpu.memory_space<vmem_shared>> -> memref<10000x128xf32, #tpu.memory_space<vmem_shared>>
      tpu.enqueue_indirect_dma source(%arg9 : memref<80x128xf32, #tpu.memory_space<vmem>>) target(%dma_start3A_194 : memref<10000x128xf32, #tpu.memory_space<vmem_shared>>) offsets(%dma_start3A_191 : memref<80xi32, #tpu.memory_space<vmem>>) semaphore(%run_scoped3A_188 : memref<!tpu.dma_semaphore, #tpu.memory_space<semaphore_mem>>) {add = true}
      %dma_wait3A_195 = arith.constant 0 : i32
      %dma_wait3A_196 = tpu.memref_slice %arg8[%run_scoped3A, %run_scoped3A_136, %dma_wait3A_195] : memref<3x1x80xi32, #tpu.memory_space<vmem>> -> memref<1x1x80xi32, #tpu.memory_space<vmem>>
      %dma_wait3A_197 = tpu.memref_squeeze %dma_wait3A_196 : memref<1x1x80xi32, #tpu.memory_space<vmem>> -> memref<80xi32, #tpu.memory_space<vmem>>
      %dma_wait3A_198 = arith.constant 0 : i32
      %dma_wait3A_199 = arith.constant 0 : i32
      %dma_wait3A_200 = tpu.memref_slice %arg18[%dma_wait3A_198, %dma_wait3A_199] : memref<10000x128xf32, #tpu.memory_space<vmem_shared>> -> memref<10000x128xf32, #tpu.memory_space<vmem_shared>>
      tpu.wait_indirect_dma semaphore(%run_scoped3A_188 : memref<!tpu.dma_semaphore, #tpu.memory_space<semaphore_mem>>) src(%arg9 : memref<80x128xf32, #tpu.memory_space<vmem>>) dst(%dma_wait3A_200 : memref<10000x128xf32, #tpu.memory_space<vmem_shared>>)
      tpu.yield
    }) : () -> ()
    %dma_wait3A_137 = arith.constant 9920 : i32
    %dma_wait3A_138 = tpu.memref_slice %arg7[%dma_wait3A_137] : memref<10000xi32, #tpu.memory_space<vmem>> -> memref<80xi32, #tpu.memory_space<vmem>>
    %dma_wait3A_139 = arith.constant 0 : i32
    %dma_wait3A_140 = arith.constant 0 : i32
    %dma_wait3A_141 = tpu.memref_slice %arg2[%dma_wait3A_139, %dma_wait3A_140] : memref<10000x128xf32, #tpu.memory_space<hbm>> -> memref<10000x128xf32, #tpu.memory_space<hbm>>
    tpu.wait_indirect_dma semaphore(%arg13 : memref<!tpu.dma_semaphore, #tpu.memory_space<semaphore_mem>>) src(%dma_wait3A_141 : memref<10000x128xf32, #tpu.memory_space<hbm>>) dst(%arg10 : memref<80x128xf32, #tpu.memory_space<vmem>>)
    %dma_wait3A_142 = arith.constant 124 : i32
    %dma_wait3A_143 = arith.constant 1 : i32
    %dma_wait3A_144 = arith.constant 0 : i32
    %dma_wait3A_145 = arith.constant 0 : i32
    %dma_wait3A_146 = tpu.memref_slice %arg8[%dma_wait3A_143, %dma_wait3A_144, %dma_wait3A_145] : memref<3x1x80xi32, #tpu.memory_space<vmem>> -> memref<1x1x80xi32, #tpu.memory_space<vmem>>
    %dma_wait3A_147 = tpu.memref_squeeze %dma_wait3A_146 : memref<1x1x80xi32, #tpu.memory_space<vmem>> -> memref<1x80xi32, #tpu.memory_space<vmem>>
    %dma_wait3A_148 = arith.constant 0 : i32
    %dma_wait3A_149 = arith.constant 0 : i32
    %dma_wait3A_150 = tpu.memref_slice %arg4[%add3A, %dma_wait3A_142, %dma_wait3A_148, %dma_wait3A_149] : memref<32x125x1x80xi32, #tpu.memory_space<hbm>> -> memref<1x1x1x80xi32, #tpu.memory_space<hbm>>
    %dma_wait3A_151 = tpu.memref_squeeze %dma_wait3A_150 : memref<1x1x1x80xi32, #tpu.memory_space<hbm>> -> memref<1x80xi32, #tpu.memory_space<hbm>>
    %dma_wait3A_152 = arith.constant 0 : i32
    %dma_wait3A_153 = arith.constant 0 : i32
    %dma_wait3A_154 = tpu.memref_slice %arg8[%dma_wait3A_143, %dma_wait3A_152, %dma_wait3A_153] : memref<3x1x80xi32, #tpu.memory_space<vmem>> -> memref<1x1x80xi32, #tpu.memory_space<vmem>>
    %dma_wait3A_155 = tpu.memref_squeeze %dma_wait3A_154 : memref<1x1x80xi32, #tpu.memory_space<vmem>> -> memref<1x80xi32, #tpu.memory_space<vmem>>
    %dma_wait3A_156 = arith.constant 0 : i32
    %dma_wait3A_157 = arith.constant 0 : i32
    %dma_wait3A_158 = tpu.memref_slice %arg4[%add3A, %dma_wait3A_142, %dma_wait3A_156, %dma_wait3A_157] : memref<32x125x1x80xi32, #tpu.memory_space<hbm>> -> memref<1x1x1x80xi32, #tpu.memory_space<hbm>>
    %dma_wait3A_159 = tpu.memref_squeeze %dma_wait3A_158 : memref<1x1x1x80xi32, #tpu.memory_space<hbm>> -> memref<1x80xi32, #tpu.memory_space<hbm>>
    tpu.wait_dma2 semaphore(%arg16 : memref<!tpu.dma_semaphore, #tpu.memory_space<semaphore_mem>>) src(%dma_wait3A_159 : memref<1x80xi32, #tpu.memory_space<hbm>>) dst(%dma_wait3A_155 : memref<1x80xi32, #tpu.memory_space<vmem>>)
    %run_scoped3A_160 = arith.constant 1 : i32
    %run_scoped3A_161 = arith.constant 0 : i32
    "tpu.region"() ({
      %run_scoped3A_188 = tpu.sem_alloc : memref<!tpu.dma_semaphore, #tpu.memory_space<semaphore_mem>>
      %dma_start3A_189 = arith.constant 0 : i32
      %dma_start3A_190 = tpu.memref_slice %arg8[%run_scoped3A_160, %run_scoped3A_161, %dma_start3A_189] : memref<3x1x80xi32, #tpu.memory_space<vmem>> -> memref<1x1x80xi32, #tpu.memory_space<vmem>>
      %dma_start3A_191 = tpu.memref_squeeze %dma_start3A_190 : memref<1x1x80xi32, #tpu.memory_space<vmem>> -> memref<80xi32, #tpu.memory_space<vmem>>
      %dma_start3A_192 = arith.constant 0 : i32
      %dma_start3A_193 = arith.constant 0 : i32
      %dma_start3A_194 = tpu.memref_slice %arg18[%dma_start3A_192, %dma_start3A_193] : memref<10000x128xf32, #tpu.memory_space<vmem_shared>> -> memref<10000x128xf32, #tpu.memory_space<vmem_shared>>
      tpu.enqueue_indirect_dma source(%arg10 : memref<80x128xf32, #tpu.memory_space<vmem>>) target(%dma_start3A_194 : memref<10000x128xf32, #tpu.memory_space<vmem_shared>>) offsets(%dma_start3A_191 : memref<80xi32, #tpu.memory_space<vmem>>) semaphore(%run_scoped3A_188 : memref<!tpu.dma_semaphore, #tpu.memory_space<semaphore_mem>>) {add = true}
      %dma_wait3A_195 = arith.constant 0 : i32
      %dma_wait3A_196 = tpu.memref_slice %arg8[%run_scoped3A_160, %run_scoped3A_161, %dma_wait3A_195] : memref<3x1x80xi32, #tpu.memory_space<vmem>> -> memref<1x1x80xi32, #tpu.memory_space<vmem>>
      %dma_wait3A_197 = tpu.memref_squeeze %dma_wait3A_196 : memref<1x1x80xi32, #tpu.memory_space<vmem>> -> memref<80xi32, #tpu.memory_space<vmem>>
      %dma_wait3A_198 = arith.constant 0 : i32
      %dma_wait3A_199 = arith.constant 0 : i32
      %dma_wait3A_200 = tpu.memref_slice %arg18[%dma_wait3A_198, %dma_wait3A_199] : memref<10000x128xf32, #tpu.memory_space<vmem_shared>> -> memref<10000x128xf32, #tpu.memory_space<vmem_shared>>
      tpu.wait_indirect_dma semaphore(%run_scoped3A_188 : memref<!tpu.dma_semaphore, #tpu.memory_space<semaphore_mem>>) src(%arg10 : memref<80x128xf32, #tpu.memory_space<vmem>>) dst(%dma_wait3A_200 : memref<10000x128xf32, #tpu.memory_space<vmem_shared>>)
      tpu.yield
    }) : () -> ()
    %barrier3A_162 = arith.constant 0 : index
    tpu.barrier barrier_id(%barrier3A_162)
    %eq3A_163 = arith.constant 0 : i32
    %eq3A_164 = arith.cmpi eq, %arg0, %eq3A_163 : i32
    %convert_element_type3A_165 = arith.extui %eq3A_164 : i1 to i32
    %cond3A_166 = arith.constant 0 : i32
    %cond3A_167 = arith.cmpi ne, %convert_element_type3A_165, %cond3A_166 : i32
    scf.if %cond3A_167 {
      %mul3A_188 = arith.constant 624 : i32
      %mul3A_189 = arith.muli %arg1, %mul3A_188 : i32
      %mul3A_190 = arith.constant 624 : i32
      %mul3A_191 = arith.muli %arg1, %mul3A_190 : i32
      "tpu.region"() ({
        %run_scoped3A_192 = tpu.sem_alloc : memref<!tpu.dma_semaphore, #tpu.memory_space<semaphore_mem>>
        %dma_start3A_193 = arith.constant 0 : i32
        %dma_start3A_194 = tpu.memref_slice %arg5[%mul3A_191, %dma_start3A_193] : memref<10000x128xf32, #tpu.memory_space<hbm>> -> memref<624x128xf32, #tpu.memory_space<hbm>>
        %dma_start3A_195 = arith.constant 0 : i32
        %dma_start3A_196 = tpu.memref_slice %arg18[%mul3A_189, %dma_start3A_195] : memref<10000x128xf32, #tpu.memory_space<vmem_shared>> -> memref<624x128xf32, #tpu.memory_space<vmem_shared>>
        tpu.enqueue_dma source(%dma_start3A_196 : memref<624x128xf32, #tpu.memory_space<vmem_shared>>) target(%dma_start3A_194 : memref<624x128xf32, #tpu.memory_space<hbm>>) target_semaphore(%run_scoped3A_192 : memref<!tpu.dma_semaphore, #tpu.memory_space<semaphore_mem>>)
        %dma_wait3A_197 = arith.constant 0 : i32
        %dma_wait3A_198 = tpu.memref_slice %arg5[%mul3A_191, %dma_wait3A_197] : memref<10000x128xf32, #tpu.memory_space<hbm>> -> memref<624x128xf32, #tpu.memory_space<hbm>>
        %dma_wait3A_199 = arith.constant 0 : i32
        %dma_wait3A_200 = tpu.memref_slice %arg18[%mul3A_189, %dma_wait3A_199] : memref<10000x128xf32, #tpu.memory_space<vmem_shared>> -> memref<624x128xf32, #tpu.memory_space<vmem_shared>>
        tpu.wait_dma2 semaphore(%run_scoped3A_192 : memref<!tpu.dma_semaphore, #tpu.memory_space<semaphore_mem>>) src(%dma_wait3A_200 : memref<624x128xf32, #tpu.memory_space<vmem_shared>>) dst(%dma_wait3A_198 : memref<624x128xf32, #tpu.memory_space<hbm>>)
        tpu.yield
      }) : () -> ()
    } else {
    }
    %eq3A_168 = arith.constant 1 : i32
    %eq3A_169 = arith.cmpi eq, %arg0, %eq3A_168 : i32
    %convert_element_type3A_170 = arith.extui %eq3A_169 : i1 to i32
    %cond3A_171 = arith.constant 0 : i32
    %cond3A_172 = arith.cmpi ne, %convert_element_type3A_170, %cond3A_171 : i32
    scf.if %cond3A_172 {
      %mul3A_188 = arith.constant 624 : i32
      %mul3A_189 = arith.muli %arg1, %mul3A_188 : i32
      %mul3A_190 = arith.constant 624 : i32
      %mul3A_191 = arith.muli %arg1, %mul3A_190 : i32
      "tpu.region"() ({
        %run_scoped3A_192 = tpu.sem_alloc : memref<!tpu.dma_semaphore, #tpu.memory_space<semaphore_mem>>
        %dma_start3A_193 = arith.constant 0 : i32
        %dma_start3A_194 = tpu.memref_slice %arg6[%mul3A_191, %dma_start3A_193] : memref<10000x128xf32, #tpu.memory_space<hbm>> -> memref<624x128xf32, #tpu.memory_space<hbm>>
        %dma_start3A_195 = arith.constant 0 : i32
        %dma_start3A_196 = tpu.memref_slice %arg18[%mul3A_189, %dma_start3A_195] : memref<10000x128xf32, #tpu.memory_space<vmem_shared>> -> memref<624x128xf32, #tpu.memory_space<vmem_shared>>
        tpu.enqueue_dma source(%dma_start3A_196 : memref<624x128xf32, #tpu.memory_space<vmem_shared>>) target(%dma_start3A_194 : memref<624x128xf32, #tpu.memory_space<hbm>>) target_semaphore(%run_scoped3A_192 : memref<!tpu.dma_semaphore, #tpu.memory_space<semaphore_mem>>)
        %dma_wait3A_197 = arith.constant 0 : i32
        %dma_wait3A_198 = tpu.memref_slice %arg6[%mul3A_191, %dma_wait3A_197] : memref<10000x128xf32, #tpu.memory_space<hbm>> -> memref<624x128xf32, #tpu.memory_space<hbm>>
        %dma_wait3A_199 = arith.constant 0 : i32
        %dma_wait3A_200 = tpu.memref_slice %arg18[%mul3A_189, %dma_wait3A_199] : memref<10000x128xf32, #tpu.memory_space<vmem_shared>> -> memref<624x128xf32, #tpu.memory_space<vmem_shared>>
        tpu.wait_dma2 semaphore(%run_scoped3A_192 : memref<!tpu.dma_semaphore, #tpu.memory_space<semaphore_mem>>) src(%dma_wait3A_200 : memref<624x128xf32, #tpu.memory_space<vmem_shared>>) dst(%dma_wait3A_198 : memref<624x128xf32, #tpu.memory_space<hbm>>)
        tpu.yield
      }) : () -> ()
    } else {
    }
    %eq3A_173 = arith.constant 0 : i32
    %eq3A_174 = arith.cmpi eq, %arg1, %eq3A_173 : i32
    %eq3A_175 = arith.constant 0 : i32
    %eq3A_176 = arith.cmpi eq, %arg0, %eq3A_175 : i32
    %and3A = arith.andi %eq3A_174, %eq3A_176 : i1
    %convert_element_type3A_177 = arith.extui %and3A : i1 to i32
    %cond3A_178 = arith.constant 0 : i32
    %cond3A_179 = arith.cmpi ne, %convert_element_type3A_177, %cond3A_178 : i32
    scf.if %cond3A_179 {
      "tpu.region"() ({
        %run_scoped3A_188 = tpu.sem_alloc : memref<!tpu.dma_semaphore, #tpu.memory_space<semaphore_mem>>
        %dma_start3A_189 = arith.constant 9984 : i32
        %dma_start3A_190 = arith.constant 0 : i32
        %dma_start3A_191 = tpu.memref_slice %arg5[%dma_start3A_189, %dma_start3A_190] : memref<10000x128xf32, #tpu.memory_space<hbm>> -> memref<16x128xf32, #tpu.memory_space<hbm>>
        %dma_start3A_192 = arith.constant 9984 : i32
        %dma_start3A_193 = arith.constant 0 : i32
        %dma_start3A_194 = tpu.memref_slice %arg18[%dma_start3A_192, %dma_start3A_193] : memref<10000x128xf32, #tpu.memory_space<vmem_shared>> -> memref<16x128xf32, #tpu.memory_space<vmem_shared>>
        tpu.enqueue_dma source(%dma_start3A_194 : memref<16x128xf32, #tpu.memory_space<vmem_shared>>) target(%dma_start3A_191 : memref<16x128xf32, #tpu.memory_space<hbm>>) target_semaphore(%run_scoped3A_188 : memref<!tpu.dma_semaphore, #tpu.memory_space<semaphore_mem>>)
        %dma_wait3A_195 = arith.constant 9984 : i32
        %dma_wait3A_196 = arith.constant 0 : i32
        %dma_wait3A_197 = tpu.memref_slice %arg5[%dma_wait3A_195, %dma_wait3A_196] : memref<10000x128xf32, #tpu.memory_space<hbm>> -> memref<16x128xf32, #tpu.memory_space<hbm>>
        %dma_wait3A_198 = arith.constant 9984 : i32
        %dma_wait3A_199 = arith.constant 0 : i32
        %dma_wait3A_200 = tpu.memref_slice %arg18[%dma_wait3A_198, %dma_wait3A_199] : memref<10000x128xf32, #tpu.memory_space<vmem_shared>> -> memref<16x128xf32, #tpu.memory_space<vmem_shared>>
        tpu.wait_dma2 semaphore(%run_scoped3A_188 : memref<!tpu.dma_semaphore, #tpu.memory_space<semaphore_mem>>) src(%dma_wait3A_200 : memref<16x128xf32, #tpu.memory_space<vmem_shared>>) dst(%dma_wait3A_197 : memref<16x128xf32, #tpu.memory_space<hbm>>)
        tpu.yield
      }) : () -> ()
    } else {
    }
    %eq3A_180 = arith.constant 0 : i32
    %eq3A_181 = arith.cmpi eq, %arg1, %eq3A_180 : i32
    %eq3A_182 = arith.constant 1 : i32
    %eq3A_183 = arith.cmpi eq, %arg0, %eq3A_182 : i32
    %and3A_184 = arith.andi %eq3A_181, %eq3A_183 : i1
    %convert_element_type3A_185 = arith.extui %and3A_184 : i1 to i32
    %cond3A_186 = arith.constant 0 : i32
    %cond3A_187 = arith.cmpi ne, %convert_element_type3A_185, %cond3A_186 : i32
    scf.if %cond3A_187 {
      "tpu.region"() ({
        %run_scoped3A_188 = tpu.sem_alloc : memref<!tpu.dma_semaphore, #tpu.memory_space<semaphore_mem>>
        %dma_start3A_189 = arith.constant 9984 : i32
        %dma_start3A_190 = arith.constant 0 : i32
        %dma_start3A_191 = tpu.memref_slice %arg6[%dma_start3A_189, %dma_start3A_190] : memref<10000x128xf32, #tpu.memory_space<hbm>> -> memref<16x128xf32, #tpu.memory_space<hbm>>
        %dma_start3A_192 = arith.constant 9984 : i32
        %dma_start3A_193 = arith.constant 0 : i32
        %dma_start3A_194 = tpu.memref_slice %arg18[%dma_start3A_192, %dma_start3A_193] : memref<10000x128xf32, #tpu.memory_space<vmem_shared>> -> memref<16x128xf32, #tpu.memory_space<vmem_shared>>
        tpu.enqueue_dma source(%dma_start3A_194 : memref<16x128xf32, #tpu.memory_space<vmem_shared>>) target(%dma_start3A_191 : memref<16x128xf32, #tpu.memory_space<hbm>>) target_semaphore(%run_scoped3A_188 : memref<!tpu.dma_semaphore, #tpu.memory_space<semaphore_mem>>)
        %dma_wait3A_195 = arith.constant 9984 : i32
        %dma_wait3A_196 = arith.constant 0 : i32
        %dma_wait3A_197 = tpu.memref_slice %arg6[%dma_wait3A_195, %dma_wait3A_196] : memref<10000x128xf32, #tpu.memory_space<hbm>> -> memref<16x128xf32, #tpu.memory_space<hbm>>
        %dma_wait3A_198 = arith.constant 9984 : i32
        %dma_wait3A_199 = arith.constant 0 : i32
        %dma_wait3A_200 = tpu.memref_slice %arg18[%dma_wait3A_198, %dma_wait3A_199] : memref<10000x128xf32, #tpu.memory_space<vmem_shared>> -> memref<16x128xf32, #tpu.memory_space<vmem_shared>>
        tpu.wait_dma2 semaphore(%run_scoped3A_188 : memref<!tpu.dma_semaphore, #tpu.memory_space<semaphore_mem>>) src(%dma_wait3A_200 : memref<16x128xf32, #tpu.memory_space<vmem_shared>>) dst(%dma_wait3A_197 : memref<16x128xf32, #tpu.memory_space<hbm>>)
        tpu.yield
      }) : () -> ()
    } else {
    }
    return
  }
}

#map = affine_map<(d0, d1) -> (0, 0, 0)>
#map1 = affine_map<(d0, d1) -> (0)>
module attributes {stable_mosaic.version = 14 : i64} {
  func.func @_deg_body(%arg0: i32, %arg1: i32, %arg2: memref<32x125x80xi32, #tpu.memory_space<hbm>>, %arg3: memref<10000xf32, #tpu.memory_space<hbm>>, %arg4: memref<10000xf32, #tpu.memory_space<hbm>>, %arg5: memref<10000xf32, #tpu.memory_space<hbm>>, %arg6: memref<125x80xi32, #tpu.memory_space<vmem>>, %arg7: memref<80xf32, #tpu.memory_space<vmem>>, %arg8: memref<!tpu.dma_semaphore, #tpu.memory_space<semaphore_mem>>, %arg9: memref<10000xf32, #tpu.memory_space<vmem_shared>>) attributes {dimension_semantics = [#tpu.dimension_semantics<core_parallel>, #tpu.dimension_semantics<subcore_parallel>], iteration_bounds = array<i64: 2, 16>, scalar_prefetch = 0 : i64, scratch_operands = 4 : i64, tpu.core_type = #tpu.core_type<sc_vector_subcore>, window_params = [{transform_indices = #map}, {transform_indices = #map1}, {transform_indices = #map1}, {transform_indices = #map1}]} {
    %mul3A = arith.constant 16 : i32
    %mul3A_0 = arith.muli %arg0, %mul3A : i32
    %add3A = arith.addi %mul3A_0, %arg1 : i32
    %broadcast_in_dim3A = arith.constant 1.000000e+00 : f32
    %broadcast_in_dim3A_1 = vector.broadcast %broadcast_in_dim3A : f32 to vector<16xf32>
    %swap3A = arith.constant 0 : index
    %swap3A_2 = tpu.vector_load %arg7[%swap3A] {strides = array<i32>} : memref<80xf32, #tpu.memory_space<vmem>>, vector<16xf32>,
    %swap3A_3 = vector.shape_cast %swap3A_2 : vector<16xf32> to vector<16xf32>
    %swap3A_4 = vector.shape_cast %broadcast_in_dim3A_1 : vector<16xf32> to vector<16xf32>
    tpu.vector_store %arg7[%swap3A], %swap3A_4 {strides = array<i32>} : memref<80xf32, #tpu.memory_space<vmem>>, vector<16xf32>,
    %broadcast_in_dim3A_5 = arith.constant 1.000000e+00 : f32
    %broadcast_in_dim3A_6 = vector.broadcast %broadcast_in_dim3A_5 : f32 to vector<16xf32>
    %swap3A_7 = arith.constant 16 : index
    %swap3A_8 = tpu.vector_load %arg7[%swap3A_7] {strides = array<i32>} : memref<80xf32, #tpu.memory_space<vmem>>, vector<16xf32>,
    %swap3A_9 = vector.shape_cast %swap3A_8 : vector<16xf32> to vector<16xf32>
    %swap3A_10 = vector.shape_cast %broadcast_in_dim3A_6 : vector<16xf32> to vector<16xf32>
    tpu.vector_store %arg7[%swap3A_7], %swap3A_10 {strides = array<i32>} : memref<80xf32, #tpu.memory_space<vmem>>, vector<16xf32>,
    %broadcast_in_dim3A_11 = arith.constant 1.000000e+00 : f32
    %broadcast_in_dim3A_12 = vector.broadcast %broadcast_in_dim3A_11 : f32 to vector<16xf32>
    %swap3A_13 = arith.constant 32 : index
    %swap3A_14 = tpu.vector_load %arg7[%swap3A_13] {strides = array<i32>} : memref<80xf32, #tpu.memory_space<vmem>>, vector<16xf32>,
    %swap3A_15 = vector.shape_cast %swap3A_14 : vector<16xf32> to vector<16xf32>
    %swap3A_16 = vector.shape_cast %broadcast_in_dim3A_12 : vector<16xf32> to vector<16xf32>
    tpu.vector_store %arg7[%swap3A_13], %swap3A_16 {strides = array<i32>} : memref<80xf32, #tpu.memory_space<vmem>>, vector<16xf32>,
    %broadcast_in_dim3A_17 = arith.constant 1.000000e+00 : f32
    %broadcast_in_dim3A_18 = vector.broadcast %broadcast_in_dim3A_17 : f32 to vector<16xf32>
    %swap3A_19 = arith.constant 48 : index
    %swap3A_20 = tpu.vector_load %arg7[%swap3A_19] {strides = array<i32>} : memref<80xf32, #tpu.memory_space<vmem>>, vector<16xf32>,
    %swap3A_21 = vector.shape_cast %swap3A_20 : vector<16xf32> to vector<16xf32>
    %swap3A_22 = vector.shape_cast %broadcast_in_dim3A_18 : vector<16xf32> to vector<16xf32>
    tpu.vector_store %arg7[%swap3A_19], %swap3A_22 {strides = array<i32>} : memref<80xf32, #tpu.memory_space<vmem>>, vector<16xf32>,
    %broadcast_in_dim3A_23 = arith.constant 1.000000e+00 : f32
    %broadcast_in_dim3A_24 = vector.broadcast %broadcast_in_dim3A_23 : f32 to vector<16xf32>
    %swap3A_25 = arith.constant 64 : index
    %swap3A_26 = tpu.vector_load %arg7[%swap3A_25] {strides = array<i32>} : memref<80xf32, #tpu.memory_space<vmem>>, vector<16xf32>,
    %swap3A_27 = vector.shape_cast %swap3A_26 : vector<16xf32> to vector<16xf32>
    %swap3A_28 = vector.shape_cast %broadcast_in_dim3A_24 : vector<16xf32> to vector<16xf32>
    tpu.vector_store %arg7[%swap3A_25], %swap3A_28 {strides = array<i32>} : memref<80xf32, #tpu.memory_space<vmem>>, vector<16xf32>,
    %eq3A = arith.constant 0 : i32
    %eq3A_29 = arith.cmpi eq, %arg1, %eq3A : i32
    %convert_element_type3A = arith.extui %eq3A_29 : i1 to i32
    %cond3A = arith.constant 0 : i32
    %cond3A_30 = arith.cmpi ne, %convert_element_type3A, %cond3A : i32
    scf.if %cond3A_30 {
      "tpu.region"() ({
        %run_scoped3A = tpu.sem_alloc : memref<!tpu.dma_semaphore, #tpu.memory_space<semaphore_mem>>
        tpu.enqueue_dma source(%arg3 : memref<10000xf32, #tpu.memory_space<hbm>>) target(%arg9 : memref<10000xf32, #tpu.memory_space<vmem_shared>>) target_semaphore(%run_scoped3A : memref<!tpu.dma_semaphore, #tpu.memory_space<semaphore_mem>>)
        tpu.wait_dma2 semaphore(%run_scoped3A : memref<!tpu.dma_semaphore, #tpu.memory_space<semaphore_mem>>) src(%arg3 : memref<10000xf32, #tpu.memory_space<hbm>>) dst(%arg9 : memref<10000xf32, #tpu.memory_space<vmem_shared>>)
        tpu.yield
      }) : () -> ()
    } else {
    }
    "tpu.region"() ({
      %run_scoped3A = tpu.sem_alloc : memref<!tpu.dma_semaphore, #tpu.memory_space<semaphore_mem>>
      %dma_start3A = arith.constant 0 : i32
      %dma_start3A_58 = arith.constant 0 : i32
      %dma_start3A_59 = tpu.memref_slice %arg2[%add3A, %dma_start3A, %dma_start3A_58] : memref<32x125x80xi32, #tpu.memory_space<hbm>> -> memref<1x125x80xi32, #tpu.memory_space<hbm>>
      %dma_start3A_60 = tpu.memref_squeeze %dma_start3A_59 : memref<1x125x80xi32, #tpu.memory_space<hbm>> -> memref<125x80xi32, #tpu.memory_space<hbm>>
      %dma_start3A_61 = arith.constant 0 : i32
      %dma_start3A_62 = arith.constant 0 : i32
      %dma_start3A_63 = tpu.memref_slice %arg2[%add3A, %dma_start3A_61, %dma_start3A_62] : memref<32x125x80xi32, #tpu.memory_space<hbm>> -> memref<1x125x80xi32, #tpu.memory_space<hbm>>
      %dma_start3A_64 = tpu.memref_squeeze %dma_start3A_63 : memref<1x125x80xi32, #tpu.memory_space<hbm>> -> memref<125x80xi32, #tpu.memory_space<hbm>>
      tpu.enqueue_dma source(%dma_start3A_64 : memref<125x80xi32, #tpu.memory_space<hbm>>) target(%arg6 : memref<125x80xi32, #tpu.memory_space<vmem>>) target_semaphore(%run_scoped3A : memref<!tpu.dma_semaphore, #tpu.memory_space<semaphore_mem>>)
      %dma_wait3A = arith.constant 0 : i32
      %dma_wait3A_65 = arith.constant 0 : i32
      %dma_wait3A_66 = tpu.memref_slice %arg2[%add3A, %dma_wait3A, %dma_wait3A_65] : memref<32x125x80xi32, #tpu.memory_space<hbm>> -> memref<1x125x80xi32, #tpu.memory_space<hbm>>
      %dma_wait3A_67 = tpu.memref_squeeze %dma_wait3A_66 : memref<1x125x80xi32, #tpu.memory_space<hbm>> -> memref<125x80xi32, #tpu.memory_space<hbm>>
      %dma_wait3A_68 = arith.constant 0 : i32
      %dma_wait3A_69 = arith.constant 0 : i32
      %dma_wait3A_70 = tpu.memref_slice %arg2[%add3A, %dma_wait3A_68, %dma_wait3A_69] : memref<32x125x80xi32, #tpu.memory_space<hbm>> -> memref<1x125x80xi32, #tpu.memory_space<hbm>>
      %dma_wait3A_71 = tpu.memref_squeeze %dma_wait3A_70 : memref<1x125x80xi32, #tpu.memory_space<hbm>> -> memref<125x80xi32, #tpu.memory_space<hbm>>
      tpu.wait_dma2 semaphore(%run_scoped3A : memref<!tpu.dma_semaphore, #tpu.memory_space<semaphore_mem>>) src(%dma_wait3A_71 : memref<125x80xi32, #tpu.memory_space<hbm>>) dst(%arg6 : memref<125x80xi32, #tpu.memory_space<vmem>>)
      tpu.yield
    }) : () -> ()
    %barrier3A = arith.constant 0 : index
    tpu.barrier barrier_id(%barrier3A)
    %scan3A = arith.constant 0 : i32
    %scan3A_31 = arith.constant 0 : i32
    %scan3A_32 = arith.constant 125 : i32
    %scan3A_33 = arith.addi %scan3A_31, %scan3A_32 : i32
    %scan3A_34 = arith.constant 1 : i32
    scf.for %scan3A_58 = %scan3A_31 to %scan3A_33 step %scan3A_34  : i32 {
      %dma_start3A = arith.constant 0 : i32
      %dma_start3A_59 = tpu.memref_slice %arg6[%scan3A_58, %dma_start3A] : memref<125x80xi32, #tpu.memory_space<vmem>> -> memref<1x80xi32, #tpu.memory_space<vmem>>
      %dma_start3A_60 = tpu.memref_squeeze %dma_start3A_59 : memref<1x80xi32, #tpu.memory_space<vmem>> -> memref<80xi32, #tpu.memory_space<vmem>>
      %dma_start3A_61 = arith.constant 0 : i32
      %dma_start3A_62 = tpu.memref_slice %arg9[%dma_start3A_61] : memref<10000xf32, #tpu.memory_space<vmem_shared>> -> memref<10000xf32, #tpu.memory_space<vmem_shared>>
      tpu.enqueue_indirect_dma source(%arg7 : memref<80xf32, #tpu.memory_space<vmem>>) target(%dma_start3A_62 : memref<10000xf32, #tpu.memory_space<vmem_shared>>) offsets(%dma_start3A_60 : memref<80xi32, #tpu.memory_space<vmem>>) semaphore(%arg8 : memref<!tpu.dma_semaphore, #tpu.memory_space<semaphore_mem>>) {add = true}
      %ge3A = arith.constant 7 : i32
      %ge3A_63 = arith.cmpi sge, %scan3A_58, %ge3A : i32
      %convert_element_type3A_64 = arith.extui %ge3A_63 : i1 to i32
      %cond3A_65 = arith.constant 0 : i32
      %cond3A_66 = arith.cmpi ne, %convert_element_type3A_64, %cond3A_65 : i32
      scf.if %cond3A_66 {
        %dma_wait3A = arith.constant 0 : i32
        %dma_wait3A_67 = arith.constant 0 : i32
        %dma_wait3A_68 = tpu.memref_slice %arg6[%dma_wait3A, %dma_wait3A_67] : memref<125x80xi32, #tpu.memory_space<vmem>> -> memref<1x80xi32, #tpu.memory_space<vmem>>
        %dma_wait3A_69 = tpu.memref_squeeze %dma_wait3A_68 : memref<1x80xi32, #tpu.memory_space<vmem>> -> memref<80xi32, #tpu.memory_space<vmem>>
        %dma_wait3A_70 = arith.constant 0 : i32
        %dma_wait3A_71 = tpu.memref_slice %arg9[%dma_wait3A_70] : memref<10000xf32, #tpu.memory_space<vmem_shared>> -> memref<10000xf32, #tpu.memory_space<vmem_shared>>
        tpu.wait_indirect_dma semaphore(%arg8 : memref<!tpu.dma_semaphore, #tpu.memory_space<semaphore_mem>>) src(%arg7 : memref<80xf32, #tpu.memory_space<vmem>>) dst(%dma_wait3A_71 : memref<10000xf32, #tpu.memory_space<vmem_shared>>)
      } else {
      }
    }
    %scan3A_35 = arith.constant 125 : i32
    %scan3A_36 = arith.constant 0 : i32
    %scan3A_37 = arith.constant 0 : i32
    %scan3A_38 = arith.constant 7 : i32
    %scan3A_39 = arith.addi %scan3A_37, %scan3A_38 : i32
    %scan3A_40 = arith.constant 1 : i32
    scf.for %scan3A_58 = %scan3A_37 to %scan3A_39 step %scan3A_40  : i32 {
      %dma_wait3A = arith.constant 0 : i32
      %dma_wait3A_59 = arith.constant 0 : i32
      %dma_wait3A_60 = tpu.memref_slice %arg6[%dma_wait3A, %dma_wait3A_59] : memref<125x80xi32, #tpu.memory_space<vmem>> -> memref<1x80xi32, #tpu.memory_space<vmem>>
      %dma_wait3A_61 = tpu.memref_squeeze %dma_wait3A_60 : memref<1x80xi32, #tpu.memory_space<vmem>> -> memref<80xi32, #tpu.memory_space<vmem>>
      %dma_wait3A_62 = arith.constant 0 : i32
      %dma_wait3A_63 = tpu.memref_slice %arg9[%dma_wait3A_62] : memref<10000xf32, #tpu.memory_space<vmem_shared>> -> memref<10000xf32, #tpu.memory_space<vmem_shared>>
      tpu.wait_indirect_dma semaphore(%arg8 : memref<!tpu.dma_semaphore, #tpu.memory_space<semaphore_mem>>) src(%arg7 : memref<80xf32, #tpu.memory_space<vmem>>) dst(%dma_wait3A_63 : memref<10000xf32, #tpu.memory_space<vmem_shared>>)
    }
    %scan3A_41 = arith.constant 7 : i32
    %barrier3A_42 = arith.constant 0 : index
    tpu.barrier barrier_id(%barrier3A_42)
    %eq3A_43 = arith.constant 0 : i32
    %eq3A_44 = arith.cmpi eq, %arg1, %eq3A_43 : i32
    %eq3A_45 = arith.constant 0 : i32
    %eq3A_46 = arith.cmpi eq, %arg0, %eq3A_45 : i32
    %and3A = arith.andi %eq3A_44, %eq3A_46 : i1
    %convert_element_type3A_47 = arith.extui %and3A : i1 to i32
    %cond3A_48 = arith.constant 0 : i32
    %cond3A_49 = arith.cmpi ne, %convert_element_type3A_47, %cond3A_48 : i32
    scf.if %cond3A_49 {
      "tpu.region"() ({
        %run_scoped3A = tpu.sem_alloc : memref<!tpu.dma_semaphore, #tpu.memory_space<semaphore_mem>>
        tpu.enqueue_dma source(%arg9 : memref<10000xf32, #tpu.memory_space<vmem_shared>>) target(%arg4 : memref<10000xf32, #tpu.memory_space<hbm>>) target_semaphore(%run_scoped3A : memref<!tpu.dma_semaphore, #tpu.memory_space<semaphore_mem>>)
        tpu.wait_dma2 semaphore(%run_scoped3A : memref<!tpu.dma_semaphore, #tpu.memory_space<semaphore_mem>>) src(%arg9 : memref<10000xf32, #tpu.memory_space<vmem_shared>>) dst(%arg4 : memref<10000xf32, #tpu.memory_space<hbm>>)
        tpu.yield
      }) : () -> ()
    } else {
    }
    %eq3A_50 = arith.constant 0 : i32
    %eq3A_51 = arith.cmpi eq, %arg1, %eq3A_50 : i32
    %eq3A_52 = arith.constant 1 : i32
    %eq3A_53 = arith.cmpi eq, %arg0, %eq3A_52 : i32
    %and3A_54 = arith.andi %eq3A_51, %eq3A_53 : i1
    %convert_element_type3A_55 = arith.extui %and3A_54 : i1 to i32
    %cond3A_56 = arith.constant 0 : i32
    %cond3A_57 = arith.cmpi ne, %convert_element_type3A_55, %cond3A_56 : i32
    scf.if %cond3A_57 {
      "tpu.region"() ({
        %run_scoped3A = tpu.sem_alloc : memref<!tpu.dma_semaphore, #tpu.memory_space<semaphore_mem>>
        tpu.enqueue_dma source(%arg9 : memref<10000xf32, #tpu.memory_space<vmem_shared>>) target(%arg5 : memref<10000xf32, #tpu.memory_space<hbm>>) target_semaphore(%run_scoped3A : memref<!tpu.dma_semaphore, #tpu.memory_space<semaphore_mem>>)
        tpu.wait_dma2 semaphore(%run_scoped3A : memref<!tpu.dma_semaphore, #tpu.memory_space<semaphore_mem>>) src(%arg9 : memref<10000xf32, #tpu.memory_space<vmem_shared>>) dst(%arg5 : memref<10000xf32, #tpu.memory_space<hbm>>)
        tpu.yield
      }) : () -> ()
    } else {
    }
    return
  }
}

module attributes {stable_mosaic.version = 14 : i64} {
  func.func @_enc1_body(%arg0: memref<10000x2xf32, #tpu.memory_space<vmem>>, %arg1: memref<10000x128xf32, #tpu.memory_space<vmem>>, %arg2: memref<128x128xf32, #tpu.memory_space<vmem>>, %arg3: memref<10000x128xf32, #tpu.memory_space<vmem>>, %arg4: memref<10000x1xf32, #tpu.memory_space<vmem>>) attributes {dimension_semantics = [], scalar_prefetch = 0 : i64, scratch_operands = 0 : i64, tpu.core_type = #tpu.core_type<tc>} {
    %get3A = arith.constant 0 : index
    %get3A_0 = arith.constant 0 : index
    %get3A_1 = vector.load %arg0[%get3A, %get3A_0] : memref<10000x2xf32, #tpu.memory_space<vmem>>, vector<10000x1xf32>
    %get3A_2 = arith.constant 0 : index
    %get3A_3 = arith.constant 1 : index
    %get3A_4 = vector.load %arg0[%get3A_2, %get3A_3] : memref<10000x2xf32, #tpu.memory_space<vmem>>, vector<10000x1xf32>
    %add3A = arith.addf %get3A_1, %get3A_4 : vector<10000x1xf32>
    %add3A_5 = arith.constant 1.000000e+00 : f32
    %add3A_6 = vector.broadcast %add3A_5 : f32 to vector<10000x1xf32>
    %add3A_7 = arith.addf %add3A, %add3A_6 : vector<10000x1xf32>
    %rsqrt3A = math.rsqrt %add3A_7 : vector<10000x1xf32>
    %get3A_8 = arith.constant 0 : index
    %get3A_9 = arith.constant 0 : index
    %get3A_10 = vector.load %arg1[%get3A_8, %get3A_9] : memref<10000x128xf32, #tpu.memory_space<vmem>>, vector<10000x128xf32>
    %get3A_11 = arith.constant 0 : index
    %get3A_12 = arith.constant 0 : index
    %get3A_13 = vector.load %arg2[%get3A_11, %get3A_12] : memref<128x128xf32, #tpu.memory_space<vmem>>, vector<128x128xf32>
    %dot_general3A = arith.constant dense<0.000000e+00> : vector<10000x128xf32>
    %dot_general3A_14 = tpu.matmul %get3A_10, %get3A_13, %dot_general3A {dimension_numbers = #tpu.dot_dimension_numbers<[1], [0], [0], [1], [0, 0, 1, 1], [], []>, transpose_lhs_hint = false} : vector<10000x128xf32>, vector<128x128xf32>, vector<10000x128xf32> -> vector<10000x128xf32>
    %mul3A = vector.broadcast %rsqrt3A : vector<10000x1xf32> to vector<10000x128xf32>
    %mul3A_15 = arith.mulf %mul3A, %dot_general3A_14 : vector<10000x128xf32>
    %swap3A = arith.constant 0 : index
    %swap3A_16 = arith.constant 0 : index
    %swap3A_17 = vector.load %arg3[%swap3A, %swap3A_16] : memref<10000x128xf32, #tpu.memory_space<vmem>>, vector<10000x128xf32>
    tpu.vector_store %arg3[%swap3A, %swap3A_16], %mul3A_15 {strides = array<i32>} : memref<10000x128xf32, #tpu.memory_space<vmem>>, vector<10000x128xf32>,
    %swap3A_18 = arith.constant 0 : index
    %swap3A_19 = arith.constant 0 : index
    %swap3A_20 = vector.load %arg4[%swap3A_18, %swap3A_19] : memref<10000x1xf32, #tpu.memory_space<vmem>>, vector<10000x1xf32>
    tpu.vector_store %arg4[%swap3A_18, %swap3A_19], %rsqrt3A {strides = array<i32>} : memref<10000x1xf32, #tpu.memory_space<vmem>>, vector<10000x1xf32>,
    return
  }
}

module attributes {stable_mosaic.version = 14 : i64} {
  func.func @_mid_body(%arg0: memref<10000x128xf32, #tpu.memory_space<vmem>>, %arg1: memref<10000x128xf32, #tpu.memory_space<vmem>>, %arg2: memref<10000x128xf32, #tpu.memory_space<vmem>>, %arg3: memref<10000x1xf32, #tpu.memory_space<vmem>>, %arg4: memref<1x128xf32, #tpu.memory_space<vmem>>, %arg5: memref<128x128xf32, #tpu.memory_space<vmem>>, %arg6: memref<10000x128xf32, #tpu.memory_space<vmem>>) attributes {dimension_semantics = [], scalar_prefetch = 0 : i64, scratch_operands = 0 : i64, tpu.core_type = #tpu.core_type<tc>} {
    %get3A = arith.constant 0 : index
    %get3A_0 = arith.constant 0 : index
    %get3A_1 = vector.load %arg3[%get3A, %get3A_0] : memref<10000x1xf32, #tpu.memory_space<vmem>>, vector<10000x1xf32>
    %get3A_2 = arith.constant 0 : index
    %get3A_3 = arith.constant 0 : index
    %get3A_4 = vector.load %arg0[%get3A_2, %get3A_3] : memref<10000x128xf32, #tpu.memory_space<vmem>>, vector<10000x128xf32>
    %get3A_5 = arith.constant 0 : index
    %get3A_6 = arith.constant 0 : index
    %get3A_7 = vector.load %arg1[%get3A_5, %get3A_6] : memref<10000x128xf32, #tpu.memory_space<vmem>>, vector<10000x128xf32>
    %add3A = arith.addf %get3A_4, %get3A_7 : vector<10000x128xf32>
    %get3A_8 = arith.constant 0 : index
    %get3A_9 = arith.constant 0 : index
    %get3A_10 = vector.load %arg2[%get3A_8, %get3A_9] : memref<10000x128xf32, #tpu.memory_space<vmem>>, vector<10000x128xf32>
    %add3A_11 = arith.addf %add3A, %get3A_10 : vector<10000x128xf32>
    %mul3A = vector.broadcast %get3A_1 : vector<10000x1xf32> to vector<10000x128xf32>
    %mul3A_12 = arith.mulf %mul3A, %add3A_11 : vector<10000x128xf32>
    %get3A_13 = arith.constant 0 : index
    %get3A_14 = arith.constant 0 : index
    %get3A_15 = vector.load %arg4[%get3A_13, %get3A_14] : memref<1x128xf32, #tpu.memory_space<vmem>>, vector<1x128xf32>
    %add3A_16 = vector.broadcast %get3A_15 : vector<1x128xf32> to vector<10000x128xf32>
    %add3A_17 = arith.addf %mul3A_12, %add3A_16 : vector<10000x128xf32>
    %max3A = arith.constant 0.000000e+00 : f32
    %max3A_18 = vector.broadcast %max3A : f32 to vector<10000x128xf32>
    %max3A_19 = arith.maximumf %add3A_17, %max3A_18 : vector<10000x128xf32>
    %get3A_20 = arith.constant 0 : index
    %get3A_21 = arith.constant 0 : index
    %get3A_22 = vector.load %arg5[%get3A_20, %get3A_21] : memref<128x128xf32, #tpu.memory_space<vmem>>, vector<128x128xf32>
    %dot_general3A = arith.constant dense<0.000000e+00> : vector<10000x128xf32>
    %dot_general3A_23 = tpu.matmul %max3A_19, %get3A_22, %dot_general3A {dimension_numbers = #tpu.dot_dimension_numbers<[1], [0], [0], [1], [0, 0, 1, 1], [], []>, transpose_lhs_hint = false} : vector<10000x128xf32>, vector<128x128xf32>, vector<10000x128xf32> -> vector<10000x128xf32>
    %mul3A_24 = vector.broadcast %get3A_1 : vector<10000x1xf32> to vector<10000x128xf32>
    %mul3A_25 = arith.mulf %mul3A_24, %dot_general3A_23 : vector<10000x128xf32>
    %swap3A = arith.constant 0 : index
    %swap3A_26 = arith.constant 0 : index
    %swap3A_27 = vector.load %arg6[%swap3A, %swap3A_26] : memref<10000x128xf32, #tpu.memory_space<vmem>>, vector<10000x128xf32>
    tpu.vector_store %arg6[%swap3A, %swap3A_26], %mul3A_25 {strides = array<i32>} : memref<10000x128xf32, #tpu.memory_space<vmem>>, vector<10000x128xf32>,
    return
  }
}

module attributes {stable_mosaic.version = 14 : i64} {
  func.func @_dec_body(%arg0: memref<10000x128xf32, #tpu.memory_space<vmem>>, %arg1: memref<10000x128xf32, #tpu.memory_space<vmem>>, %arg2: memref<10000x128xf32, #tpu.memory_space<vmem>>, %arg3: memref<10000x1xf32, #tpu.memory_space<vmem>>, %arg4: memref<1x128xf32, #tpu.memory_space<vmem>>, %arg5: memref<128x64xf32, #tpu.memory_space<vmem>>, %arg6: memref<1x64xf32, #tpu.memory_space<vmem>>, %arg7: memref<128x64xf32, #tpu.memory_space<vmem>>, %arg8: memref<1x64xf32, #tpu.memory_space<vmem>>, %arg9: memref<1x64xf32, #tpu.memory_space<vmem>>, %arg10: memref<64x128xf32, #tpu.memory_space<vmem>>, %arg11: memref<1x128xf32, #tpu.memory_space<vmem>>, %arg12: memref<128x10000xf32, #tpu.memory_space<vmem>>, %arg13: memref<1x10000xf32, #tpu.memory_space<vmem>>, %arg14: memref<1x10000xf32, #tpu.memory_space<vmem>>) attributes {dimension_semantics = [], scalar_prefetch = 0 : i64, scratch_operands = 0 : i64, tpu.core_type = #tpu.core_type<tc>} {
    %get3A = arith.constant 0 : index
    %get3A_0 = arith.constant 0 : index
    %get3A_1 = vector.load %arg3[%get3A, %get3A_0] : memref<10000x1xf32, #tpu.memory_space<vmem>>, vector<10000x1xf32>
    %get3A_2 = arith.constant 0 : index
    %get3A_3 = arith.constant 0 : index
    %get3A_4 = vector.load %arg0[%get3A_2, %get3A_3] : memref<10000x128xf32, #tpu.memory_space<vmem>>, vector<10000x128xf32>
    %get3A_5 = arith.constant 0 : index
    %get3A_6 = arith.constant 0 : index
    %get3A_7 = vector.load %arg1[%get3A_5, %get3A_6] : memref<10000x128xf32, #tpu.memory_space<vmem>>, vector<10000x128xf32>
    %add3A = arith.addf %get3A_4, %get3A_7 : vector<10000x128xf32>
    %get3A_8 = arith.constant 0 : index
    %get3A_9 = arith.constant 0 : index
    %get3A_10 = vector.load %arg2[%get3A_8, %get3A_9] : memref<10000x128xf32, #tpu.memory_space<vmem>>, vector<10000x128xf32>
    %add3A_11 = arith.addf %add3A, %get3A_10 : vector<10000x128xf32>
    %mul3A = vector.broadcast %get3A_1 : vector<10000x1xf32> to vector<10000x128xf32>
    %mul3A_12 = arith.mulf %mul3A, %add3A_11 : vector<10000x128xf32>
    %get3A_13 = arith.constant 0 : index
    %get3A_14 = arith.constant 0 : index
    %get3A_15 = vector.load %arg4[%get3A_13, %get3A_14] : memref<1x128xf32, #tpu.memory_space<vmem>>, vector<1x128xf32>
    %add3A_16 = vector.broadcast %get3A_15 : vector<1x128xf32> to vector<10000x128xf32>
    %add3A_17 = arith.addf %mul3A_12, %add3A_16 : vector<10000x128xf32>
    %max3A = arith.constant 0.000000e+00 : f32
    %max3A_18 = vector.broadcast %max3A : f32 to vector<10000x128xf32>
    %max3A_19 = arith.maximumf %add3A_17, %max3A_18 : vector<10000x128xf32>
    %reduce_sum3A = arith.constant dense<0.000000e+00> : vector<128xf32>
    %reduce_sum3A_20 = vector.multi_reduction <add>, %max3A_19, %reduce_sum3A [0] : vector<10000x128xf32> to vector<128xf32>
    %broadcast_in_dim3A = vector.shape_cast %reduce_sum3A_20 : vector<128xf32> to vector<1x128xf32>
    %mul3A_21 = arith.constant 9.99999974E-5 : f32
    %mul3A_22 = vector.broadcast %mul3A_21 : f32 to vector<1x128xf32>
    %mul3A_23 = arith.mulf %broadcast_in_dim3A, %mul3A_22 : vector<1x128xf32>
    %get3A_24 = arith.constant 0 : index
    %get3A_25 = arith.constant 0 : index
    %get3A_26 = vector.load %arg5[%get3A_24, %get3A_25] : memref<128x64xf32, #tpu.memory_space<vmem>>, vector<128x64xf32>
    %dot_general3A = arith.constant dense<0.000000e+00> : vector<1x64xf32>
    %dot_general3A_27 = tpu.matmul %mul3A_23, %get3A_26, %dot_general3A {dimension_numbers = #tpu.dot_dimension_numbers<[1], [0], [0], [1], [0, 0, 1, 1], [], []>, transpose_lhs_hint = false} : vector<1x128xf32>, vector<128x64xf32>, vector<1x64xf32> -> vector<1x64xf32>
    %get3A_28 = arith.constant 0 : index
    %get3A_29 = arith.constant 0 : index
    %get3A_30 = vector.load %arg6[%get3A_28, %get3A_29] : memref<1x64xf32, #tpu.memory_space<vmem>>, vector<1x64xf32>
    %add3A_31 = arith.addf %dot_general3A_27, %get3A_30 : vector<1x64xf32>
    %get3A_32 = arith.constant 0 : index
    %get3A_33 = arith.constant 0 : index
    %get3A_34 = vector.load %arg7[%get3A_32, %get3A_33] : memref<128x64xf32, #tpu.memory_space<vmem>>, vector<128x64xf32>
    %dot_general3A_35 = arith.constant dense<0.000000e+00> : vector<1x64xf32>
    %dot_general3A_36 = tpu.matmul %mul3A_23, %get3A_34, %dot_general3A_35 {dimension_numbers = #tpu.dot_dimension_numbers<[1], [0], [0], [1], [0, 0, 1, 1], [], []>, transpose_lhs_hint = false} : vector<1x128xf32>, vector<128x64xf32>, vector<1x64xf32> -> vector<1x64xf32>
    %get3A_37 = arith.constant 0 : index
    %get3A_38 = arith.constant 0 : index
    %get3A_39 = vector.load %arg8[%get3A_37, %get3A_38] : memref<1x64xf32, #tpu.memory_space<vmem>>, vector<1x64xf32>
    %add3A_40 = arith.addf %dot_general3A_36, %get3A_39 : vector<1x64xf32>
    %mul3A_41 = arith.constant 5.000000e-01 : f32
    %mul3A_42 = vector.broadcast %mul3A_41 : f32 to vector<1x64xf32>
    %mul3A_43 = arith.mulf %mul3A_42, %add3A_40 : vector<1x64xf32>
    %exp3A = math.exp %mul3A_43 : vector<1x64xf32>
    %get3A_44 = arith.constant 0 : index
    %get3A_45 = arith.constant 0 : index
    %get3A_46 = vector.load %arg9[%get3A_44, %get3A_45] : memref<1x64xf32, #tpu.memory_space<vmem>>, vector<1x64xf32>
    %mul3A_47 = arith.mulf %exp3A, %get3A_46 : vector<1x64xf32>
    %add3A_48 = arith.addf %add3A_31, %mul3A_47 : vector<1x64xf32>
    %get3A_49 = arith.constant 0 : index
    %get3A_50 = arith.constant 0 : index
    %get3A_51 = vector.load %arg10[%get3A_49, %get3A_50] : memref<64x128xf32, #tpu.memory_space<vmem>>, vector<64x128xf32>
    %dot_general3A_52 = arith.constant dense<0.000000e+00> : vector<1x128xf32>
    %dot_general3A_53 = tpu.matmul %add3A_48, %get3A_51, %dot_general3A_52 {dimension_numbers = #tpu.dot_dimension_numbers<[1], [0], [0], [1], [0, 0, 1, 1], [], []>, transpose_lhs_hint = false} : vector<1x64xf32>, vector<64x128xf32>, vector<1x128xf32> -> vector<1x128xf32>
    %get3A_54 = arith.constant 0 : index
    %get3A_55 = arith.constant 0 : index
    %get3A_56 = vector.load %arg11[%get3A_54, %get3A_55] : memref<1x128xf32, #tpu.memory_space<vmem>>, vector<1x128xf32>
    %add3A_57 = arith.addf %dot_general3A_53, %get3A_56 : vector<1x128xf32>
    %max3A_58 = arith.constant 0.000000e+00 : f32
    %max3A_59 = vector.broadcast %max3A_58 : f32 to vector<1x128xf32>
    %max3A_60 = arith.maximumf %add3A_57, %max3A_59 : vector<1x128xf32>
    %get3A_61 = arith.constant 0 : index
    %get3A_62 = arith.constant 0 : index
    %get3A_63 = vector.load %arg12[%get3A_61, %get3A_62] : memref<128x10000xf32, #tpu.memory_space<vmem>>, vector<128x10000xf32>
    %dot_general3A_64 = arith.constant dense<0.000000e+00> : vector<1x10000xf32>
    %dot_general3A_65 = tpu.matmul %max3A_60, %get3A_63, %dot_general3A_64 {dimension_numbers = #tpu.dot_dimension_numbers<[1], [0], [0], [1], [0, 0, 1, 1], [], []>, transpose_lhs_hint = false} : vector<1x128xf32>, vector<128x10000xf32>, vector<1x10000xf32> -> vector<1x10000xf32>
    %get3A_66 = arith.constant 0 : index
    %get3A_67 = arith.constant 0 : index
    %get3A_68 = vector.load %arg13[%get3A_66, %get3A_67] : memref<1x10000xf32, #tpu.memory_space<vmem>>, vector<1x10000xf32>
    %add3A_69 = arith.addf %dot_general3A_65, %get3A_68 : vector<1x10000xf32>
    %tanh3A = math.tanh %add3A_69 : vector<1x10000xf32>
    %swap3A = arith.constant 0 : index
    %swap3A_70 = arith.constant 0 : index
    %swap3A_71 = vector.load %arg14[%swap3A, %swap3A_70] : memref<1x10000xf32, #tpu.memory_space<vmem>>, vector<1x10000xf32>
    tpu.vector_store %arg14[%swap3A, %swap3A_70], %tanh3A {strides = array<i32>} : memref<1x10000xf32, #tpu.memory_space<vmem>>, vector<1x10000xf32>,
    return
  }
}

</mosaic_0001>

<sc_bundles>
// kernel: kernel.11.cloned.1.call-start
scs
__scs_entry_jumppad:
0x0: {  	(pc) =	sbr.rel $0x88, $3  }
0x1: {  	(tag) =	ssettag $0x0;
	lr =	simm.s32 $0x1  }
0x2: {  	[smem:$0x3F92] =	sst lr;
	_ =	strace $0xD0000000  }
0x3: {  	_ = 	snop  }
0x4: {  	_ = 	snop  }
0x5: {  	_ = 	snop  }
0x6: {  	_ = 	snop  }
0x7: {  	_ = 	snop  }
__scs_overlays_trampoline_lowered:
0x8: {  	[smem:$0x3FA1] =	sst s0  }
0x9: {  	[smem:$0x3FA2] =	sst s1  }
0xa: {  	[smem:$0x3FA3] =	sst s2  }
0xb: {  	[smem:$0x3FA4] =	sst s3  }
0xc: {  	[smem:$0x3FA5] =	sst s4  }
0xd: {  	[smem:$0x3FA6] =	sst s5  }
0xe: {  	[smem:$0x3FA7] =	sst s6  }
0xf: {  	[smem:$0x3FA8] =	sst s7  }
0x10: {  	[smem:$0x3FA9] =	sst s8  }
0x11: {  	[smem:$0x3FAA] =	sst s9;
	s0 =	simm.s32 @!p0 $0x0  }
0x12: {  	s1 =	sld [smem:$0x3F90];
	s0 =	simm.s32 @p0 $0x1  }
0x13: {  	[smem:$0x3FAB] =	sst s0;
	s0 =	simm.s32 @!p1 $0x0  }
0x14: {  	s2 =	sld [smem:$0x3F8F];
	s0 =	simm.s32 @p1 $0x1  }
0x15: {  	[smem:$0x3FAC] =	sst s0;
	s0 =	simm.s32 @!p2 $0x0  }
0x16: {  	s3 =	sld [smem:$0x3FDB];
	s0 =	simm.s32 @p2 $0x1  }
0x17: {  	s4 =	simm.s32 $0x1BF5;
	[smem:$0x3FAE] =	sst s0  }
0x18: {  	s0 =	sld [smem:$0x3F91];
	_ =	swait.ge [sflag:s4], $0x0  }
0x19: {  	s7 =	sld [smem:$0x3F92]  }
0x1a: {  	s8 =	sadd.s32 $0xFFFFE003, lr  }
0x1b: {  	s9 =	sadd.s32 $0xFFFFFEF7, lr;
	s5 =	simm.s32 $0xFFFFFFFF;
	p2 =	slt.u32 s8, $0xFFFFF086  }
0x1c: {  	p1 =	slt.u32 s9, $0xF7A;
	s5 =	simm.s32 @!p2 $0x0  }
0x1d: {  	s5 =	simm.s32 @p1 $0x1;
	p0 =	seq.s32 s7, s2  }
0x1e: {  	s7 =	smul.u32 @!p0 $0xF7A, s2;
	p2 =	seq.s32 @!p0 s5, $0x0  }
0x1f: {  	s9 =	smul.u32 $0xF7A, s1;
	s8 =	simm.s32 @!p0 $0x1BF5;
	p2 =	por !p2, p0  }
0x20: {  	[sflag:s8] =	ssyncset.s32 @!p0 $0xFFFFF086;
	s6 =	sadd.s32 @!p0 s3, s7;
	s7 =	simm.s32 @!p0 $0x108  }
0x21: {  	s3 =	sadd.s32 s3, s9;
	s6 =	sadd.s32 @!p0 $0x88, s6;
	s7 =	simm.s32 @p2 $0x1082  }
0x22: {  	[simem:s7], [sflag:s8] =	dma.local @!p0 [hbm:s6], $0xF7A  }
0x23: {  	s9 =	sor.u32 $0xD0000000, s2;
	s6 =	simm.s32 $0x108;
	_ =	swait.ge @!p0 [sflag:s8], $0x0  }
0x24: {  	s3 =	sadd.s32 $0x88, s3;
	s6 =	simm.s32 @!p1 $0x1082;
	[sflag:s4] =	ssyncset.s32 $0xFFFFF086  }
0x25: {  	[simem:s6], [sflag:s4] =	dma.local [hbm:s3], $0xF7A  }
0x26: {  	[smem:$0x3F92] =	sst s1;
	(tag) =	ssettag s2;
	_ =	strace s9  }
0x27: {  	s1 =	sld [smem:$0x3FA2]  }
0x28: {  	s2 =	sld [smem:$0x3FA3]  }
0x29: {  	s4 =	sld [smem:$0x3FA5]  }
0x2a: {  	p0 =	seq.s32 s5, $0x0;
	s5 =	sld [smem:$0x3FA6]  }
0x2b: {  	s6 =	sld [smem:$0x3FA7]  }
0x2c: {  	s7 =	sld [smem:$0x3FA8]  }
0x2d: {  	s3 =	simm.s32 $0x108;
	s8 =	sld [smem:$0x3FA9]  }
0x2e: {  	s3 =	simm.s32 @!p0 $0x1082;
	s9 =	sld [smem:$0x3FAA]  }
0x2f: {  	lr =	sadd.s32 s0, s3;
	s0 =	sld [smem:$0x3FA1]  }
0x30: {  	s3 =	sld [smem:$0x3FA4]  }
0x31: {  	[smem:$0x3FAD] =	sst s10  }
0x32: {  	s10 =	sld [smem:$0x3FAB];
	_ =	sdelay $0x3  }
0x33: {  	p0 =	seq.s32 s10, $0x1;
	s10 =	sld [smem:$0x3FAD];
	_ =	sdelay $0x3  }
0x34: {  	[smem:$0x3FAD] =	sst s10  }
0x35: {  	s10 =	sld [smem:$0x3FAC];
	_ =	sdelay $0x3  }
0x36: {  	p1 =	seq.s32 s10, $0x1;
	s10 =	sld [smem:$0x3FAD];
	_ =	sdelay $0x3  }
0x37: {  	[smem:$0x3FAD] =	sst s10  }
0x38: {  	s10 =	sld [smem:$0x3FAE]  }
0x39: {  	_ = 	snop;
	(pc) =	sbr.ind lr, $3  }
0x3a: {  	_ = 	snop  }
0x3b: {  	_ = 	snop  }
0x3c: {  	p2 =	seq.s32 s10, $0x1;
	s10 =	sld [smem:$0x3FAD]  }
0x3d: {  	_ =	shalt  }
0x3e: {  	_ =	shalt  }
0x3f: {  	_ =	shalt  }
0x40: {  	_ =	shalt  }
0x41: {  	_ =	shalt  }
0x42: {  	_ =	shalt  }
0x43: {  	_ =	shalt  }
0x44: {  	_ =	shalt  }
0x45: {  	_ =	shalt  }
0x46: {  	_ =	shalt  }
0x47: {  	_ =	shalt  }
0x48: {  	_ =	shalt  }
0x49: {  	_ =	shalt  }
0x4a: {  	_ =	shalt  }
0x4b: {  	_ =	shalt  }
0x4c: {  	_ =	shalt  }
0x4d: {  	_ =	shalt  }
0x4e: {  	_ =	shalt  }
0x4f: {  	_ =	shalt  }
0x50: {  	_ =	shalt  }
0x51: {  	_ =	shalt  }
0x52: {  	_ =	shalt  }
0x53: {  	_ =	shalt  }
0x54: {  	_ =	shalt  }
0x55: {  	_ =	shalt  }
0x56: {  	_ =	shalt  }
0x57: {  	_ =	shalt  }
0x58: {  	_ =	shalt  }
0x59: {  	_ =	shalt  }
0x5a: {  	_ =	shalt  }
0x5b: {  	_ =	shalt  }
0x5c: {  	_ =	shalt  }
0x5d: {  	_ =	shalt  }
0x5e: {  	_ =	shalt  }
0x5f: {  	_ =	shalt  }
0x60: {  	_ =	shalt  }
0x61: {  	_ =	shalt  }
0x62: {  	_ =	shalt  }
0x63: {  	_ =	shalt  }
0x64: {  	_ =	shalt  }
0x65: {  	_ =	shalt  }
0x66: {  	_ =	shalt  }
0x67: {  	_ =	shalt  }
0x68: {  	_ =	shalt  }
0x69: {  	_ =	shalt  }
0x6a: {  	_ =	shalt  }
0x6b: {  	_ =	shalt  }
0x6c: {  	_ =	shalt  }
0x6d: {  	_ =	shalt  }
0x6e: {  	_ =	shalt  }
0x6f: {  	_ =	shalt  }
0x70: {  	_ =	shalt  }
0x71: {  	_ =	shalt  }
0x72: {  	_ =	shalt  }
0x73: {  	_ =	shalt  }
0x74: {  	_ =	shalt  }
0x75: {  	_ =	shalt  }
0x76: {  	_ =	shalt  }
0x77: {  	_ =	shalt  }
0x78: {  	_ =	shalt  }
0x79: {  	_ =	shalt  }
0x7a: {  	_ =	shalt  }
0x7b: {  	_ =	shalt  }
0x7c: {  	_ =	shalt  }
0x7d: {  	_ =	shalt  }
0x7e: {  	_ =	shalt  }
0x7f: {  	_ =	shalt  }
0x80: {  	_ =	shalt  }
0x81: {  	_ =	shalt  }
0x82: {  	_ =	shalt  }
0x83: {  	_ =	shalt  }
0x84: {  	_ =	shalt  }
0x85: {  	_ =	shalt  }
0x86: {  	_ =	shalt  }
0x87: {  	_ =	shalt  }
.Lfunc_end0:
.L_simem_size_0:
called_computation.1_lowered:
.L_overlay_start_0:
0x88: {  	s2 =	sld [smem:$0x3FD9]  }
0x89: {  	s3 =	sld [smem:$0x3FFE];
	_ =	sdelay $0x1  }
0x8a: {  	s1 =	srdreg.scid  }
0x8b: {  	s0 =	sand.u32 $0x1, s1  }
0x8c: {  	s16 =	sshll.u32 s0, $0xA;
	s2 =	sadd.s32 s3, s2  }
0x8d: {  	s2 =	sadd.s32 s2, s16  }
0x8e: {  	[smem:$0x3FB9] =	sst s2  }
0x8f: {  	_ = 	snop  }
0x90: {  	(tm) =	ssettm $0x1  }
0x91: {  	s17 =	sld [smem:$0x3FFB];
	_ =	sdelay $0x3  }
0x92: {  	_ =	strace s17  }
0x93: {  	s2 =	sld [smem:$0x3FFC];
	_ =	sdelay $0x3  }
0x94: {  	_ =	strace s2  }
0x95: {  	s2 =	sld [smem:$0x3FFD];
	_ =	sdelay $0x3  }
0x96: {  	_ =	strace s2  }
0x97: {  	_ =	strace $0x8FFFFFFF  }
0x98: {  	s18 =	sld [smem:$0x3FDB];
	_ =	sdelay $0x1  }
0x99: {  	s19 =	simm.s32 $_scs_section_size  }
0x9a: {  	s4 =	simm.s32 $_size__tile_overlayer_lowered;
	s5 =	simm.s32 $_tile_overlayer_lowered  }
0x9b: {  	s22 =	simm.s32 $0x1BFF;
	s21 =	sshll.u32 s5, $0x1;
	s2 =	sadd.s32 s19, s18  }
0x9c: {  	s6 =	simm.s32 $0x0;
	s20 =	sshll.u32 s4, $0x1;
	s4 =	sadd.s32 s21, s2  }
0x9d: {  	[timem:s6], [sflag:s22] =	dma.local [hbm:s4], s20  }
0x9e: {  	_ =	swait.ge [sflag:s22], s20  }
0x9f: {  	s3 =	ssub.s32 $0x0, s20;
	[sflag:s22] =	ssyncset.done $0x0  }
0xa0: {  	[sflag:s22] =	ssyncadd.s32 s3;
	_ =	sdelay $0x1  }
0xa1: {  	s23 =	simm.s32 $0x1B8B  }
0xa2: {  	_ =	swait.ge [sflag:s23], $0x1  }
0xa3: {  	[sflag:s23] =	ssyncset.done $0x0  }
0xa4: {  	s25 =	simm.s32 $0x1B8E;
	s24 =	sld [smem:$0x3FFE];
	[sflag:s23] =	ssyncadd.s32 $0xFFFFFFFF  }
0xa5: {  	s26 =	simm.s32 $execute0_lowered;
	[smem:$0x3FD2] =	sst s25  }
0xa6: {  	s4 =	sshll.u32 s26, $0x1;
	_ =	strace $0x80000049;
	[dreg:$0x1] =	wrdreg $0xFFFFFFFF  }
0xa7: {  	s28 =	simm.s32 $_size_execute0_lowered;
	s2 =	sadd.s32 s2, s4;
	[dreg:$0x0] =	wrdreg $0x0  }
0xa8: {  	s4 =	sshll.u32 s28, $0x1;
	[dreg:$0x2] =	wrdreg s2  }
0xa9: {  	[dreg:$0x3] =	wrdreg s4  }
0xaa: {  	[dreg:$0x4] =	wrdreg $0xC0  }
0xab: {  	_ =	task [dreg:s6], $0x5FFFF  }
0xac: {  	[dreg:$0x1] =	wrdreg $0xFFFFFFFF  }
0xad: {  	[dreg:$0x0] =	wrdreg $0x60  }
0xae: {  	[dreg:$0x2] =	wrdreg s24  }
0xaf: {  	[dreg:$0x3] =	wrdreg $0xA1000  }
0xb0: {  	[dreg:$0x4] =	wrdreg $0x9  }
0xb1: {  	_ =	task.clear_ibuf [dreg:s6], $0x5FFFF;
	_ =	strace $0x90000049  }
0xb2: {  	s29 =	simm.s32 $0x9;
	_ =	strace $0x8000004B  }
0xb3: {  	_ =	swait.ge [sflag:s29], $0x1  }
0xb4: {  	[sflag:s29] =	ssyncadd.s32 $0xFFFFFFFF  }
0xb5: {  	_ =	strace $0x9000004B  }
0xb6: {  	_ =	sfence  }
0xb7: {  	s30 =	sld [smem:$0x0];
	_ =	sdelay $0x2  }
0xb8: {  	s31 =	sshll.u32 s1, $0xD;
	s1 =	sshrl.u32 s1, $0x2  }
0xb9: {  	s3 =	sand.u32 $0x4000, s31;
	s1 =	sadd.s32 s1, s30  }
0xba: {  	s0 =	sor.u32 s3, s0;
	s1 =	sshll.u32 s1, $0x11  }
0xbb: {  	s0 =	sor.u32 s1, s0  }
0xbc: {  	s0 =	sadd.s32 $0x8F2B, s0  }
0xbd: {  	[sflag:s0] =	ssyncadd.remote.s32 $0x1  }
0xbe: {  	_ =	sfence.sel $0xFFFF  }
0xbf: {  	[dreg:$0x0] =	wrdreg $0xFFFFFFFF;
	(pc) =	sbr.abs _section_cstart, $3  }
0xc0: {  	[dreg:$0x1] =	wrdreg $0xFFFFFFFF  }
0xc1: {  	_ =	task.clear_ibuf [dreg:s6], $0x2FFFF;
	_ =	strace $0x9FFFFFFF  }
0xc2: {  	(tm) =	ssettm $0x7FFFFFFF  }
0xc3: {  	_ =	shalt  }
tec
execute0_lowered:
.L_overlay_start_1:
0x0: {  	(tag) =	ssettag $0x1  }
0x1: {  	s0 =	srdreg.scid  }
0x2: {  	s1 =	sand.u32 $0x1, s0;
	s0 =	stileid.u32  }
0x3: {  	s8 =	rddreg [dreg:$0x0];
	s30 =	simm.s32 $0x2900;
	s6 =	smul.u32 $0x4E000, s0  }
0x4: {  	s31 =	simm.s32 $0x7;
	s22 =	sadd.s32 $0xA5200, s8;
	s10 =	smul.u32 $0x2700, s0  }
0x5: {  	s2 =	sshll.u32 s1, $0x4;
	s5 =	sshll.u32 s0, $0x7;
	s17 =	smul.u32 $0x3E800, s1  }
0x6: {  	s11 =	ssub.s32 $0x2, s1;
	p1 =	seq.s32 s0, $0x0;
	s20 =	smul.u32 $0x3E80, s0  }
0x7: {  	p0 =	seq.s32 s1, $0x1;
	s21 =	sor.u32 s1, s0;
	p2 =	sne.s32 s1, $0x0  }
0x8: {  	p4 =	sne.s32 s0, $0x0;
	s7 =	sor.u32 s0, s2;
	s2 =	rddreg [dreg:$0x1]  }
0x9: {  	s5 =	sand.u32 $0x380, s5;
	s3 =	sshrl.u32 s7, $0x3;
	s6 =	sshrl.u32 s6, $0x2  }
0xa: {  	s4 =	smul.u32 $0x13C00, s3;
	s3 =	simm.s32 $0x0;
	s6 =	sadd.s32 s6, s2  }
0xb: {  	s12 =	sshrl.u32 s11, $0x1;
	[smem:$0x7FF] =	sst s3;
	s25 =	sadd.s32 $0x2800, s6  }
0xc: {  	s26 =	sadd.s32 $0x5000, s6;
	_ =	strace $0x8000004A;
	[dreg:$0x3] =	wrdreg s25  }
0xd: {  	p1 =	por !p1, !p0;
	s28 =	sadd.s32 $0x7800, s6;
	[dreg:$0x4] =	wrdreg s26  }
0xe: {  	p3 =	sne.s32 s21, $0x0;
	s29 =	sadd.s32 $0xA000, s6;
	[dreg:$0x5] =	wrdreg s28  }
0xf: {  	s10 =	sadd.s32 s10, s8;
	s13 =	sadd.s32 $0xC800, s6;
	[dreg:$0x6] =	wrdreg s29  }
0x10: {  	s11 =	ssub.s32 s11, s12;
	s14 =	sadd.s32 $0xF000, s6;
	[dreg:$0x7] =	wrdreg s13  }
0x11: {  	s7 =	smul.u32 $0x3E80, s7;
	s15 =	sadd.s32 $0x11800, s6;
	[dreg:$0x8] =	wrdreg s14  }
0x12: {  	p1 =	por !p1, !p1;
	s19 =	sadd.s32 $0x7E200, s10;
	[dreg:$0x9] =	wrdreg s15  }
0x13: {  	s12 =	simm.s32 $0x1;
	s10 =	sadd.s32 $0xA5400, s10;
	[dreg:$0xd] =	wrdreg s19  }
0x14: {  	s7 =	sshrl.u32 s7, $0x3;
	s4 =	sor.u32 s5, s4;
	[dreg:$0xe] =	wrdreg s10  }
0x15: {  	s14 =	sadd.s32 $0x138000, s2;
	[dreg:$0xf] =	wrdreg s22;
	s25 =	smax.u32 s11, $0x1  }
0x16: {  	s10 =	simm.s32 $0x2880;
	s11 =	simm.s32 $0x7900;
	s13 =	simm.s32 $0x4  }
0x17: {  	s15 =	simm.s32 $0x2;
	s19 =	simm.s32 $0x6;
	s5 =	sshrl.u32 s4, $0x3  }
0x18: {  	s4 =	sadd.s32 $0x2FE00, s8;
	[dreg:$0x11] =	wrdreg s25;
	s9 =	sadd.s32 s5, s8  }
0x19: {  	s5 =	sadd.s32 $0x16600, s8;
	s8 =	sadd.s32 $0xCC400, s8;
	s9 =	sadd.s32 $0x26000, s9  }
0x1a: {  	s16 =	sadd.s32 s5, s7;
	s7 =	sadd.s32 s20, s17;
	[dreg:$0x10] =	wrdreg s8  }
0x1b: {  	s17 =	simm.s32 $0x5;
	s20 =	simm.s32 $0x0;
	[dreg:$0xa] =	wrdreg s9  }
0x1c: {  	s18 =	sadd.s32 $0x10, s16;
	s23 =	sadd.s32 $0x280, s7;
	s24 =	sadd.s32 $0x200, s7  }
0x1d: {  	s25 =	sadd.s32 $0x180, s7;
	s26 =	sadd.s32 $0x20, s16;
	[dreg:$0xb] =	wrdreg s16  }
0x1e: {  	s28 =	sadd.s32 $0x7B0, s16;
	s29 =	sadd.s32 $0x7C0, s16;
	[dreg:$0xc] =	wrdreg s18  }
0x1f: {  	s7 =	simm.s32 $0x50;
	s9 =	simm.s32 $0x5100;
	[dreg:$0x12] =	wrdreg s26  }
0x20: {  	s1 =	sshrl.u32 s23, $0x3;
	s8 =	sshrl.u32 s24, $0x3;
	[dreg:$0x13] =	wrdreg s28  }
0x21: {  	[dreg:$0x14] =	wrdreg s29;
	s18 =	simm.s32 $0x3;
	s23 =	sadd.s32 s1, s5  }
0x22: {  	v0 =	vimm.f32 $0.0e+00;
	s24 =	sadd.s32 s8, s5;
	s1 =	simm.s32 $0x2780;
	s8 =	simm.s32 $0x2800  }
.LBB2_1:
0x23: {  	s21 =	simm.s32 $0x0;
	s22 =	simm.s32 $0x200  }
.LBB2_2:
0x24: {  	p5 =	sne.s32 s22, $0x9E00;
	[tilespmem:s21+$0x2970] =	vst v0  }
0x25: {  	[tilespmem:s21+$0x2900] =	vst v0  }
0x26: {  	[tilespmem:s21+$0x2910] =	vst v0  }
.Ltmp0:
0x27: {  	[tilespmem:s21+$0x2920] =	vst v0;
	(pc) =	sbr.rel @p5 .LBB2_2-.Ltmp0, $4  }
0x28: {  	[tilespmem:s21+$0x2930] =	vst v0  }
0x29: {  	[tilespmem:s21+$0x2940] =	vst v0  }
0x2a: {  	[tilespmem:s21+$0x2950] =	vst v0  }
0x2b: {  	[tilespmem:s21+$0x2960] =	vst v0;
	s21 =	sshra.s32 s22, $0x2;
	s22 =	sadd.s32 $0x200, s22  }
0x2c: {  	[tilespmem:s21+$0x2970] =	vst v0  }
0x2d: {  	[tilespmem:s21+$0x2900] =	vst v0  }
0x2e: {  	[tilespmem:s21+$0x2910] =	vst v0  }
0x2f: {  	[tilespmem:s21+$0x2920] =	vst v0  }
0x30: {  	[tilespmem:s21+$0x2930] =	vst v0  }
0x31: {  	[tilespmem:s21+$0x2940] =	vst v0  }
0x32: {  	[tilespmem:s21+$0x2950] =	vst v0  }
0x33: {  	[tilespmem:s21+$0x2960] =	vst v0  }
0x34: {  	[spmem:s6] =	stream.linear.scatter [tilespmem:s30], [sflag:$0x7], $0x2800, $0x38;
	[tilespmem:$0x1D980] =	vst v63  }
0x35: {  	_ =	swait.ge [sflag:s31], $0x2800  }
0x36: {  	[sflag:s31] =	ssyncset.done $0x0  }
0x37: {  	s16 =	rddreg [dreg:$0x3];
	[sflag:s31] =	ssyncadd.s32 $0xFFFFD800  }
0x38: {  	[spmem:s16] =	stream.linear.scatter [tilespmem:s30], [sflag:$0x7], $0x2800, $0x38;
	[tilespmem:$0x1D980] =	vst v63  }
0x39: {  	_ =	swait.ge [sflag:s31], $0x2800  }
0x3a: {  	[sflag:s31] =	ssyncset.done $0x0  }
0x3b: {  	s22 =	rddreg [dreg:$0x4];
	[sflag:s31] =	ssyncadd.s32 $0xFFFFD800  }
0x3c: {  	[spmem:s22] =	stream.linear.scatter [tilespmem:s30], [sflag:$0x7], $0x2800, $0x38;
	[tilespmem:$0x1D980] =	vst v63  }
0x3d: {  	_ =	swait.ge [sflag:s31], $0x2800  }
0x3e: {  	[sflag:s31] =	ssyncset.done $0x0  }
0x3f: {  	s26 =	rddreg [dreg:$0x5];
	[sflag:s31] =	ssyncadd.s32 $0xFFFFD800  }
0x40: {  	[spmem:s26] =	stream.linear.scatter [tilespmem:s30], [sflag:$0x7], $0x2800, $0x38;
	[tilespmem:$0x1D980] =	vst v63  }
0x41: {  	_ =	swait.ge [sflag:s31], $0x2800  }
0x42: {  	[sflag:s31] =	ssyncset.done $0x0  }
0x43: {  	s21 =	rddreg [dreg:$0x6];
	[sflag:s31] =	ssyncadd.s32 $0xFFFFD800  }
0x44: {  	[spmem:s21] =	stream.linear.scatter [tilespmem:s30], [sflag:$0x7], $0x2800, $0x38;
	[tilespmem:$0x1D980] =	vst v63  }
0x45: {  	_ =	swait.ge [sflag:s31], $0x2800  }
0x46: {  	[sflag:s31] =	ssyncset.done $0x0  }
0x47: {  	s22 =	rddreg [dreg:$0x7];
	[sflag:s31] =	ssyncadd.s32 $0xFFFFD800  }
0x48: {  	[spmem:s22] =	stream.linear.scatter [tilespmem:s30], [sflag:$0x7], $0x2800, $0x38;
	[tilespmem:$0x1D980] =	vst v63  }
0x49: {  	_ =	swait.ge [sflag:s31], $0x2800  }
0x4a: {  	[sflag:s31] =	ssyncset.done $0x0  }
0x4b: {  	s26 =	rddreg [dreg:$0x8];
	[sflag:s31] =	ssyncadd.s32 $0xFFFFD800  }
0x4c: {  	[spmem:s26] =	stream.linear.scatter [tilespmem:s30], [sflag:$0x7], $0x2800, $0x38;
	[tilespmem:$0x1D980] =	vst v63  }
0x4d: {  	_ =	swait.ge [sflag:s31], $0x2800  }
0x4e: {  	[sflag:s31] =	ssyncset.done $0x0  }
0x4f: {  	s21 =	rddreg [dreg:$0x9];
	[sflag:s31] =	ssyncadd.s32 $0xFFFFD800  }
0x50: {  	[spmem:s21] =	stream.linear.scatter [tilespmem:s30], [sflag:$0x7], $0x2000, $0x38;
	[tilespmem:$0x1D980] =	vst v63  }
0x51: {  	_ =	swait.ge [sflag:s31], $0x2000  }
0x52: {  	[sflag:s31] =	ssyncset.done $0x0  }
0x53: {  	s21 =	simm.s32 @!p4 $0x2900;
	[sflag:s31] =	ssyncadd.s32 $0xFFFFE000  }
0x54: {  	[spmem:s14] =	stream.linear.scatter @!p4 [tilespmem:s21], [sflag:$0x7], $0x800, $0x38;
	[tilespmem:$0x1D980] =	vst v63  }
0x55: {  	s21 =	simm.s32 @!p4 $0x7  }
0x56: {  	_ =	swait.ge @!p4 [sflag:s21], $0x800  }
0x57: {  	s22 =	simm.s32 $0x80;
	s26 =	simm.s32 $0x400;
	[sflag:s21] =	ssyncset.done @!p4 $0x0  }
0x58: {  	s16 =	rddreg [dreg:$0xa];
	[sflag:s21] =	ssyncadd.s32 @!p4 $0xFFFFF800;
	s21 =	simm.s32 $0x0  }
0x59: {  	[tilespmem:s21], [sflag:$0x7] =	stream.strided.gather [hbm4b:s16+s22], $0x2780, s26, s22, $0x38;
	[tilespmem:$0x1D980] =	vst v63  }
0x5a: {  	_ =	swait.ge [sflag:s31], $0x2780  }
0x5b: {  	[sflag:s31] =	ssyncset.done $0x0  }
0x5c: {  	[sflag:s31] =	ssyncadd.s32 $0xFFFFD880  }
0x5d: {  	[bflag:$0x0] =	sbarrier.arrive $0xFFFF  }
0x5e: {  	s22 =	rddreg [dreg:$0xb]  }
0x5f: {  	[tilespmem:s1], [sflag:$0x4] =	stream.linear.gather [hbm4b:s22+s21], $0x80, $0x38;
	[tilespmem:$0x1D980] =	vst v63  }
0x60: {  	_ = 	snop  }
0x61: {  	[tilespmem:s30], [sflag:$0x1] =	stream.indirect.gather [hbm4b:s4+s7], $0x80, s21, s7, $0xb8;
	[tilespmem:$0x1D980] =	vst v63  }
0x62: {  	s26 =	rddreg [dreg:$0xc]  }
0x63: {  	[tilespmem:s8], [sflag:$0x5] =	stream.linear.gather [hbm4b:s26+s21], $0x80, $0x38;
	[tilespmem:$0x1D980] =	vst v63  }
0x64: {  	_ = 	snop  }
0x65: {  	[tilespmem:s9], [sflag:$0x2] =	stream.indirect.gather [hbm4b:s4+s7], $0x80, s7, s7, $0xb8;
	[tilespmem:$0x1D980] =	vst v63  }
0x66: {  	s22 =	rddreg [dreg:$0x12]  }
0x67: {  	[tilespmem:s10], [sflag:$0x6] =	stream.linear.gather [hbm4b:s22+s21], $0x80, $0x38;
	[tilespmem:$0x1D980] =	vst v63  }
0x68: {  	s26 =	simm.s32 $0xA0  }
0x69: {  	[tilespmem:s11], [sflag:$0x3] =	stream.indirect.gather [hbm4b:s4+s7], $0x80, s26, s7, $0xb8;
	[tilespmem:$0x1D980] =	vst v63  }
0x6a: {  	_ =	swait.ge [sflag:s12], $0x2800  }
0x6b: {  	[sflag:s12] =	ssyncset.done $0x0  }
0x6c: {  	[sflag:s12] =	ssyncadd.s32 $0xFFFFD800  }
0x6d: {  	_ =	swait.ge [sflag:s13], $0x80  }
0x6e: {  	[sflag:s13] =	ssyncset.done $0x0  }
0x6f: {  	[sflag:s13] =	ssyncadd.s32 $0xFFFFFF80  }
0x70: {  	[spmem:s2] =	stream.indirect.scatter.add.f32 [tilespmem:s30], [sflag:$0x7], $0x80, s1, s7, $0xb8;
	[tilespmem:$0x1D980] =	vst v63  }
0x71: {  	_ =	swait.ge [sflag:s31], $0x2800  }
0x72: {  	s16 =	sshrl.u32 s25, $0x3;
	[sflag:s31] =	ssyncset.done $0x0  }
0x73: {  	s21 =	sadd.s32 s5, s16;
	[sflag:s31] =	ssyncadd.s32 $0xFFFFD800  }
0x74: {  	[tilespmem:s1], [sflag:$0x4] =	stream.linear.gather [hbm4b:s21+s3], $0x80, $0x38;
	[tilespmem:$0x1D980] =	vst v63  }
0x75: {  	s22 =	simm.s32 $0xF0  }
0x76: {  	[tilespmem:s30], [sflag:$0x1] =	stream.indirect.gather [hbm4b:s4+s7], $0x80, s22, s7, $0xb8;
	[tilespmem:$0x1D980] =	vst v63  }
0x77: {  	_ =	swait.ge [sflag:s15], $0x2800  }
0x78: {  	[sflag:s15] =	ssyncset.done $0x0  }
0x79: {  	[sflag:s15] =	ssyncadd.s32 $0xFFFFD800  }
0x7a: {  	_ =	swait.ge [sflag:s17], $0x80  }
0x7b: {  	[sflag:s17] =	ssyncset.done $0x0  }
0x7c: {  	[sflag:s17] =	ssyncadd.s32 $0xFFFFFF80  }
0x7d: {  	[spmem:s2] =	stream.indirect.scatter.add.f32 [tilespmem:s9], [sflag:$0x7], $0x80, s8, s7, $0xb8;
	[tilespmem:$0x1D980] =	vst v63  }
0x7e: {  	_ =	swait.ge [sflag:s31], $0x2800  }
0x7f: {  	[sflag:s31] =	ssyncset.done $0x0  }
0x80: {  	[sflag:s31] =	ssyncadd.s32 $0xFFFFD800  }
0x81: {  	[tilespmem:s8], [sflag:$0x5] =	stream.linear.gather [hbm4b:s24+s3], $0x80, $0x38;
	[tilespmem:$0x1D980] =	vst v63  }
0x82: {  	s26 =	simm.s32 $0x140  }
0x83: {  	[tilespmem:s9], [sflag:$0x2] =	stream.indirect.gather [hbm4b:s4+s7], $0x80, s26, s7, $0xb8;
	[tilespmem:$0x1D980] =	vst v63  }
0x84: {  	_ =	swait.ge [sflag:s18], $0x2800  }
0x85: {  	[sflag:s18] =	ssyncset.done $0x0  }
0x86: {  	[sflag:s18] =	ssyncadd.s32 $0xFFFFD800  }
0x87: {  	_ =	swait.ge [sflag:s19], $0x80  }
0x88: {  	[sflag:s19] =	ssyncset.done $0x0  }
0x89: {  	[sflag:s19] =	ssyncadd.s32 $0xFFFFFF80  }
0x8a: {  	[spmem:s2] =	stream.indirect.scatter.add.f32 [tilespmem:s11], [sflag:$0x7], $0x80, s10, s7, $0xb8;
	[tilespmem:$0x1D980] =	vst v63  }
0x8b: {  	s29 =	simm.s32 $0x190;
	_ =	swait.ge [sflag:s31], $0x2800  }
0x8c: {  	s28 =	sadd.s32 $0x30, s24;
	s21 =	simm.s32 $0x3C0;
	[sflag:s31] =	ssyncset.done $0x0  }
0x8d: {  	s22 =	sadd.s32 $0x180, s25;
	s26 =	sadd.s32 $0x30, s23;
	[sflag:s31] =	ssyncadd.s32 $0xFFFFD800  }
0x8e: {  	[tilespmem:s10], [sflag:$0x6] =	stream.linear.gather [hbm4b:s23+s3], $0x80, $0x38;
	[tilespmem:$0x1D980] =	vst v63  }
.LBB2_4:
0x8f: {  	[tilespmem:s11], [sflag:$0x3] =	stream.indirect.gather [hbm4b:s4+s7], $0x80, s29, s7, $0xb8;
	[tilespmem:$0x1D980] =	vst v63  }
0x90: {  	s29 =	smov.u32 s21  }
0x91: {  	p5 =	sne.s32 s21, $0x9240;
	s21 =	sadd.s32 $0x3C0, s21;
	_ =	swait.ge [sflag:s12], $0x2800  }
0x92: {  	[sflag:s12] =	ssyncset.done $0x0  }
0x93: {  	[sflag:s12] =	ssyncadd.s32 $0xFFFFD800  }
0x94: {  	_ =	swait.ge [sflag:s13], $0x80  }
0x95: {  	[sflag:s13] =	ssyncset.done $0x0  }
0x96: {  	[sflag:s13] =	ssyncadd.s32 $0xFFFFFF80  }
0x97: {  	[spmem:s2] =	stream.indirect.scatter.add.f32 [tilespmem:s30], [sflag:$0x7], $0x80, s1, s7, $0xb8;
	[tilespmem:$0x1D980] =	vst v63  }
0x98: {  	_ =	swait.ge [sflag:s31], $0x2800  }
0x99: {  	s16 =	sshrl.u32 s22, $0x3;
	[sflag:s31] =	ssyncset.done $0x0  }
0x9a: {  	s16 =	sadd.s32 s5, s16;
	s29 =	sshra.s32 s29, $0x2;
	[sflag:s31] =	ssyncadd.s32 $0xFFFFD800  }
0x9b: {  	[tilespmem:s1], [sflag:$0x4] =	stream.linear.gather [hbm4b:s16+s3], $0x80, $0x38;
	[tilespmem:$0x1D980] =	vst v63  }
0x9c: {  	s16 =	sadd.s32 $0xF0, s29  }
0x9d: {  	[tilespmem:s30], [sflag:$0x1] =	stream.indirect.gather [hbm4b:s4+s7], $0x80, s16, s7, $0xb8;
	[tilespmem:$0x1D980] =	vst v63  }
0x9e: {  	_ =	swait.ge [sflag:s15], $0x2800  }
0x9f: {  	[sflag:s15] =	ssyncset.done $0x0  }
0xa0: {  	[sflag:s15] =	ssyncadd.s32 $0xFFFFD800  }
0xa1: {  	_ =	swait.ge [sflag:s17], $0x80  }
0xa2: {  	[sflag:s17] =	ssyncset.done $0x0  }
0xa3: {  	[sflag:s17] =	ssyncadd.s32 $0xFFFFFF80  }
0xa4: {  	[spmem:s2] =	stream.indirect.scatter.add.f32 [tilespmem:s9], [sflag:$0x7], $0x80, s8, s7, $0xb8;
	[tilespmem:$0x1D980] =	vst v63  }
0xa5: {  	_ =	swait.ge [sflag:s31], $0x2800  }
0xa6: {  	[sflag:s31] =	ssyncset.done $0x0  }
0xa7: {  	[sflag:s31] =	ssyncadd.s32 $0xFFFFD800  }
0xa8: {  	[tilespmem:s8], [sflag:$0x5] =	stream.linear.gather [hbm4b:s28+s3], $0x80, $0x38;
	[tilespmem:$0x1D980] =	vst v63  }
0xa9: {  	s16 =	sadd.s32 $0x140, s29  }
0xaa: {  	[tilespmem:s9], [sflag:$0x2] =	stream.indirect.gather [hbm4b:s4+s7], $0x80, s16, s7, $0xb8;
	[tilespmem:$0x1D980] =	vst v63  }
0xab: {  	_ =	swait.ge [sflag:s18], $0x2800  }
0xac: {  	[sflag:s18] =	ssyncset.done $0x0  }
0xad: {  	[sflag:s18] =	ssyncadd.s32 $0xFFFFD800  }
0xae: {  	_ =	swait.ge [sflag:s19], $0x80  }
0xaf: {  	[sflag:s19] =	ssyncset.done $0x0  }
0xb0: {  	[sflag:s19] =	ssyncadd.s32 $0xFFFFFF80  }
0xb1: {  	[spmem:s2] =	stream.indirect.scatter.add.f32 [tilespmem:s11], [sflag:$0x7], $0x80, s10, s7, $0xb8;
	[tilespmem:$0x1D980] =	vst v63  }
.Ltmp1:
0xb2: {  	_ =	swait.ge [sflag:s31], $0x2800;
	(pc) =	sbr.rel @p5 .LBB2_4-.Ltmp1, $4  }
0xb3: {  	[sflag:s31] =	ssyncset.done $0x0  }
0xb4: {  	s22 =	sadd.s32 $0x180, s22;
	[sflag:s31] =	ssyncadd.s32 $0xFFFFD800  }
0xb5: {  	[tilespmem:s10], [sflag:$0x6] =	stream.linear.gather [hbm4b:s26+s3], $0x80, $0x38;
	[tilespmem:$0x1D980] =	vst v63  }
0xb6: {  	s29 =	sadd.s32 $0x190, s29;
	s28 =	sadd.s32 $0x30, s28;
	s26 =	sadd.s32 $0x30, s26  }
0xb7: {  	[tilespmem:s11], [sflag:$0x3] =	stream.indirect.gather [hbm4b:s4+s7], $0x80, s29, s7, $0xb8;
	[tilespmem:$0x1D980] =	vst v63  }
0xb8: {  	_ =	swait.ge [sflag:s12], $0x2800  }
0xb9: {  	[sflag:s12] =	ssyncset.done $0x0  }
0xba: {  	[sflag:s12] =	ssyncadd.s32 $0xFFFFD800  }
0xbb: {  	_ =	swait.ge [sflag:s13], $0x80  }
0xbc: {  	[sflag:s13] =	ssyncset.done $0x0  }
0xbd: {  	[sflag:s13] =	ssyncadd.s32 $0xFFFFFF80  }
0xbe: {  	[spmem:s2] =	stream.indirect.scatter.add.f32 [tilespmem:s30], [sflag:$0x7], $0x80, s1, s7, $0xb8;
	[tilespmem:$0x1D980] =	vst v63  }
0xbf: {  	_ =	swait.ge [sflag:s31], $0x2800  }
0xc0: {  	[sflag:s31] =	ssyncset.done $0x0  }
0xc1: {  	s16 =	rddreg [dreg:$0x13];
	[sflag:s31] =	ssyncadd.s32 $0xFFFFD800  }
0xc2: {  	[tilespmem:s1], [sflag:$0x4] =	stream.linear.gather [hbm4b:s16+s3], $0x80, $0x38;
	[tilespmem:$0x1D980] =	vst v63  }
0xc3: {  	s22 =	simm.s32 $0x2670  }
0xc4: {  	[tilespmem:s30], [sflag:$0x1] =	stream.indirect.gather [hbm4b:s4+s7], $0x80, s22, s7, $0xb8;
	[tilespmem:$0x1D980] =	vst v63  }
0xc5: {  	_ =	swait.ge [sflag:s15], $0x2800  }
0xc6: {  	[sflag:s15] =	ssyncset.done $0x0  }
0xc7: {  	[sflag:s15] =	ssyncadd.s32 $0xFFFFD800  }
0xc8: {  	_ =	swait.ge [sflag:s17], $0x80  }
0xc9: {  	[sflag:s17] =	ssyncset.done $0x0  }
0xca: {  	[sflag:s17] =	ssyncadd.s32 $0xFFFFFF80  }
0xcb: {  	[spmem:s2] =	stream.indirect.scatter.add.f32 [tilespmem:s9], [sflag:$0x7], $0x80, s8, s7, $0xb8;
	[tilespmem:$0x1D980] =	vst v63  }
0xcc: {  	_ =	swait.ge [sflag:s31], $0x2800  }
0xcd: {  	[sflag:s31] =	ssyncset.done $0x0  }
0xce: {  	s26 =	rddreg [dreg:$0x14];
	[sflag:s31] =	ssyncadd.s32 $0xFFFFD800  }
0xcf: {  	[tilespmem:s8], [sflag:$0x5] =	stream.linear.gather [hbm4b:s26+s3], $0x80, $0x38;
	[tilespmem:$0x1D980] =	vst v63  }
0xd0: {  	s28 =	simm.s32 $0x26C0  }
0xd1: {  	[tilespmem:s9], [sflag:$0x2] =	stream.indirect.gather [hbm4b:s4+s7], $0x80, s28, s7, $0xb8;
	[tilespmem:$0x1D980] =	vst v63  }
0xd2: {  	_ =	swait.ge [sflag:s18], $0x2800  }
0xd3: {  	[sflag:s18] =	ssyncset.done $0x0  }
0xd4: {  	[sflag:s18] =	ssyncadd.s32 $0xFFFFD800  }
0xd5: {  	_ =	swait.ge [sflag:s19], $0x80  }
0xd6: {  	[sflag:s19] =	ssyncset.done $0x0  }
0xd7: {  	[sflag:s19] =	ssyncadd.s32 $0xFFFFFF80  }
0xd8: {  	[spmem:s2] =	stream.indirect.scatter.add.f32 [tilespmem:s11], [sflag:$0x7], $0x80, s10, s7, $0xb8;
	[tilespmem:$0x1D980] =	vst v63  }
0xd9: {  	_ =	swait.ge [sflag:s31], $0x2800  }
0xda: {  	[sflag:s31] =	ssyncset.done $0x0  }
0xdb: {  	[sflag:s31] =	ssyncadd.s32 $0xFFFFD800  }
0xdc: {  	_ =	swait.ge [sflag:s12], $0x2800  }
0xdd: {  	[sflag:s12] =	ssyncset.done $0x0  }
0xde: {  	[sflag:s12] =	ssyncadd.s32 $0xFFFFD800  }
0xdf: {  	_ =	swait.ge [sflag:s13], $0x80  }
0xe0: {  	[sflag:s13] =	ssyncset.done $0x0  }
0xe1: {  	[sflag:s13] =	ssyncadd.s32 $0xFFFFFF80  }
0xe2: {  	[spmem:s2] =	stream.indirect.scatter.add.f32 [tilespmem:s30], [sflag:$0x7], $0x80, s1, s7, $0xb8;
	[tilespmem:$0x1D980] =	vst v63  }
0xe3: {  	_ =	swait.ge [sflag:s31], $0x2800  }
0xe4: {  	[sflag:s31] =	ssyncset.done $0x0  }
0xe5: {  	[sflag:s31] =	ssyncadd.s32 $0xFFFFD800  }
0xe6: {  	_ =	swait.ge [sflag:s15], $0x2800  }
0xe7: {  	[sflag:s15] =	ssyncset.done $0x0  }
0xe8: {  	[sflag:s15] =	ssyncadd.s32 $0xFFFFD800  }
0xe9: {  	_ =	swait.ge [sflag:s17], $0x80  }
0xea: {  	[sflag:s17] =	ssyncset.done $0x0  }
0xeb: {  	[sflag:s17] =	ssyncadd.s32 $0xFFFFFF80  }
0xec: {  	[spmem:s2] =	stream.indirect.scatter.add.f32 [tilespmem:s9], [sflag:$0x7], $0x80, s8, s7, $0xb8;
	[tilespmem:$0x1D980] =	vst v63  }
0xed: {  	_ =	swait.ge [sflag:s31], $0x2800  }
0xee: {  	[sflag:s31] =	ssyncset.done $0x0  }
0xef: {  	[sflag:s31] =	ssyncadd.s32 $0xFFFFD800  }
0xf0: {  	s16 =	sshll.u32 @!p2 s0, $0x6;
	[bflag:$0x0] =	sbarrier.arrive $0xFFFF  }
0xf1: {  	s21 =	sshrl.u32 @!p2 s6, $0x3;
	s16 =	sor.u32 @!p2 $0x1C07, s16;
	s22 =	rddreg [dreg:$0xd]  }
0xf2: {  	[hbm:s22], [sflag:s16] =	dma.local @!p2 [spmem:s21], $0x2700  }
0xf3: {  	s16 =	simm.s32 @!p2 $0x7  }
0xf4: {  	_ =	swait.ge @!p2 [sflag:s16], $0x2700  }
0xf5: {  	s21 =	sshll.u32 @p0 s0, $0x6;
	[sflag:s16] =	ssyncset.done @!p2 $0x0;
	s22 =	rddreg [dreg:$0xe]  }
0xf6: {  	[sflag:s16] =	ssyncadd.s32 @!p2 $0xFFFFD900;
	s16 =	sor.u32 @p0 $0x1C07, s21;
	s21 =	sshrl.u32 @p0 s6, $0x3  }
0xf7: {  	[hbm:s22], [sflag:s16] =	dma.local @p0 [spmem:s21], $0x2700  }
0xf8: {  	s16 =	simm.s32 @p0 $0x7  }
0xf9: {  	_ =	swait.ge @p0 [sflag:s16], $0x2700  }
0xfa: {  	s21 =	sshll.u32 @!p3 s0, $0x6;
	[sflag:s16] =	ssyncset.done @p0 $0x0;
	s22 =	rddreg [dreg:$0xf]  }
0xfb: {  	[sflag:s16] =	ssyncadd.s32 @p0 $0xFFFFD900;
	s16 =	sor.u32 @!p3 $0x1C07, s21;
	s21 =	sshrl.u32 @!p3 s14, $0x3  }
0xfc: {  	[hbm:s22], [sflag:s16] =	dma.local @!p3 [spmem:s21], $0x100  }
0xfd: {  	s16 =	simm.s32 @!p3 $0x7  }
0xfe: {  	_ =	swait.ge @!p3 [sflag:s16], $0x100  }
0xff: {  	s21 =	simm.s32 @p1 $0x1C07;
	[sflag:s16] =	ssyncset.done @!p3 $0x0  }
0x100: {  	s22 =	rddreg [dreg:$0x10];
	[sflag:s16] =	ssyncadd.s32 @!p3 $0xFFFFFF00;
	s16 =	sshrl.u32 @p1 s14, $0x3  }
0x101: {  	[hbm:s22], [sflag:s21] =	dma.local @p1 [spmem:s16], $0x100  }
0x102: {  	s16 =	simm.s32 @p1 $0x7  }
0x103: {  	_ =	swait.ge @p1 [sflag:s16], $0x100  }
0x104: {  	s20 =	sadd.s32 $0x1, s20;
	s29 =	rddreg [dreg:$0x11]  }
0x105: {  	p5 =	sne.s32 s20, s29  }
.Ltmp2:
0x106: {  	_ = 	snop;
	(pc) =	sbr.rel @p5 .LBB2_1-.Ltmp2, $3  }
0x107: {  	_ =	sdelay $0x1  }
0x108: {  	[sflag:s16] =	ssyncset.done @p1 $0x0  }
0x109: {  	[sflag:s16] =	ssyncadd.s32 @p1 $0xFFFFFF00  }
0x10a: {  	_ =	sfence.sel $0x180000  }
0x10b: {  	[bflag:$0x0] =	sbarrier.arrive $0xFFFF  }
0x10c: {  	_ =	strace $0x9000004A  }
0x10d: {  	[bflag:$0x2] =	sbarrier.arrive $0xFFFF  }
0x10e: {  	s0 =	rddreg [dreg:$0x2]  }
0x10f: {  	s0 =	sadd.s32 @!p4 $0x100000, s0  }
0x110: {  	[sflag:s0] =	ssyncadd.tile.s32 @!p4 $0x1;
	_ =	shalt  }
.Lfunc_end2:
_tile_overlayer_lowered:
.L_overlay_start_2:
0x111: {  	(tag) =	ssettag $0x2  }
0x112: {  	s0 =	rddreg [dreg:$0x0];
	s2 =	stileid.u32  }
0x113: {  	s1 =	rddreg [dreg:$0x1];
	p0 =	sne.s32 s2, $0x0  }
0x114: {  	s3 =	rddreg [dreg:$0x2];
	[bflag:$0x3] =	sbarrier.arrive $0xFFFF;
	s2 =	simm.s32 @!p0 $0x1C07  }
0x115: {  	[timem:s3], [sflag:s2] =	dma.local @!p0 [hbm:s0], s1  }
0x116: {  	s0 =	simm.s32 @!p0 $0x7  }
0x117: {  	_ =	swait.ge @!p0 [sflag:s0], s1  }
0x118: {  	s1 =	ssub.s32 @!p0 $0x0, s1;
	[sflag:s0] =	ssyncset.done @!p0 $0x0  }
0x119: {  	[sflag:s0] =	ssyncadd.s32 @!p0 s1  }
0x11a: {  	[bflag:$0x3] =	sbarrier.arrive $0xFFFF  }
0x11b: {  	_ =	shalt  }

// kernel: kernel.14.cloned.1.call-start
scs
__scs_entry_jumppad:
0x0: {  	(pc) =	sbr.rel $0x88, $3  }
0x1: {  	(tag) =	ssettag $0x0;
	lr =	simm.s32 $0x1  }
0x2: {  	[smem:$0x3F92] =	sst lr;
	_ =	strace $0xD0000000  }
0x3: {  	_ = 	snop  }
0x4: {  	_ = 	snop  }
0x5: {  	_ = 	snop  }
0x6: {  	_ = 	snop  }
0x7: {  	_ = 	snop  }
__scs_overlays_trampoline_lowered:
0x8: {  	[smem:$0x3FA1] =	sst s0  }
0x9: {  	[smem:$0x3FA2] =	sst s1  }
0xa: {  	[smem:$0x3FA3] =	sst s2  }
0xb: {  	[smem:$0x3FA4] =	sst s3  }
0xc: {  	[smem:$0x3FA5] =	sst s4  }
0xd: {  	[smem:$0x3FA6] =	sst s5  }
0xe: {  	[smem:$0x3FA7] =	sst s6  }
0xf: {  	[smem:$0x3FA8] =	sst s7  }
0x10: {  	[smem:$0x3FA9] =	sst s8  }
0x11: {  	[smem:$0x3FAA] =	sst s9;
	s0 =	simm.s32 @!p0 $0x0  }
0x12: {  	s1 =	sld [smem:$0x3F90];
	s0 =	simm.s32 @p0 $0x1  }
0x13: {  	[smem:$0x3FAB] =	sst s0;
	s0 =	simm.s32 @!p1 $0x0  }
0x14: {  	s2 =	sld [smem:$0x3F8F];
	s0 =	simm.s32 @p1 $0x1  }
0x15: {  	[smem:$0x3FAC] =	sst s0;
	s0 =	simm.s32 @!p2 $0x0  }
0x16: {  	s3 =	sld [smem:$0x3FDB];
	s0 =	simm.s32 @p2 $0x1  }
0x17: {  	s4 =	simm.s32 $0x1BF5;
	[smem:$0x3FAE] =	sst s0  }
0x18: {  	s0 =	sld [smem:$0x3F91];
	_ =	swait.ge [sflag:s4], $0x0  }
0x19: {  	s7 =	sld [smem:$0x3F92]  }
0x1a: {  	s8 =	sadd.s32 $0xFFFFE003, lr  }
0x1b: {  	s9 =	sadd.s32 $0xFFFFFEF7, lr;
	s5 =	simm.s32 $0xFFFFFFFF;
	p2 =	slt.u32 s8, $0xFFFFF086  }
0x1c: {  	p1 =	slt.u32 s9, $0xF7A;
	s5 =	simm.s32 @!p2 $0x0  }
0x1d: {  	s5 =	simm.s32 @p1 $0x1;
	p0 =	seq.s32 s7, s2  }
0x1e: {  	s7 =	smul.u32 @!p0 $0xF7A, s2;
	p2 =	seq.s32 @!p0 s5, $0x0  }
0x1f: {  	s9 =	smul.u32 $0xF7A, s1;
	s8 =	simm.s32 @!p0 $0x1BF5;
	p2 =	por !p2, p0  }
0x20: {  	[sflag:s8] =	ssyncset.s32 @!p0 $0xFFFFF086;
	s6 =	sadd.s32 @!p0 s3, s7;
	s7 =	simm.s32 @!p0 $0x108  }
0x21: {  	s3 =	sadd.s32 s3, s9;
	s6 =	sadd.s32 @!p0 $0x88, s6;
	s7 =	simm.s32 @p2 $0x1082  }
0x22: {  	[simem:s7], [sflag:s8] =	dma.local @!p0 [hbm:s6], $0xF7A  }
0x23: {  	s9 =	sor.u32 $0xD0000000, s2;
	s6 =	simm.s32 $0x108;
	_ =	swait.ge @!p0 [sflag:s8], $0x0  }
0x24: {  	s3 =	sadd.s32 $0x88, s3;
	s6 =	simm.s32 @!p1 $0x1082;
	[sflag:s4] =	ssyncset.s32 $0xFFFFF086  }
0x25: {  	[simem:s6], [sflag:s4] =	dma.local [hbm:s3], $0xF7A  }
0x26: {  	[smem:$0x3F92] =	sst s1;
	(tag) =	ssettag s2;
	_ =	strace s9  }
0x27: {  	s1 =	sld [smem:$0x3FA2]  }
0x28: {  	s2 =	sld [smem:$0x3FA3]  }
0x29: {  	s4 =	sld [smem:$0x3FA5]  }
0x2a: {  	p0 =	seq.s32 s5, $0x0;
	s5 =	sld [smem:$0x3FA6]  }
0x2b: {  	s6 =	sld [smem:$0x3FA7]  }
0x2c: {  	s7 =	sld [smem:$0x3FA8]  }
0x2d: {  	s3 =	simm.s32 $0x108;
	s8 =	sld [smem:$0x3FA9]  }
0x2e: {  	s3 =	simm.s32 @!p0 $0x1082;
	s9 =	sld [smem:$0x3FAA]  }
0x2f: {  	lr =	sadd.s32 s0, s3;
	s0 =	sld [smem:$0x3FA1]  }
0x30: {  	s3 =	sld [smem:$0x3FA4]  }
0x31: {  	[smem:$0x3FAD] =	sst s10  }
0x32: {  	s10 =	sld [smem:$0x3FAB];
	_ =	sdelay $0x3  }
0x33: {  	p0 =	seq.s32 s10, $0x1;
	s10 =	sld [smem:$0x3FAD];
	_ =	sdelay $0x3  }
0x34: {  	[smem:$0x3FAD] =	sst s10  }
0x35: {  	s10 =	sld [smem:$0x3FAC];
	_ =	sdelay $0x3  }
0x36: {  	p1 =	seq.s32 s10, $0x1;
	s10 =	sld [smem:$0x3FAD];
	_ =	sdelay $0x3  }
0x37: {  	[smem:$0x3FAD] =	sst s10  }
0x38: {  	s10 =	sld [smem:$0x3FAE]  }
0x39: {  	_ = 	snop;
	(pc) =	sbr.ind lr, $3  }
0x3a: {  	_ = 	snop  }
0x3b: {  	_ = 	snop  }
0x3c: {  	p2 =	seq.s32 s10, $0x1;
	s10 =	sld [smem:$0x3FAD]  }
0x3d: {  	_ =	shalt  }
0x3e: {  	_ =	shalt  }
0x3f: {  	_ =	shalt  }
0x40: {  	_ =	shalt  }
0x41: {  	_ =	shalt  }
0x42: {  	_ =	shalt  }
0x43: {  	_ =	shalt  }
0x44: {  	_ =	shalt  }
0x45: {  	_ =	shalt  }
0x46: {  	_ =	shalt  }
0x47: {  	_ =	shalt  }
0x48: {  	_ =	shalt  }
0x49: {  	_ =	shalt  }
0x4a: {  	_ =	shalt  }
0x4b: {  	_ =	shalt  }
0x4c: {  	_ =	shalt  }
0x4d: {  	_ =	shalt  }
0x4e: {  	_ =	shalt  }
0x4f: {  	_ =	shalt  }
0x50: {  	_ =	shalt  }
0x51: {  	_ =	shalt  }
0x52: {  	_ =	shalt  }
0x53: {  	_ =	shalt  }
0x54: {  	_ =	shalt  }
0x55: {  	_ =	shalt  }
0x56: {  	_ =	shalt  }
0x57: {  	_ =	shalt  }
0x58: {  	_ =	shalt  }
0x59: {  	_ =	shalt  }
0x5a: {  	_ =	shalt  }
0x5b: {  	_ =	shalt  }
0x5c: {  	_ =	shalt  }
0x5d: {  	_ =	shalt  }
0x5e: {  	_ =	shalt  }
0x5f: {  	_ =	shalt  }
0x60: {  	_ =	shalt  }
0x61: {  	_ =	shalt  }
0x62: {  	_ =	shalt  }
0x63: {  	_ =	shalt  }
0x64: {  	_ =	shalt  }
0x65: {  	_ =	shalt  }
0x66: {  	_ =	shalt  }
0x67: {  	_ =	shalt  }
0x68: {  	_ =	shalt  }
0x69: {  	_ =	shalt  }
0x6a: {  	_ =	shalt  }
0x6b: {  	_ =	shalt  }
0x6c: {  	_ =	shalt  }
0x6d: {  	_ =	shalt  }
0x6e: {  	_ =	shalt  }
0x6f: {  	_ =	shalt  }
0x70: {  	_ =	shalt  }
0x71: {  	_ =	shalt  }
0x72: {  	_ =	shalt  }
0x73: {  	_ =	shalt  }
0x74: {  	_ =	shalt  }
0x75: {  	_ =	shalt  }
0x76: {  	_ =	shalt  }
0x77: {  	_ =	shalt  }
0x78: {  	_ =	shalt  }
0x79: {  	_ =	shalt  }
0x7a: {  	_ =	shalt  }
0x7b: {  	_ =	shalt  }
0x7c: {  	_ =	shalt  }
0x7d: {  	_ =	shalt  }
0x7e: {  	_ =	shalt  }
0x7f: {  	_ =	shalt  }
0x80: {  	_ =	shalt  }
0x81: {  	_ =	shalt  }
0x82: {  	_ =	shalt  }
0x83: {  	_ =	shalt  }
0x84: {  	_ =	shalt  }
0x85: {  	_ =	shalt  }
0x86: {  	_ =	shalt  }
0x87: {  	_ =	shalt  }
.Lfunc_end0:
.L_simem_size_0:
called_computation.2_lowered:
.L_overlay_start_0:
0x88: {  	s2 =	sld [smem:$0x3FD9]  }
0x89: {  	s3 =	sld [smem:$0x3FFE];
	_ =	sdelay $0x1  }
0x8a: {  	s1 =	srdreg.scid  }
0x8b: {  	s0 =	sand.u32 $0x1, s1  }
0x8c: {  	s16 =	sshll.u32 s0, $0xA;
	s2 =	sadd.s32 s3, s2  }
0x8d: {  	s2 =	sadd.s32 s2, s16  }
0x8e: {  	[smem:$0x3FB9] =	sst s2  }
0x8f: {  	_ = 	snop  }
0x90: {  	(tm) =	ssettm $0x1  }
0x91: {  	s17 =	sld [smem:$0x3FFB];
	_ =	sdelay $0x3  }
0x92: {  	_ =	strace s17  }
0x93: {  	s2 =	sld [smem:$0x3FFC];
	_ =	sdelay $0x3  }
0x94: {  	_ =	strace s2  }
0x95: {  	s2 =	sld [smem:$0x3FFD];
	_ =	sdelay $0x3  }
0x96: {  	_ =	strace s2  }
0x97: {  	_ =	strace $0x8FFFFFFF  }
0x98: {  	s18 =	sld [smem:$0x3FDB];
	_ =	sdelay $0x1  }
0x99: {  	s19 =	simm.s32 $_scs_section_size  }
0x9a: {  	s4 =	simm.s32 $_size__tile_overlayer_lowered;
	s5 =	simm.s32 $_tile_overlayer_lowered  }
0x9b: {  	s22 =	simm.s32 $0x1BFF;
	s21 =	sshll.u32 s5, $0x1;
	s2 =	sadd.s32 s19, s18  }
0x9c: {  	s6 =	simm.s32 $0x0;
	s20 =	sshll.u32 s4, $0x1;
	s4 =	sadd.s32 s21, s2  }
0x9d: {  	[timem:s6], [sflag:s22] =	dma.local [hbm:s4], s20  }
0x9e: {  	_ =	swait.ge [sflag:s22], s20  }
0x9f: {  	s3 =	ssub.s32 $0x0, s20;
	[sflag:s22] =	ssyncset.done $0x0  }
0xa0: {  	[sflag:s22] =	ssyncadd.s32 s3;
	_ =	sdelay $0x1  }
0xa1: {  	s23 =	simm.s32 $0x1B8B  }
0xa2: {  	_ =	swait.ge [sflag:s23], $0x1  }
0xa3: {  	[sflag:s23] =	ssyncset.done $0x0  }
0xa4: {  	s25 =	simm.s32 $0x1B8E;
	s24 =	sld [smem:$0x3FFE];
	[sflag:s23] =	ssyncadd.s32 $0xFFFFFFFF  }
0xa5: {  	s26 =	simm.s32 $execute0_lowered;
	[smem:$0x3FD2] =	sst s25  }
0xa6: {  	s4 =	sshll.u32 s26, $0x1;
	_ =	strace $0x8000004C;
	[dreg:$0x1] =	wrdreg $0xFFFFFFFF  }
0xa7: {  	s28 =	simm.s32 $_size_execute0_lowered;
	s2 =	sadd.s32 s2, s4;
	[dreg:$0x0] =	wrdreg $0x0  }
0xa8: {  	s4 =	sshll.u32 s28, $0x1;
	[dreg:$0x2] =	wrdreg s2  }
0xa9: {  	[dreg:$0x3] =	wrdreg s4  }
0xaa: {  	[dreg:$0x4] =	wrdreg $0xC0  }
0xab: {  	_ =	task [dreg:s6], $0x5FFFF  }
0xac: {  	[dreg:$0x1] =	wrdreg $0xFFFFFFFF  }
0xad: {  	[dreg:$0x0] =	wrdreg $0x60  }
0xae: {  	[dreg:$0x2] =	wrdreg s24  }
0xaf: {  	[dreg:$0x3] =	wrdreg $0xA1000  }
0xb0: {  	[dreg:$0x4] =	wrdreg $0x9  }
0xb1: {  	_ =	task.clear_ibuf [dreg:s6], $0x5FFFF;
	_ =	strace $0x9000004C  }
0xb2: {  	s29 =	simm.s32 $0x9;
	_ =	strace $0x8000004E  }
0xb3: {  	_ =	swait.ge [sflag:s29], $0x1  }
0xb4: {  	[sflag:s29] =	ssyncadd.s32 $0xFFFFFFFF  }
0xb5: {  	_ =	strace $0x9000004E  }
0xb6: {  	_ =	sfence  }
0xb7: {  	s30 =	sld [smem:$0x0];
	_ =	sdelay $0x2  }
0xb8: {  	s31 =	sshll.u32 s1, $0xD;
	s1 =	sshrl.u32 s1, $0x2  }
0xb9: {  	s3 =	sand.u32 $0x4000, s31;
	s1 =	sadd.s32 s1, s30  }
0xba: {  	s0 =	sor.u32 s3, s0;
	s1 =	sshll.u32 s1, $0x11  }
0xbb: {  	s0 =	sor.u32 s1, s0  }
0xbc: {  	s0 =	sadd.s32 $0x8F2B, s0  }
0xbd: {  	[sflag:s0] =	ssyncadd.remote.s32 $0x1  }
0xbe: {  	_ =	sfence.sel $0xFFFF  }
0xbf: {  	[dreg:$0x0] =	wrdreg $0xFFFFFFFF;
	(pc) =	sbr.abs _section_cstart, $3  }
0xc0: {  	[dreg:$0x1] =	wrdreg $0xFFFFFFFF  }
0xc1: {  	_ =	task.clear_ibuf [dreg:s6], $0x2FFFF;
	_ =	strace $0x9FFFFFFF  }
0xc2: {  	(tm) =	ssettm $0x7FFFFFFF  }
0xc3: {  	_ =	shalt  }
tec
execute0_lowered:
.L_overlay_start_1:
0x0: {  	(tag) =	ssettag $0x1  }
0x1: {  	s0 =	srdreg.scid  }
0x2: {  	s1 =	sand.u32 $0x1, s0;
	s0 =	stileid.u32  }
0x3: {  	s8 =	rddreg [dreg:$0x0];
	s30 =	simm.s32 $0x2900;
	s6 =	smul.u32 $0x4E000, s0  }
0x4: {  	s31 =	simm.s32 $0x7;
	s22 =	sadd.s32 $0xA5200, s8;
	s10 =	smul.u32 $0x2700, s0  }
0x5: {  	s2 =	sshll.u32 s1, $0x4;
	s5 =	sshll.u32 s0, $0x7;
	s17 =	smul.u32 $0x3E800, s1  }
0x6: {  	s11 =	ssub.s32 $0x2, s1;
	p1 =	seq.s32 s0, $0x0;
	s20 =	smul.u32 $0x3E80, s0  }
0x7: {  	p0 =	seq.s32 s1, $0x1;
	s21 =	sor.u32 s1, s0;
	p2 =	sne.s32 s1, $0x0  }
0x8: {  	p4 =	sne.s32 s0, $0x0;
	s7 =	sor.u32 s0, s2;
	s2 =	rddreg [dreg:$0x1]  }
0x9: {  	s5 =	sand.u32 $0x380, s5;
	s3 =	sshrl.u32 s7, $0x3;
	s6 =	sshrl.u32 s6, $0x2  }
0xa: {  	s4 =	smul.u32 $0x13C00, s3;
	s3 =	simm.s32 $0x0;
	s6 =	sadd.s32 s6, s2  }
0xb: {  	s12 =	sshrl.u32 s11, $0x1;
	[smem:$0x7FF] =	sst s3;
	s25 =	sadd.s32 $0x2800, s6  }
0xc: {  	s26 =	sadd.s32 $0x5000, s6;
	_ =	strace $0x8000004D;
	[dreg:$0x3] =	wrdreg s25  }
0xd: {  	p1 =	por !p1, !p0;
	s28 =	sadd.s32 $0x7800, s6;
	[dreg:$0x4] =	wrdreg s26  }
0xe: {  	p3 =	sne.s32 s21, $0x0;
	s29 =	sadd.s32 $0xA000, s6;
	[dreg:$0x5] =	wrdreg s28  }
0xf: {  	s10 =	sadd.s32 s10, s8;
	s13 =	sadd.s32 $0xC800, s6;
	[dreg:$0x6] =	wrdreg s29  }
0x10: {  	s11 =	ssub.s32 s11, s12;
	s14 =	sadd.s32 $0xF000, s6;
	[dreg:$0x7] =	wrdreg s13  }
0x11: {  	s7 =	smul.u32 $0x3E80, s7;
	s15 =	sadd.s32 $0x11800, s6;
	[dreg:$0x8] =	wrdreg s14  }
0x12: {  	p1 =	por !p1, !p1;
	s19 =	sadd.s32 $0x7E200, s10;
	[dreg:$0x9] =	wrdreg s15  }
0x13: {  	s12 =	simm.s32 $0x1;
	s10 =	sadd.s32 $0xA5400, s10;
	[dreg:$0xd] =	wrdreg s19  }
0x14: {  	s7 =	sshrl.u32 s7, $0x3;
	s4 =	sor.u32 s5, s4;
	[dreg:$0xe] =	wrdreg s10  }
0x15: {  	s14 =	sadd.s32 $0x138000, s2;
	[dreg:$0xf] =	wrdreg s22;
	s25 =	smax.u32 s11, $0x1  }
0x16: {  	s10 =	simm.s32 $0x2880;
	s11 =	simm.s32 $0x7900;
	s13 =	simm.s32 $0x4  }
0x17: {  	s15 =	simm.s32 $0x2;
	s19 =	simm.s32 $0x6;
	s5 =	sshrl.u32 s4, $0x3  }
0x18: {  	s4 =	sadd.s32 $0x2FE00, s8;
	[dreg:$0x11] =	wrdreg s25;
	s9 =	sadd.s32 s5, s8  }
0x19: {  	s5 =	sadd.s32 $0x16600, s8;
	s8 =	sadd.s32 $0xCC400, s8;
	s9 =	sadd.s32 $0x26000, s9  }
0x1a: {  	s16 =	sadd.s32 s5, s7;
	s7 =	sadd.s32 s20, s17;
	[dreg:$0x10] =	wrdreg s8  }
0x1b: {  	s17 =	simm.s32 $0x5;
	s20 =	simm.s32 $0x0;
	[dreg:$0xa] =	wrdreg s9  }
0x1c: {  	s18 =	sadd.s32 $0x10, s16;
	s23 =	sadd.s32 $0x280, s7;
	s24 =	sadd.s32 $0x200, s7  }
0x1d: {  	s25 =	sadd.s32 $0x180, s7;
	s26 =	sadd.s32 $0x20, s16;
	[dreg:$0xb] =	wrdreg s16  }
0x1e: {  	s28 =	sadd.s32 $0x7B0, s16;
	s29 =	sadd.s32 $0x7C0, s16;
	[dreg:$0xc] =	wrdreg s18  }
0x1f: {  	s7 =	simm.s32 $0x50;
	s9 =	simm.s32 $0x5100;
	[dreg:$0x12] =	wrdreg s26  }
0x20: {  	s1 =	sshrl.u32 s23, $0x3;
	s8 =	sshrl.u32 s24, $0x3;
	[dreg:$0x13] =	wrdreg s28  }
0x21: {  	[dreg:$0x14] =	wrdreg s29;
	s18 =	simm.s32 $0x3;
	s23 =	sadd.s32 s1, s5  }
0x22: {  	v0 =	vimm.f32 $0.0e+00;
	s24 =	sadd.s32 s8, s5;
	s1 =	simm.s32 $0x2780;
	s8 =	simm.s32 $0x2800  }
.LBB2_1:
0x23: {  	s21 =	simm.s32 $0x0;
	s22 =	simm.s32 $0x200  }
.LBB2_2:
0x24: {  	p5 =	sne.s32 s22, $0x9E00;
	[tilespmem:s21+$0x2970] =	vst v0  }
0x25: {  	[tilespmem:s21+$0x2900] =	vst v0  }
0x26: {  	[tilespmem:s21+$0x2910] =	vst v0  }
.Ltmp0:
0x27: {  	[tilespmem:s21+$0x2920] =	vst v0;
	(pc) =	sbr.rel @p5 .LBB2_2-.Ltmp0, $4  }
0x28: {  	[tilespmem:s21+$0x2930] =	vst v0  }
0x29: {  	[tilespmem:s21+$0x2940] =	vst v0  }
0x2a: {  	[tilespmem:s21+$0x2950] =	vst v0  }
0x2b: {  	[tilespmem:s21+$0x2960] =	vst v0;
	s21 =	sshra.s32 s22, $0x2;
	s22 =	sadd.s32 $0x200, s22  }
0x2c: {  	[tilespmem:s21+$0x2970] =	vst v0  }
0x2d: {  	[tilespmem:s21+$0x2900] =	vst v0  }
0x2e: {  	[tilespmem:s21+$0x2910] =	vst v0  }
0x2f: {  	[tilespmem:s21+$0x2920] =	vst v0  }
0x30: {  	[tilespmem:s21+$0x2930] =	vst v0  }
0x31: {  	[tilespmem:s21+$0x2940] =	vst v0  }
0x32: {  	[tilespmem:s21+$0x2950] =	vst v0  }
0x33: {  	[tilespmem:s21+$0x2960] =	vst v0  }
0x34: {  	[spmem:s6] =	stream.linear.scatter [tilespmem:s30], [sflag:$0x7], $0x2800, $0x38;
	[tilespmem:$0x1D980] =	vst v63  }
0x35: {  	_ =	swait.ge [sflag:s31], $0x2800  }
0x36: {  	[sflag:s31] =	ssyncset.done $0x0  }
0x37: {  	s16 =	rddreg [dreg:$0x3];
	[sflag:s31] =	ssyncadd.s32 $0xFFFFD800  }
0x38: {  	[spmem:s16] =	stream.linear.scatter [tilespmem:s30], [sflag:$0x7], $0x2800, $0x38;
	[tilespmem:$0x1D980] =	vst v63  }
0x39: {  	_ =	swait.ge [sflag:s31], $0x2800  }
0x3a: {  	[sflag:s31] =	ssyncset.done $0x0  }
0x3b: {  	s22 =	rddreg [dreg:$0x4];
	[sflag:s31] =	ssyncadd.s32 $0xFFFFD800  }
0x3c: {  	[spmem:s22] =	stream.linear.scatter [tilespmem:s30], [sflag:$0x7], $0x2800, $0x38;
	[tilespmem:$0x1D980] =	vst v63  }
0x3d: {  	_ =	swait.ge [sflag:s31], $0x2800  }
0x3e: {  	[sflag:s31] =	ssyncset.done $0x0  }
0x3f: {  	s26 =	rddreg [dreg:$0x5];
	[sflag:s31] =	ssyncadd.s32 $0xFFFFD800  }
0x40: {  	[spmem:s26] =	stream.linear.scatter [tilespmem:s30], [sflag:$0x7], $0x2800, $0x38;
	[tilespmem:$0x1D980] =	vst v63  }
0x41: {  	_ =	swait.ge [sflag:s31], $0x2800  }
0x42: {  	[sflag:s31] =	ssyncset.done $0x0  }
0x43: {  	s21 =	rddreg [dreg:$0x6];
	[sflag:s31] =	ssyncadd.s32 $0xFFFFD800  }
0x44: {  	[spmem:s21] =	stream.linear.scatter [tilespmem:s30], [sflag:$0x7], $0x2800, $0x38;
	[tilespmem:$0x1D980] =	vst v63  }
0x45: {  	_ =	swait.ge [sflag:s31], $0x2800  }
0x46: {  	[sflag:s31] =	ssyncset.done $0x0  }
0x47: {  	s22 =	rddreg [dreg:$0x7];
	[sflag:s31] =	ssyncadd.s32 $0xFFFFD800  }
0x48: {  	[spmem:s22] =	stream.linear.scatter [tilespmem:s30], [sflag:$0x7], $0x2800, $0x38;
	[tilespmem:$0x1D980] =	vst v63  }
0x49: {  	_ =	swait.ge [sflag:s31], $0x2800  }
0x4a: {  	[sflag:s31] =	ssyncset.done $0x0  }
0x4b: {  	s26 =	rddreg [dreg:$0x8];
	[sflag:s31] =	ssyncadd.s32 $0xFFFFD800  }
0x4c: {  	[spmem:s26] =	stream.linear.scatter [tilespmem:s30], [sflag:$0x7], $0x2800, $0x38;
	[tilespmem:$0x1D980] =	vst v63  }
0x4d: {  	_ =	swait.ge [sflag:s31], $0x2800  }
0x4e: {  	[sflag:s31] =	ssyncset.done $0x0  }
0x4f: {  	s21 =	rddreg [dreg:$0x9];
	[sflag:s31] =	ssyncadd.s32 $0xFFFFD800  }
0x50: {  	[spmem:s21] =	stream.linear.scatter [tilespmem:s30], [sflag:$0x7], $0x2000, $0x38;
	[tilespmem:$0x1D980] =	vst v63  }
0x51: {  	_ =	swait.ge [sflag:s31], $0x2000  }
0x52: {  	[sflag:s31] =	ssyncset.done $0x0  }
0x53: {  	s21 =	simm.s32 @!p4 $0x2900;
	[sflag:s31] =	ssyncadd.s32 $0xFFFFE000  }
0x54: {  	[spmem:s14] =	stream.linear.scatter @!p4 [tilespmem:s21], [sflag:$0x7], $0x800, $0x38;
	[tilespmem:$0x1D980] =	vst v63  }
0x55: {  	s21 =	simm.s32 @!p4 $0x7  }
0x56: {  	_ =	swait.ge @!p4 [sflag:s21], $0x800  }
0x57: {  	s22 =	simm.s32 $0x80;
	s26 =	simm.s32 $0x400;
	[sflag:s21] =	ssyncset.done @!p4 $0x0  }
0x58: {  	s16 =	rddreg [dreg:$0xa];
	[sflag:s21] =	ssyncadd.s32 @!p4 $0xFFFFF800;
	s21 =	simm.s32 $0x0  }
0x59: {  	[tilespmem:s21], [sflag:$0x7] =	stream.strided.gather [hbm4b:s16+s22], $0x2780, s26, s22, $0x38;
	[tilespmem:$0x1D980] =	vst v63  }
0x5a: {  	_ =	swait.ge [sflag:s31], $0x2780  }
0x5b: {  	[sflag:s31] =	ssyncset.done $0x0  }
0x5c: {  	[sflag:s31] =	ssyncadd.s32 $0xFFFFD880  }
0x5d: {  	[bflag:$0x0] =	sbarrier.arrive $0xFFFF  }
0x5e: {  	s22 =	rddreg [dreg:$0xb]  }
0x5f: {  	[tilespmem:s1], [sflag:$0x4] =	stream.linear.gather [hbm4b:s22+s21], $0x80, $0x38;
	[tilespmem:$0x1D980] =	vst v63  }
0x60: {  	_ = 	snop  }
0x61: {  	[tilespmem:s30], [sflag:$0x1] =	stream.indirect.gather [hbm4b:s4+s7], $0x80, s21, s7, $0xb8;
	[tilespmem:$0x1D980] =	vst v63  }
0x62: {  	s26 =	rddreg [dreg:$0xc]  }
0x63: {  	[tilespmem:s8], [sflag:$0x5] =	stream.linear.gather [hbm4b:s26+s21], $0x80, $0x38;
	[tilespmem:$0x1D980] =	vst v63  }
0x64: {  	_ = 	snop  }
0x65: {  	[tilespmem:s9], [sflag:$0x2] =	stream.indirect.gather [hbm4b:s4+s7], $0x80, s7, s7, $0xb8;
	[tilespmem:$0x1D980] =	vst v63  }
0x66: {  	s22 =	rddreg [dreg:$0x12]  }
0x67: {  	[tilespmem:s10], [sflag:$0x6] =	stream.linear.gather [hbm4b:s22+s21], $0x80, $0x38;
	[tilespmem:$0x1D980] =	vst v63  }
0x68: {  	s26 =	simm.s32 $0xA0  }
0x69: {  	[tilespmem:s11], [sflag:$0x3] =	stream.indirect.gather [hbm4b:s4+s7], $0x80, s26, s7, $0xb8;
	[tilespmem:$0x1D980] =	vst v63  }
0x6a: {  	_ =	swait.ge [sflag:s12], $0x2800  }
0x6b: {  	[sflag:s12] =	ssyncset.done $0x0  }
0x6c: {  	[sflag:s12] =	ssyncadd.s32 $0xFFFFD800  }
0x6d: {  	_ =	swait.ge [sflag:s13], $0x80  }
0x6e: {  	[sflag:s13] =	ssyncset.done $0x0  }
0x6f: {  	[sflag:s13] =	ssyncadd.s32 $0xFFFFFF80  }
0x70: {  	[spmem:s2] =	stream.indirect.scatter.add.f32 [tilespmem:s30], [sflag:$0x7], $0x80, s1, s7, $0xb8;
	[tilespmem:$0x1D980] =	vst v63  }
0x71: {  	_ =	swait.ge [sflag:s31], $0x2800  }
0x72: {  	s16 =	sshrl.u32 s25, $0x3;
	[sflag:s31] =	ssyncset.done $0x0  }
0x73: {  	s21 =	sadd.s32 s5, s16;
	[sflag:s31] =	ssyncadd.s32 $0xFFFFD800  }
0x74: {  	[tilespmem:s1], [sflag:$0x4] =	stream.linear.gather [hbm4b:s21+s3], $0x80, $0x38;
	[tilespmem:$0x1D980] =	vst v63  }
0x75: {  	s22 =	simm.s32 $0xF0  }
0x76: {  	[tilespmem:s30], [sflag:$0x1] =	stream.indirect.gather [hbm4b:s4+s7], $0x80, s22, s7, $0xb8;
	[tilespmem:$0x1D980] =	vst v63  }
0x77: {  	_ =	swait.ge [sflag:s15], $0x2800  }
0x78: {  	[sflag:s15] =	ssyncset.done $0x0  }
0x79: {  	[sflag:s15] =	ssyncadd.s32 $0xFFFFD800  }
0x7a: {  	_ =	swait.ge [sflag:s17], $0x80  }
0x7b: {  	[sflag:s17] =	ssyncset.done $0x0  }
0x7c: {  	[sflag:s17] =	ssyncadd.s32 $0xFFFFFF80  }
0x7d: {  	[spmem:s2] =	stream.indirect.scatter.add.f32 [tilespmem:s9], [sflag:$0x7], $0x80, s8, s7, $0xb8;
	[tilespmem:$0x1D980] =	vst v63  }
0x7e: {  	_ =	swait.ge [sflag:s31], $0x2800  }
0x7f: {  	[sflag:s31] =	ssyncset.done $0x0  }
0x80: {  	[sflag:s31] =	ssyncadd.s32 $0xFFFFD800  }
0x81: {  	[tilespmem:s8], [sflag:$0x5] =	stream.linear.gather [hbm4b:s24+s3], $0x80, $0x38;
	[tilespmem:$0x1D980] =	vst v63  }
0x82: {  	s26 =	simm.s32 $0x140  }
0x83: {  	[tilespmem:s9], [sflag:$0x2] =	stream.indirect.gather [hbm4b:s4+s7], $0x80, s26, s7, $0xb8;
	[tilespmem:$0x1D980] =	vst v63  }
0x84: {  	_ =	swait.ge [sflag:s18], $0x2800  }
0x85: {  	[sflag:s18] =	ssyncset.done $0x0  }
0x86: {  	[sflag:s18] =	ssyncadd.s32 $0xFFFFD800  }
0x87: {  	_ =	swait.ge [sflag:s19], $0x80  }
0x88: {  	[sflag:s19] =	ssyncset.done $0x0  }
0x89: {  	[sflag:s19] =	ssyncadd.s32 $0xFFFFFF80  }
0x8a: {  	[spmem:s2] =	stream.indirect.scatter.add.f32 [tilespmem:s11], [sflag:$0x7], $0x80, s10, s7, $0xb8;
	[tilespmem:$0x1D980] =	vst v63  }
0x8b: {  	s29 =	simm.s32 $0x190;
	_ =	swait.ge [sflag:s31], $0x2800  }
0x8c: {  	s28 =	sadd.s32 $0x30, s24;
	s21 =	simm.s32 $0x3C0;
	[sflag:s31] =	ssyncset.done $0x0  }
0x8d: {  	s22 =	sadd.s32 $0x180, s25;
	s26 =	sadd.s32 $0x30, s23;
	[sflag:s31] =	ssyncadd.s32 $0xFFFFD800  }
0x8e: {  	[tilespmem:s10], [sflag:$0x6] =	stream.linear.gather [hbm4b:s23+s3], $0x80, $0x38;
	[tilespmem:$0x1D980] =	vst v63  }
.LBB2_4:
0x8f: {  	[tilespmem:s11], [sflag:$0x3] =	stream.indirect.gather [hbm4b:s4+s7], $0x80, s29, s7, $0xb8;
	[tilespmem:$0x1D980] =	vst v63  }
0x90: {  	s29 =	smov.u32 s21  }
0x91: {  	p5 =	sne.s32 s21, $0x9240;
	s21 =	sadd.s32 $0x3C0, s21;
	_ =	swait.ge [sflag:s12], $0x2800  }
0x92: {  	[sflag:s12] =	ssyncset.done $0x0  }
0x93: {  	[sflag:s12] =	ssyncadd.s32 $0xFFFFD800  }
0x94: {  	_ =	swait.ge [sflag:s13], $0x80  }
0x95: {  	[sflag:s13] =	ssyncset.done $0x0  }
0x96: {  	[sflag:s13] =	ssyncadd.s32 $0xFFFFFF80  }
0x97: {  	[spmem:s2] =	stream.indirect.scatter.add.f32 [tilespmem:s30], [sflag:$0x7], $0x80, s1, s7, $0xb8;
	[tilespmem:$0x1D980] =	vst v63  }
0x98: {  	_ =	swait.ge [sflag:s31], $0x2800  }
0x99: {  	s16 =	sshrl.u32 s22, $0x3;
	[sflag:s31] =	ssyncset.done $0x0  }
0x9a: {  	s16 =	sadd.s32 s5, s16;
	s29 =	sshra.s32 s29, $0x2;
	[sflag:s31] =	ssyncadd.s32 $0xFFFFD800  }
0x9b: {  	[tilespmem:s1], [sflag:$0x4] =	stream.linear.gather [hbm4b:s16+s3], $0x80, $0x38;
	[tilespmem:$0x1D980] =	vst v63  }
0x9c: {  	s16 =	sadd.s32 $0xF0, s29  }
0x9d: {  	[tilespmem:s30], [sflag:$0x1] =	stream.indirect.gather [hbm4b:s4+s7], $0x80, s16, s7, $0xb8;
	[tilespmem:$0x1D980] =	vst v63  }
0x9e: {  	_ =	swait.ge [sflag:s15], $0x2800  }
0x9f: {  	[sflag:s15] =	ssyncset.done $0x0  }
0xa0: {  	[sflag:s15] =	ssyncadd.s32 $0xFFFFD800  }
0xa1: {  	_ =	swait.ge [sflag:s17], $0x80  }
0xa2: {  	[sflag:s17] =	ssyncset.done $0x0  }
0xa3: {  	[sflag:s17] =	ssyncadd.s32 $0xFFFFFF80  }
0xa4: {  	[spmem:s2] =	stream.indirect.scatter.add.f32 [tilespmem:s9], [sflag:$0x7], $0x80, s8, s7, $0xb8;
	[tilespmem:$0x1D980] =	vst v63  }
0xa5: {  	_ =	swait.ge [sflag:s31], $0x2800  }
0xa6: {  	[sflag:s31] =	ssyncset.done $0x0  }
0xa7: {  	[sflag:s31] =	ssyncadd.s32 $0xFFFFD800  }
0xa8: {  	[tilespmem:s8], [sflag:$0x5] =	stream.linear.gather [hbm4b:s28+s3], $0x80, $0x38;
	[tilespmem:$0x1D980] =	vst v63  }
0xa9: {  	s16 =	sadd.s32 $0x140, s29  }
0xaa: {  	[tilespmem:s9], [sflag:$0x2] =	stream.indirect.gather [hbm4b:s4+s7], $0x80, s16, s7, $0xb8;
	[tilespmem:$0x1D980] =	vst v63  }
0xab: {  	_ =	swait.ge [sflag:s18], $0x2800  }
0xac: {  	[sflag:s18] =	ssyncset.done $0x0  }
0xad: {  	[sflag:s18] =	ssyncadd.s32 $0xFFFFD800  }
0xae: {  	_ =	swait.ge [sflag:s19], $0x80  }
0xaf: {  	[sflag:s19] =	ssyncset.done $0x0  }
0xb0: {  	[sflag:s19] =	ssyncadd.s32 $0xFFFFFF80  }
0xb1: {  	[spmem:s2] =	stream.indirect.scatter.add.f32 [tilespmem:s11], [sflag:$0x7], $0x80, s10, s7, $0xb8;
	[tilespmem:$0x1D980] =	vst v63  }
.Ltmp1:
0xb2: {  	_ =	swait.ge [sflag:s31], $0x2800;
	(pc) =	sbr.rel @p5 .LBB2_4-.Ltmp1, $4  }
0xb3: {  	[sflag:s31] =	ssyncset.done $0x0  }
0xb4: {  	s22 =	sadd.s32 $0x180, s22;
	[sflag:s31] =	ssyncadd.s32 $0xFFFFD800  }
0xb5: {  	[tilespmem:s10], [sflag:$0x6] =	stream.linear.gather [hbm4b:s26+s3], $0x80, $0x38;
	[tilespmem:$0x1D980] =	vst v63  }
0xb6: {  	s29 =	sadd.s32 $0x190, s29;
	s28 =	sadd.s32 $0x30, s28;
	s26 =	sadd.s32 $0x30, s26  }
0xb7: {  	[tilespmem:s11], [sflag:$0x3] =	stream.indirect.gather [hbm4b:s4+s7], $0x80, s29, s7, $0xb8;
	[tilespmem:$0x1D980] =	vst v63  }
0xb8: {  	_ =	swait.ge [sflag:s12], $0x2800  }
0xb9: {  	[sflag:s12] =	ssyncset.done $0x0  }
0xba: {  	[sflag:s12] =	ssyncadd.s32 $0xFFFFD800  }
0xbb: {  	_ =	swait.ge [sflag:s13], $0x80  }
0xbc: {  	[sflag:s13] =	ssyncset.done $0x0  }
0xbd: {  	[sflag:s13] =	ssyncadd.s32 $0xFFFFFF80  }
0xbe: {  	[spmem:s2] =	stream.indirect.scatter.add.f32 [tilespmem:s30], [sflag:$0x7], $0x80, s1, s7, $0xb8;
	[tilespmem:$0x1D980] =	vst v63  }
0xbf: {  	_ =	swait.ge [sflag:s31], $0x2800  }
0xc0: {  	[sflag:s31] =	ssyncset.done $0x0  }
0xc1: {  	s16 =	rddreg [dreg:$0x13];
	[sflag:s31] =	ssyncadd.s32 $0xFFFFD800  }
0xc2: {  	[tilespmem:s1], [sflag:$0x4] =	stream.linear.gather [hbm4b:s16+s3], $0x80, $0x38;
	[tilespmem:$0x1D980] =	vst v63  }
0xc3: {  	s22 =	simm.s32 $0x2670  }
0xc4: {  	[tilespmem:s30], [sflag:$0x1] =	stream.indirect.gather [hbm4b:s4+s7], $0x80, s22, s7, $0xb8;
	[tilespmem:$0x1D980] =	vst v63  }
0xc5: {  	_ =	swait.ge [sflag:s15], $0x2800  }
0xc6: {  	[sflag:s15] =	ssyncset.done $0x0  }
0xc7: {  	[sflag:s15] =	ssyncadd.s32 $0xFFFFD800  }
0xc8: {  	_ =	swait.ge [sflag:s17], $0x80  }
0xc9: {  	[sflag:s17] =	ssyncset.done $0x0  }
0xca: {  	[sflag:s17] =	ssyncadd.s32 $0xFFFFFF80  }
0xcb: {  	[spmem:s2] =	stream.indirect.scatter.add.f32 [tilespmem:s9], [sflag:$0x7], $0x80, s8, s7, $0xb8;
	[tilespmem:$0x1D980] =	vst v63  }
0xcc: {  	_ =	swait.ge [sflag:s31], $0x2800  }
0xcd: {  	[sflag:s31] =	ssyncset.done $0x0  }
0xce: {  	s26 =	rddreg [dreg:$0x14];
	[sflag:s31] =	ssyncadd.s32 $0xFFFFD800  }
0xcf: {  	[tilespmem:s8], [sflag:$0x5] =	stream.linear.gather [hbm4b:s26+s3], $0x80, $0x38;
	[tilespmem:$0x1D980] =	vst v63  }
0xd0: {  	s28 =	simm.s32 $0x26C0  }
0xd1: {  	[tilespmem:s9], [sflag:$0x2] =	stream.indirect.gather [hbm4b:s4+s7], $0x80, s28, s7, $0xb8;
	[tilespmem:$0x1D980] =	vst v63  }
0xd2: {  	_ =	swait.ge [sflag:s18], $0x2800  }
0xd3: {  	[sflag:s18] =	ssyncset.done $0x0  }
0xd4: {  	[sflag:s18] =	ssyncadd.s32 $0xFFFFD800  }
0xd5: {  	_ =	swait.ge [sflag:s19], $0x80  }
0xd6: {  	[sflag:s19] =	ssyncset.done $0x0  }
0xd7: {  	[sflag:s19] =	ssyncadd.s32 $0xFFFFFF80  }
0xd8: {  	[spmem:s2] =	stream.indirect.scatter.add.f32 [tilespmem:s11], [sflag:$0x7], $0x80, s10, s7, $0xb8;
	[tilespmem:$0x1D980] =	vst v63  }
0xd9: {  	_ =	swait.ge [sflag:s31], $0x2800  }
0xda: {  	[sflag:s31] =	ssyncset.done $0x0  }
0xdb: {  	[sflag:s31] =	ssyncadd.s32 $0xFFFFD800  }
0xdc: {  	_ =	swait.ge [sflag:s12], $0x2800  }
0xdd: {  	[sflag:s12] =	ssyncset.done $0x0  }
0xde: {  	[sflag:s12] =	ssyncadd.s32 $0xFFFFD800  }
0xdf: {  	_ =	swait.ge [sflag:s13], $0x80  }
0xe0: {  	[sflag:s13] =	ssyncset.done $0x0  }
0xe1: {  	[sflag:s13] =	ssyncadd.s32 $0xFFFFFF80  }
0xe2: {  	[spmem:s2] =	stream.indirect.scatter.add.f32 [tilespmem:s30], [sflag:$0x7], $0x80, s1, s7, $0xb8;
	[tilespmem:$0x1D980] =	vst v63  }
0xe3: {  	_ =	swait.ge [sflag:s31], $0x2800  }
0xe4: {  	[sflag:s31] =	ssyncset.done $0x0  }
0xe5: {  	[sflag:s31] =	ssyncadd.s32 $0xFFFFD800  }
0xe6: {  	_ =	swait.ge [sflag:s15], $0x2800  }
0xe7: {  	[sflag:s15] =	ssyncset.done $0x0  }
0xe8: {  	[sflag:s15] =	ssyncadd.s32 $0xFFFFD800  }
0xe9: {  	_ =	swait.ge [sflag:s17], $0x80  }
0xea: {  	[sflag:s17] =	ssyncset.done $0x0  }
0xeb: {  	[sflag:s17] =	ssyncadd.s32 $0xFFFFFF80  }
0xec: {  	[spmem:s2] =	stream.indirect.scatter.add.f32 [tilespmem:s9], [sflag:$0x7], $0x80, s8, s7, $0xb8;
	[tilespmem:$0x1D980] =	vst v63  }
0xed: {  	_ =	swait.ge [sflag:s31], $0x2800  }
0xee: {  	[sflag:s31] =	ssyncset.done $0x0  }
0xef: {  	[sflag:s31] =	ssyncadd.s32 $0xFFFFD800  }
0xf0: {  	s16 =	sshll.u32 @!p2 s0, $0x6;
	[bflag:$0x0] =	sbarrier.arrive $0xFFFF  }
0xf1: {  	s21 =	sshrl.u32 @!p2 s6, $0x3;
	s16 =	sor.u32 @!p2 $0x1C07, s16;
	s22 =	rddreg [dreg:$0xd]  }
0xf2: {  	[hbm:s22], [sflag:s16] =	dma.local @!p2 [spmem:s21], $0x2700  }
0xf3: {  	s16 =	simm.s32 @!p2 $0x7  }
0xf4: {  	_ =	swait.ge @!p2 [sflag:s16], $0x2700  }
0xf5: {  	s21 =	sshll.u32 @p0 s0, $0x6;
	[sflag:s16] =	ssyncset.done @!p2 $0x0;
	s22 =	rddreg [dreg:$0xe]  }
0xf6: {  	[sflag:s16] =	ssyncadd.s32 @!p2 $0xFFFFD900;
	s16 =	sor.u32 @p0 $0x1C07, s21;
	s21 =	sshrl.u32 @p0 s6, $0x3  }
0xf7: {  	[hbm:s22], [sflag:s16] =	dma.local @p0 [spmem:s21], $0x2700  }
0xf8: {  	s16 =	simm.s32 @p0 $0x7  }
0xf9: {  	_ =	swait.ge @p0 [sflag:s16], $0x2700  }
0xfa: {  	s21 =	sshll.u32 @!p3 s0, $0x6;
	[sflag:s16] =	ssyncset.done @p0 $0x0;
	s22 =	rddreg [dreg:$0xf]  }
0xfb: {  	[sflag:s16] =	ssyncadd.s32 @p0 $0xFFFFD900;
	s16 =	sor.u32 @!p3 $0x1C07, s21;
	s21 =	sshrl.u32 @!p3 s14, $0x3  }
0xfc: {  	[hbm:s22], [sflag:s16] =	dma.local @!p3 [spmem:s21], $0x100  }
0xfd: {  	s16 =	simm.s32 @!p3 $0x7  }
0xfe: {  	_ =	swait.ge @!p3 [sflag:s16], $0x100  }
0xff: {  	s21 =	simm.s32 @p1 $0x1C07;
	[sflag:s16] =	ssyncset.done @!p3 $0x0  }
0x100: {  	s22 =	rddreg [dreg:$0x10];
	[sflag:s16] =	ssyncadd.s32 @!p3 $0xFFFFFF00;
	s16 =	sshrl.u32 @p1 s14, $0x3  }
0x101: {  	[hbm:s22], [sflag:s21] =	dma.local @p1 [spmem:s16], $0x100  }
0x102: {  	s16 =	simm.s32 @p1 $0x7  }
0x103: {  	_ =	swait.ge @p1 [sflag:s16], $0x100  }
0x104: {  	s20 =	sadd.s32 $0x1, s20;
	s29 =	rddreg [dreg:$0x11]  }
0x105: {  	p5 =	sne.s32 s20, s29  }
.Ltmp2:
0x106: {  	_ = 	snop;
	(pc) =	sbr.rel @p5 .LBB2_1-.Ltmp2, $3  }
0x107: {  	_ =	sdelay $0x1  }
0x108: {  	[sflag:s16] =	ssyncset.done @p1 $0x0  }
0x109: {  	[sflag:s16] =	ssyncadd.s32 @p1 $0xFFFFFF00  }
0x10a: {  	_ =	sfence.sel $0x180000  }
0x10b: {  	[bflag:$0x0] =	sbarrier.arrive $0xFFFF  }
0x10c: {  	_ =	strace $0x9000004D  }
0x10d: {  	[bflag:$0x2] =	sbarrier.arrive $0xFFFF  }
0x10e: {  	s0 =	rddreg [dreg:$0x2]  }
0x10f: {  	s0 =	sadd.s32 @!p4 $0x100000, s0  }
0x110: {  	[sflag:s0] =	ssyncadd.tile.s32 @!p4 $0x1;
	_ =	shalt  }
.Lfunc_end2:
_tile_overlayer_lowered:
.L_overlay_start_2:
0x111: {  	(tag) =	ssettag $0x2  }
0x112: {  	s0 =	rddreg [dreg:$0x0];
	s2 =	stileid.u32  }
0x113: {  	s1 =	rddreg [dreg:$0x1];
	p0 =	sne.s32 s2, $0x0  }
0x114: {  	s3 =	rddreg [dreg:$0x2];
	[bflag:$0x3] =	sbarrier.arrive $0xFFFF;
	s2 =	simm.s32 @!p0 $0x1C07  }
0x115: {  	[timem:s3], [sflag:s2] =	dma.local @!p0 [hbm:s0], s1  }
0x116: {  	s0 =	simm.s32 @!p0 $0x7  }
0x117: {  	_ =	swait.ge @!p0 [sflag:s0], s1  }
0x118: {  	s1 =	ssub.s32 @!p0 $0x0, s1;
	[sflag:s0] =	ssyncset.done @!p0 $0x0  }
0x119: {  	[sflag:s0] =	ssyncadd.s32 @!p0 s1  }
0x11a: {  	[bflag:$0x3] =	sbarrier.arrive $0xFFFF  }
0x11b: {  	_ =	shalt  }

// kernel: kernel.8.cloned.1.call-start
scs
__scs_entry_jumppad:
0x0: {  	(pc) =	sbr.rel $0x88, $3  }
0x1: {  	(tag) =	ssettag $0x0;
	lr =	simm.s32 $0x1  }
0x2: {  	[smem:$0x3F92] =	sst lr;
	_ =	strace $0xD0000000  }
0x3: {  	_ = 	snop  }
0x4: {  	_ = 	snop  }
0x5: {  	_ = 	snop  }
0x6: {  	_ = 	snop  }
0x7: {  	_ = 	snop  }
__scs_overlays_trampoline_lowered:
0x8: {  	[smem:$0x3FA1] =	sst s0  }
0x9: {  	[smem:$0x3FA2] =	sst s1  }
0xa: {  	[smem:$0x3FA3] =	sst s2  }
0xb: {  	[smem:$0x3FA4] =	sst s3  }
0xc: {  	[smem:$0x3FA5] =	sst s4  }
0xd: {  	[smem:$0x3FA6] =	sst s5  }
0xe: {  	[smem:$0x3FA7] =	sst s6  }
0xf: {  	[smem:$0x3FA8] =	sst s7  }
0x10: {  	[smem:$0x3FA9] =	sst s8  }
0x11: {  	[smem:$0x3FAA] =	sst s9;
	s0 =	simm.s32 @!p0 $0x0  }
0x12: {  	s1 =	sld [smem:$0x3F90];
	s0 =	simm.s32 @p0 $0x1  }
0x13: {  	[smem:$0x3FAB] =	sst s0;
	s0 =	simm.s32 @!p1 $0x0  }
0x14: {  	s2 =	sld [smem:$0x3F8F];
	s0 =	simm.s32 @p1 $0x1  }
0x15: {  	[smem:$0x3FAC] =	sst s0;
	s0 =	simm.s32 @!p2 $0x0  }
0x16: {  	s3 =	sld [smem:$0x3FDB];
	s0 =	simm.s32 @p2 $0x1  }
0x17: {  	s4 =	simm.s32 $0x1BF5;
	[smem:$0x3FAE] =	sst s0  }
0x18: {  	s0 =	sld [smem:$0x3F91];
	_ =	swait.ge [sflag:s4], $0x0  }
0x19: {  	s7 =	sld [smem:$0x3F92]  }
0x1a: {  	s8 =	sadd.s32 $0xFFFFE003, lr  }
0x1b: {  	s9 =	sadd.s32 $0xFFFFFEF7, lr;
	s5 =	simm.s32 $0xFFFFFFFF;
	p2 =	slt.u32 s8, $0xFFFFF086  }
0x1c: {  	p1 =	slt.u32 s9, $0xF7A;
	s5 =	simm.s32 @!p2 $0x0  }
0x1d: {  	s5 =	simm.s32 @p1 $0x1;
	p0 =	seq.s32 s7, s2  }
0x1e: {  	s7 =	smul.u32 @!p0 $0xF7A, s2;
	p2 =	seq.s32 @!p0 s5, $0x0  }
0x1f: {  	s9 =	smul.u32 $0xF7A, s1;
	s8 =	simm.s32 @!p0 $0x1BF5;
	p2 =	por !p2, p0  }
0x20: {  	[sflag:s8] =	ssyncset.s32 @!p0 $0xFFFFF086;
	s6 =	sadd.s32 @!p0 s3, s7;
	s7 =	simm.s32 @!p0 $0x108  }
0x21: {  	s3 =	sadd.s32 s3, s9;
	s6 =	sadd.s32 @!p0 $0x88, s6;
	s7 =	simm.s32 @p2 $0x1082  }
0x22: {  	[simem:s7], [sflag:s8] =	dma.local @!p0 [hbm:s6], $0xF7A  }
0x23: {  	s9 =	sor.u32 $0xD0000000, s2;
	s6 =	simm.s32 $0x108;
	_ =	swait.ge @!p0 [sflag:s8], $0x0  }
0x24: {  	s3 =	sadd.s32 $0x88, s3;
	s6 =	simm.s32 @!p1 $0x1082;
	[sflag:s4] =	ssyncset.s32 $0xFFFFF086  }
0x25: {  	[simem:s6], [sflag:s4] =	dma.local [hbm:s3], $0xF7A  }
0x26: {  	[smem:$0x3F92] =	sst s1;
	(tag) =	ssettag s2;
	_ =	strace s9  }
0x27: {  	s1 =	sld [smem:$0x3FA2]  }
0x28: {  	s2 =	sld [smem:$0x3FA3]  }
0x29: {  	s4 =	sld [smem:$0x3FA5]  }
0x2a: {  	p0 =	seq.s32 s5, $0x0;
	s5 =	sld [smem:$0x3FA6]  }
0x2b: {  	s6 =	sld [smem:$0x3FA7]  }
0x2c: {  	s7 =	sld [smem:$0x3FA8]  }
0x2d: {  	s3 =	simm.s32 $0x108;
	s8 =	sld [smem:$0x3FA9]  }
0x2e: {  	s3 =	simm.s32 @!p0 $0x1082;
	s9 =	sld [smem:$0x3FAA]  }
0x2f: {  	lr =	sadd.s32 s0, s3;
	s0 =	sld [smem:$0x3FA1]  }
0x30: {  	s3 =	sld [smem:$0x3FA4]  }
0x31: {  	[smem:$0x3FAD] =	sst s10  }
0x32: {  	s10 =	sld [smem:$0x3FAB];
	_ =	sdelay $0x3  }
0x33: {  	p0 =	seq.s32 s10, $0x1;
	s10 =	sld [smem:$0x3FAD];
	_ =	sdelay $0x3  }
0x34: {  	[smem:$0x3FAD] =	sst s10  }
0x35: {  	s10 =	sld [smem:$0x3FAC];
	_ =	sdelay $0x3  }
0x36: {  	p1 =	seq.s32 s10, $0x1;
	s10 =	sld [smem:$0x3FAD];
	_ =	sdelay $0x3  }
0x37: {  	[smem:$0x3FAD] =	sst s10  }
0x38: {  	s10 =	sld [smem:$0x3FAE]  }
0x39: {  	_ = 	snop;
	(pc) =	sbr.ind lr, $3  }
0x3a: {  	_ = 	snop  }
0x3b: {  	_ = 	snop  }
0x3c: {  	p2 =	seq.s32 s10, $0x1;
	s10 =	sld [smem:$0x3FAD]  }
0x3d: {  	_ =	shalt  }
0x3e: {  	_ =	shalt  }
0x3f: {  	_ =	shalt  }
0x40: {  	_ =	shalt  }
0x41: {  	_ =	shalt  }
0x42: {  	_ =	shalt  }
0x43: {  	_ =	shalt  }
0x44: {  	_ =	shalt  }
0x45: {  	_ =	shalt  }
0x46: {  	_ =	shalt  }
0x47: {  	_ =	shalt  }
0x48: {  	_ =	shalt  }
0x49: {  	_ =	shalt  }
0x4a: {  	_ =	shalt  }
0x4b: {  	_ =	shalt  }
0x4c: {  	_ =	shalt  }
0x4d: {  	_ =	shalt  }
0x4e: {  	_ =	shalt  }
0x4f: {  	_ =	shalt  }
0x50: {  	_ =	shalt  }
0x51: {  	_ =	shalt  }
0x52: {  	_ =	shalt  }
0x53: {  	_ =	shalt  }
0x54: {  	_ =	shalt  }
0x55: {  	_ =	shalt  }
0x56: {  	_ =	shalt  }
0x57: {  	_ =	shalt  }
0x58: {  	_ =	shalt  }
0x59: {  	_ =	shalt  }
0x5a: {  	_ =	shalt  }
0x5b: {  	_ =	shalt  }
0x5c: {  	_ =	shalt  }
0x5d: {  	_ =	shalt  }
0x5e: {  	_ =	shalt  }
0x5f: {  	_ =	shalt  }
0x60: {  	_ =	shalt  }
0x61: {  	_ =	shalt  }
0x62: {  	_ =	shalt  }
0x63: {  	_ =	shalt  }
0x64: {  	_ =	shalt  }
0x65: {  	_ =	shalt  }
0x66: {  	_ =	shalt  }
0x67: {  	_ =	shalt  }
0x68: {  	_ =	shalt  }
0x69: {  	_ =	shalt  }
0x6a: {  	_ =	shalt  }
0x6b: {  	_ =	shalt  }
0x6c: {  	_ =	shalt  }
0x6d: {  	_ =	shalt  }
0x6e: {  	_ =	shalt  }
0x6f: {  	_ =	shalt  }
0x70: {  	_ =	shalt  }
0x71: {  	_ =	shalt  }
0x72: {  	_ =	shalt  }
0x73: {  	_ =	shalt  }
0x74: {  	_ =	shalt  }
0x75: {  	_ =	shalt  }
0x76: {  	_ =	shalt  }
0x77: {  	_ =	shalt  }
0x78: {  	_ =	shalt  }
0x79: {  	_ =	shalt  }
0x7a: {  	_ =	shalt  }
0x7b: {  	_ =	shalt  }
0x7c: {  	_ =	shalt  }
0x7d: {  	_ =	shalt  }
0x7e: {  	_ =	shalt  }
0x7f: {  	_ =	shalt  }
0x80: {  	_ =	shalt  }
0x81: {  	_ =	shalt  }
0x82: {  	_ =	shalt  }
0x83: {  	_ =	shalt  }
0x84: {  	_ =	shalt  }
0x85: {  	_ =	shalt  }
0x86: {  	_ =	shalt  }
0x87: {  	_ =	shalt  }
.Lfunc_end0:
.L_simem_size_0:
called_computation_lowered:
.L_overlay_start_0:
0x88: {  	s2 =	sld [smem:$0x3FD9]  }
0x89: {  	s3 =	sld [smem:$0x3FFE];
	_ =	sdelay $0x1  }
0x8a: {  	s1 =	srdreg.scid  }
0x8b: {  	s0 =	sand.u32 $0x1, s1  }
0x8c: {  	s16 =	sshll.u32 s0, $0xA;
	s2 =	sadd.s32 s3, s2  }
0x8d: {  	s2 =	sadd.s32 s2, s16  }
0x8e: {  	[smem:$0x3FB9] =	sst s2  }
0x8f: {  	_ = 	snop  }
0x90: {  	(tm) =	ssettm $0x1  }
0x91: {  	s17 =	sld [smem:$0x3FFB];
	_ =	sdelay $0x3  }
0x92: {  	_ =	strace s17  }
0x93: {  	s2 =	sld [smem:$0x3FFC];
	_ =	sdelay $0x3  }
0x94: {  	_ =	strace s2  }
0x95: {  	s2 =	sld [smem:$0x3FFD];
	_ =	sdelay $0x3  }
0x96: {  	_ =	strace s2  }
0x97: {  	_ =	strace $0x8FFFFFFF  }
0x98: {  	s18 =	sld [smem:$0x3FDB];
	_ =	sdelay $0x1  }
0x99: {  	s19 =	simm.s32 $_scs_section_size  }
0x9a: {  	s4 =	simm.s32 $_size__tile_overlayer_lowered;
	s5 =	simm.s32 $_tile_overlayer_lowered  }
0x9b: {  	s22 =	simm.s32 $0x1BFF;
	s21 =	sshll.u32 s5, $0x1;
	s2 =	sadd.s32 s19, s18  }
0x9c: {  	s6 =	simm.s32 $0x0;
	s20 =	sshll.u32 s4, $0x1;
	s4 =	sadd.s32 s21, s2  }
0x9d: {  	[timem:s6], [sflag:s22] =	dma.local [hbm:s4], s20  }
0x9e: {  	_ =	swait.ge [sflag:s22], s20  }
0x9f: {  	s3 =	ssub.s32 $0x0, s20;
	[sflag:s22] =	ssyncset.done $0x0  }
0xa0: {  	[sflag:s22] =	ssyncadd.s32 s3;
	_ =	sdelay $0x1  }
0xa1: {  	s23 =	simm.s32 $0x1B8B  }
0xa2: {  	_ =	swait.ge [sflag:s23], $0x1  }
0xa3: {  	[sflag:s23] =	ssyncset.done $0x0  }
0xa4: {  	s25 =	simm.s32 $0x1B8E;
	s24 =	sld [smem:$0x3FFE];
	[sflag:s23] =	ssyncadd.s32 $0xFFFFFFFF  }
0xa5: {  	s26 =	simm.s32 $execute0_lowered;
	[smem:$0x3FD2] =	sst s25  }
0xa6: {  	s4 =	sshll.u32 s26, $0x1;
	_ =	strace $0x80000046;
	[dreg:$0x1] =	wrdreg $0xFFFFFFFF  }
0xa7: {  	s28 =	simm.s32 $_size_execute0_lowered;
	s2 =	sadd.s32 s2, s4;
	[dreg:$0x0] =	wrdreg $0x0  }
0xa8: {  	s4 =	sshll.u32 s28, $0x1;
	[dreg:$0x2] =	wrdreg s2  }
0xa9: {  	[dreg:$0x3] =	wrdreg s4  }
0xaa: {  	[dreg:$0x4] =	wrdreg $0xC0  }
0xab: {  	_ =	task [dreg:s6], $0x5FFFF  }
0xac: {  	[dreg:$0x1] =	wrdreg $0xFFFFFFFF  }
0xad: {  	[dreg:$0x0] =	wrdreg $0x60  }
0xae: {  	[dreg:$0x2] =	wrdreg s24  }
0xaf: {  	[dreg:$0x3] =	wrdreg $0x40800  }
0xb0: {  	[dreg:$0x4] =	wrdreg $0x9  }
0xb1: {  	_ =	task.clear_ibuf [dreg:s6], $0x5FFFF;
	_ =	strace $0x90000046  }
0xb2: {  	s29 =	simm.s32 $0x9;
	_ =	strace $0x80000048  }
0xb3: {  	_ =	swait.ge [sflag:s29], $0x1  }
0xb4: {  	[sflag:s29] =	ssyncadd.s32 $0xFFFFFFFF  }
0xb5: {  	_ =	strace $0x90000048  }
0xb6: {  	_ =	sfence  }
0xb7: {  	s30 =	sld [smem:$0x0];
	_ =	sdelay $0x2  }
0xb8: {  	s31 =	sshll.u32 s1, $0xD;
	s1 =	sshrl.u32 s1, $0x2  }
0xb9: {  	s3 =	sand.u32 $0x4000, s31;
	s1 =	sadd.s32 s1, s30  }
0xba: {  	s0 =	sor.u32 s3, s0;
	s1 =	sshll.u32 s1, $0x11  }
0xbb: {  	s0 =	sor.u32 s1, s0  }
0xbc: {  	s0 =	sadd.s32 $0x8F2B, s0  }
0xbd: {  	[sflag:s0] =	ssyncadd.remote.s32 $0x1  }
0xbe: {  	_ =	sfence.sel $0xFFFF  }
0xbf: {  	[dreg:$0x0] =	wrdreg $0xFFFFFFFF;
	(pc) =	sbr.abs _section_cstart, $3  }
0xc0: {  	[dreg:$0x1] =	wrdreg $0xFFFFFFFF  }
0xc1: {  	_ =	task.clear_ibuf [dreg:s6], $0x2FFFF;
	_ =	strace $0x9FFFFFFF  }
0xc2: {  	(tm) =	ssettm $0x7FFFFFFF  }
0xc3: {  	_ =	shalt  }
tec
execute0_lowered:
.L_overlay_start_1:
0x0: {  	(tag) =	ssettag $0x1  }
0x1: {  	s5 =	rddreg [dreg:$0x0]  }
0x2: {  	s1 =	rddreg [dreg:$0x1]  }
0x3: {  	s0 =	rddreg [dreg:$0x2];
	s2 =	simm.s32 $0x0;
	s17 =	stileid.u32  }
0x4: {  	s4 =	srdreg.scid;
	s11 =	simm.s32 $0x4000;
	s12 =	simm.s32 $0x80  }
0x5: {  	s13 =	simm.s32 $0x100;
	s14 =	simm.s32 $0x180;
	s16 =	simm.s32 $0x280  }
0x6: {  	s18 =	simm.s32 $0x1;
	s22 =	simm.s32 $0x0;
	[smem:$0x7FF] =	sst s2  }
0x7: {  	s3 =	sshll.u32 s17, $0xB;
	s7 =	sand.u32 $0x1, s4;
	s4 =	sadd.s32 $0x15A00, s5  }
0x8: {  	p0 =	seq.s32 s17, $0x0;
	_ =	strace $0x80000047;
	s6 =	sadd.s32 s3, s5  }
0x9: {  	s3 =	sadd.s32 $0x15400, s5;
	s8 =	ssub.s32 $0x2, s7;
	s5 =	sadd.s32 $0x16000, s5  }
0xa: {  	s10 =	sshll.u32 s7, $0xF;
	p1 =	seq.s32 s7, $0x1;
	s15 =	sor.u32 s7, s17  }
0xb: {  	s9 =	sshrl.u32 s8, $0x1;
	s6 =	sadd.s32 s10, s6;
	p0 =	por !p0, !p1  }
0xc: {  	s10 =	simm.s32 $0x50;
	p2 =	sne.s32 s15, $0x0;
	s15 =	simm.s32 $0x200  }
0xd: {  	s8 =	ssub.s32 s8, s9;
	s6 =	sadd.s32 $0x5400, s6;
	p1 =	por !p0, !p0  }
0xe: {  	p0 =	sne.s32 s17, $0x0;
	s9 =	simm.s32 $0x2;
	s19 =	sshll.u32 @!p2 s17, $0x6  }
0xf: {  	s17 =	simm.s32 $0x300;
	s20 =	sshrl.u32 @!p2 s1, $0x3;
	s7 =	smax.u32 s8, $0x1  }
0x10: {  	v0 =	vimm.f32 $1.000000000e+00;
	s8 =	sshrl.u32 @!p0 s1, $0x3;
	s19 =	sor.u32 @!p2 $0x1C02, s19;
	s21 =	sshrl.u32 @p1 s1, $0x3  }
.LBB2_1:
0x11: {  	[tilespmem:$0x4000] =	vst v0  }
0x12: {  	[tilespmem:$0x4010] =	vst v0  }
0x13: {  	[tilespmem:$0x4020] =	vst v0  }
0x14: {  	[tilespmem:$0x4030] =	vst v0  }
0x15: {  	[tilespmem:$0x4040] =	vst v0;
	s23 =	simm.s32 @!p0 $0x1C02  }
0x16: {  	[spmem:s8], [sflag:s23] =	dma.local @!p0 [hbm:s3], $0x4F0  }
0x17: {  	s23 =	simm.s32 @!p0 $0x2  }
0x18: {  	_ =	swait.ge @!p0 [sflag:s23], $0x4F0  }
0x19: {  	[sflag:s23] =	ssyncset.done @!p0 $0x0  }
0x1a: {  	[sflag:s23] =	ssyncadd.s32 @!p0 $0xFFFFFB10  }
0x1b: {  	[tilespmem:s2], [sflag:$0x2] =	stream.linear.gather [hbm4b:s6+s2], $0x3E80, $0x38;
	[tilespmem:$0x42F8] =	vst v63  }
0x1c: {  	_ =	swait.ge [sflag:s9], $0x3E80  }
0x1d: {  	[sflag:s9] =	ssyncset.done $0x0  }
0x1e: {  	[sflag:s9] =	ssyncadd.s32 $0xFFFFC180  }
0x1f: {  	[bflag:$0x0] =	sbarrier.arrive $0xFFFF  }
0x20: {  	[spmem:s1] =	stream.indirect.scatter.add.f32 [tilespmem:s11], [sflag:$0x1], $0x1, s2, s10, $0xb8;
	[tilespmem:$0x42F8] =	vst v63  }
0x21: {  	_ = 	snop  }
0x22: {  	[spmem:s1] =	stream.indirect.scatter.add.f32 [tilespmem:s11], [sflag:$0x1], $0x1, s12, s10, $0xb8;
	[tilespmem:$0x42F8] =	vst v63  }
0x23: {  	_ = 	snop  }
0x24: {  	[spmem:s1] =	stream.indirect.scatter.add.f32 [tilespmem:s11], [sflag:$0x1], $0x1, s13, s10, $0xb8;
	[tilespmem:$0x42F8] =	vst v63  }
0x25: {  	_ = 	snop  }
0x26: {  	[spmem:s1] =	stream.indirect.scatter.add.f32 [tilespmem:s11], [sflag:$0x1], $0x1, s14, s10, $0xb8;
	[tilespmem:$0x42F8] =	vst v63  }
0x27: {  	_ = 	snop  }
0x28: {  	[spmem:s1] =	stream.indirect.scatter.add.f32 [tilespmem:s11], [sflag:$0x1], $0x1, s15, s10, $0xb8;
	[tilespmem:$0x42F8] =	vst v63  }
0x29: {  	_ = 	snop  }
0x2a: {  	[spmem:s1] =	stream.indirect.scatter.add.f32 [tilespmem:s11], [sflag:$0x1], $0x1, s16, s10, $0xb8;
	[tilespmem:$0x42F8] =	vst v63  }
0x2b: {  	_ = 	snop  }
0x2c: {  	[spmem:s1] =	stream.indirect.scatter.add.f32 [tilespmem:s11], [sflag:$0x1], $0x1, s17, s10, $0xb8;
	[tilespmem:$0x42F8] =	vst v63  }
0x2d: {  	s31 =	simm.s32 $0x380  }
0x2e: {  	[spmem:s1] =	stream.indirect.scatter.add.f32 [tilespmem:s11], [sflag:$0x1], $0x1, s31, s10, $0xb8;
	[tilespmem:$0x42F8] =	vst v63  }
0x2f: {  	_ =	swait.ge [sflag:s18], $0x50  }
0x30: {  	s23 =	simm.s32 $0x1000;
	[sflag:s18] =	ssyncset.done $0x0  }
.LBB2_2:
0x31: {  	s24 =	sshra.s32 s23, $0x2;
	[sflag:s18] =	ssyncadd.s32 $0xFFFFFFB0;
	p3 =	sne.s32 s23, $0xF800  }
0x32: {  	[spmem:s1] =	stream.indirect.scatter.add.f32 [tilespmem:s11], [sflag:$0x1], $0x1, s24, s10, $0xb8;
	[tilespmem:$0x42F8] =	vst v63  }
.Ltmp0:
0x33: {  	_ = 	snop;
	(pc) =	sbr.rel @p3 .LBB2_2-.Ltmp0, $4  }
0x34: {  	_ = 	snop  }
0x35: {  	s23 =	sadd.s32 $0x200, s23  }
0x36: {  	_ =	swait.ge [sflag:s18], $0x50  }
0x37: {  	[sflag:s18] =	ssyncset.done $0x0  }
0x38: {  	[sflag:s18] =	ssyncadd.s32 $0xFFFFFFB0  }
0x39: {  	_ =	swait.ge [sflag:s18], $0x50  }
0x3a: {  	[sflag:s18] =	ssyncset.done $0x0  }
0x3b: {  	[sflag:s18] =	ssyncadd.s32 $0xFFFFFFB0  }
0x3c: {  	_ =	swait.ge [sflag:s18], $0x50  }
0x3d: {  	[sflag:s18] =	ssyncset.done $0x0  }
0x3e: {  	[sflag:s18] =	ssyncadd.s32 $0xFFFFFFB0  }
0x3f: {  	_ =	swait.ge [sflag:s18], $0x50  }
0x40: {  	[sflag:s18] =	ssyncset.done $0x0  }
0x41: {  	[sflag:s18] =	ssyncadd.s32 $0xFFFFFFB0  }
0x42: {  	_ =	swait.ge [sflag:s18], $0x50  }
0x43: {  	[sflag:s18] =	ssyncset.done $0x0  }
0x44: {  	[sflag:s18] =	ssyncadd.s32 $0xFFFFFFB0  }
0x45: {  	_ =	swait.ge [sflag:s18], $0x50  }
0x46: {  	[sflag:s18] =	ssyncset.done $0x0  }
0x47: {  	[sflag:s18] =	ssyncadd.s32 $0xFFFFFFB0  }
0x48: {  	_ =	swait.ge [sflag:s18], $0x50  }
0x49: {  	[sflag:s18] =	ssyncset.done $0x0  }
0x4a: {  	[sflag:s18] =	ssyncadd.s32 $0xFFFFFFB0  }
0x4b: {  	_ =	swait.ge [sflag:s18], $0x50  }
0x4c: {  	[sflag:s18] =	ssyncset.done $0x0  }
0x4d: {  	[sflag:s18] =	ssyncadd.s32 $0xFFFFFFB0  }
0x4e: {  	s23 =	simm.s32 @!p2 $0x2;
	[bflag:$0x0] =	sbarrier.arrive $0xFFFF  }
0x4f: {  	[hbm:s4], [sflag:s19] =	dma.local @!p2 [spmem:s20], $0x4F0  }
0x50: {  	_ =	swait.ge @!p2 [sflag:s23], $0x4F0  }
0x51: {  	s22 =	sadd.s32 $0x1, s22;
	[sflag:s23] =	ssyncset.done @!p2 $0x0  }
0x52: {  	p3 =	sne.s32 s22, s7;
	[sflag:s23] =	ssyncadd.s32 @!p2 $0xFFFFFB10;
	s23 =	simm.s32 @p1 $0x1C02  }
0x53: {  	[hbm:s5], [sflag:s23] =	dma.local @p1 [spmem:s21], $0x4F0  }
.Ltmp1:
0x54: {  	_ = 	snop;
	(pc) =	sbr.rel @p3 .LBB2_1-.Ltmp1, $4  }
0x55: {  	s23 =	simm.s32 @p1 $0x2  }
0x56: {  	_ =	swait.ge @p1 [sflag:s23], $0x4F0  }
0x57: {  	[sflag:s23] =	ssyncset.done @p1 $0x0  }
0x58: {  	[sflag:s23] =	ssyncadd.s32 @p1 $0xFFFFFB10  }
0x59: {  	_ =	sfence.sel $0x180000  }
0x5a: {  	[bflag:$0x0] =	sbarrier.arrive $0xFFFF  }
0x5b: {  	_ =	strace $0x90000047  }
0x5c: {  	s0 =	sadd.s32 @!p0 $0x100000, s0;
	[bflag:$0x2] =	sbarrier.arrive $0xFFFF  }
0x5d: {  	[sflag:s0] =	ssyncadd.tile.s32 @!p0 $0x1;
	_ =	shalt  }
.Lfunc_end2:
_tile_overlayer_lowered:
.L_overlay_start_2:
0x5e: {  	(tag) =	ssettag $0x2  }
0x5f: {  	s0 =	rddreg [dreg:$0x0];
	s2 =	stileid.u32  }
0x60: {  	s1 =	rddreg [dreg:$0x1];
	p0 =	sne.s32 s2, $0x0  }
0x61: {  	s3 =	rddreg [dreg:$0x2];
	[bflag:$0x3] =	sbarrier.arrive $0xFFFF;
	s2 =	simm.s32 @!p0 $0x1C02  }
0x62: {  	[timem:s3], [sflag:s2] =	dma.local @!p0 [hbm:s0], s1  }
0x63: {  	s0 =	simm.s32 @!p0 $0x2  }
0x64: {  	_ =	swait.ge @!p0 [sflag:s0], s1  }
0x65: {  	s1 =	ssub.s32 @!p0 $0x0, s1;
	[sflag:s0] =	ssyncset.done @!p0 $0x0  }
0x66: {  	[sflag:s0] =	ssyncadd.s32 @!p0 s1  }
0x67: {  	[bflag:$0x3] =	sbarrier.arrive $0xFFFF  }
0x68: {  	_ =	shalt  }

</sc_bundles>
